<compile_context>
chip_gen: v7x
topology: tpu7x:2x2x1
jax: 0.10.2.dev20260603
libtpu: 0.0.44.dev20260713+nightly
codegen_flags: <defaults>
</compile_context>

<pallas_src>
import dataclasses
import functools

import jax
import jax.numpy as jnp
from jax import lax
from jax.experimental import pallas as pl
from jax.experimental.pallas import tpu as pltpu
from jax.experimental.pallas import tpu_sc as plsc

NNZ = 1048576
D0, D1, D2 = 64, 4096, 256
SLICE_IDX = 10
OUT_N = D1 * D2

NUM_CORES = 2
NUM_SUBCORES = 16
NUM_TILES = NUM_CORES * NUM_SUBCORES
PER_TILE = NNZ // NUM_TILES
CHUNK = 16384
ROWS = CHUNK // 128
NCHUNK = PER_TILE // CHUNK
PER_SUB = OUT_N // NUM_SUBCORES
ZBUF = 4096

_mesh = plsc.VectorSubcoreMesh(core_axis_name="c", subcore_axis_name="s")

_cp = pltpu.CompilerParams()
if "needs_layout_passes" in pltpu.CompilerParams.__dataclass_fields__:
    _cp = dataclasses.replace(_cp, needs_layout_passes=False)


@functools.partial(
    pl.kernel,
    out_type=jax.ShapeDtypeStruct((2 * OUT_N,), jnp.float32),
    mesh=_mesh,
    compiler_params=_cp,
    scratch_types=[
        pltpu.VMEM((2, CHUNK), jnp.int32),
        pltpu.VMEM((CHUNK + 128,), jnp.int32),
        pltpu.VMEM((128,), jnp.int32),
        pltpu.VMEM((128,), jnp.int32),
        pltpu.VMEM((128,), jnp.int32),
        pltpu.VMEM((128,), jnp.float32),
        pltpu.VMEM((128,), jnp.int32),
        pltpu.VMEM((128,), jnp.float32),
        pltpu.VMEM((ZBUF,), jnp.float32),
        pltpu.VMEM_SHARED((OUT_N,), jnp.float32),
        pltpu.SemaphoreType.DMA,
        pltpu.SemaphoreType.DMA,
        pltpu.SemaphoreType.DMA,
        pltpu.SemaphoreType.DMA,
    ],
)
def _sc_scatter(idx0_hbm, idx1_hbm, idx2_hbm, vals_hbm, out_hbm,
                b0, pos_buf, gpos_buf, g1_buf, g2_buf, gv_buf,
                lin_sbuf, val_sbuf, zbuf, accum,
                sem_a, sem_b, ssem_a, ssem_b):
    c = lax.axis_index("c")
    s = lax.axis_index("s")

    zero16 = jnp.zeros((16,), jnp.float32)

    @pl.loop(0, ZBUF, step=16)
    def _(i):
        zbuf[pl.ds(i, 16)] = zero16

    @pl.loop(0, PER_SUB, step=ZBUF)
    def _(k):
        pltpu.sync_copy(zbuf, accum.at[pl.ds(s * PER_SUB + k, ZBUF)])

    plsc.subcore_barrier()

    base = (c * NUM_SUBCORES + s) * PER_TILE
    in_sems = (sem_a, sem_b)
    iota16 = lax.iota(jnp.int32, 16)
    zeros16_i = jnp.zeros((16,), jnp.int32)
    zeros16_f = jnp.zeros((16,), jnp.float32)

    def issue_in(k, b):
        g = base + k * CHUNK
        return [
            pltpu.async_copy(idx0_hbm.at[pl.ds(g, CHUNK)], b0.at[b], in_sems[b]),
        ]

    pending_in = {0: issue_in(0, 0)}
    for k in range(NCHUNK):
        b = k % 2
        for cp in pending_in.pop(k):
            cp.wait()
        if k + 1 < NCHUNK:
            pending_in[k + 1] = issue_in(k + 1, (k + 1) % 2)
        @plsc.parallel_loop(0, CHUNK, step=16, unroll=8,
                            carry=jnp.zeros((16,), jnp.int32))
        def off_v(co, off):
            m = b0[b, pl.ds(co, 16)] == SLICE_IDX
            cs = plsc.cumsum(m.astype(jnp.int32))
            cnt = plsc.all_reduce_population_count(m)
            pos = iota16 + co
            dst = off + cs - 1
            plsc.store_scatter(pos_buf, [dst], pos, mask=m)
            return off + cnt

        for j in range(8):
            plsc.store_scatter(pos_buf, [off_v + (iota16 + (j * 16))],
                               zeros16_i)

        cnt_sc = jnp.max(off_v)
        nblk = (cnt_sc + 127) >> 7

        gbase = base + k * CHUNK

        @pl.loop(0, nblk)
        def _(j):
            o = j * 128
            for ii in range(8):
                gpos_buf[pl.ds(ii * 16, 16)] = (
                    pos_buf[pl.ds(o + ii * 16, 16)] + gbase)
            h1 = pltpu.async_copy(idx1_hbm.at[gpos_buf], g1_buf, in_sems[b])
            h2 = pltpu.async_copy(idx2_hbm.at[gpos_buf], g2_buf, in_sems[b])
            h3 = pltpu.async_copy(vals_hbm.at[gpos_buf], gv_buf, in_sems[b])
            h1.wait()
            h2.wait()
            h3.wait()
            for ii in range(8):
                lo = o + ii * 16
                sl = pl.ds(ii * 16, 16)
                vmask = (iota16 + lo) < off_v
                val = jnp.where(vmask, gv_buf[sl], 0.0)
                lin = (g1_buf[sl] << 8) | g2_buf[sl]
                lin_sbuf[sl] = lin
                val_sbuf[sl] = val
            pltpu.sync_copy(val_sbuf, accum.at[lin_sbuf], add=True)

    plsc.subcore_barrier()

    pltpu.sync_copy(accum.at[pl.ds(s * PER_SUB, PER_SUB)],
                    out_hbm.at[pl.ds(c * OUT_N + s * PER_SUB, PER_SUB)])


def _combine_body(a_ref, b_ref, o_ref):
    s = a_ref[...] + b_ref[...]
    o_ref[...] = s.reshape(o_ref.shape)


def kernel(idx0, idx1, idx2, values):
    partials = _sc_scatter(idx0, idx1, idx2, values)
    nrow = D1 * D2 // 128
    p = partials.reshape(2 * nrow, 128)
    nblk = 2
    rb = nrow // nblk
    out = pl.pallas_call(
        _combine_body,
        grid=(nblk,),
        in_specs=[
            pl.BlockSpec((rb, 128), lambda i: (i, 0)),
            pl.BlockSpec((rb, 128), lambda i: (i + nblk, 0)),
        ],
        out_specs=pl.BlockSpec((D1 // nblk, D2), lambda i: (i, 0)),
        out_shape=jax.ShapeDtypeStruct((D1, D2), jnp.float32),
    )(p, p)
    return out.reshape(1, D1, D2)

# --- scband reference (transcript-rebuilt; emitter-appended) ---
"""Pipeline reference for scband-my-model-61933428408982 (READ-ONLY COPY).

The authoritative reference and input builder live on the scoring server;
editing this copy changes nothing except your own understanding.
"""

import jax, jax.numpy as jnp
import numpy as np

NNZ = 1048576
D0, D1, D2 = 64, 4096, 256
SLICE_IDX = 10

def setup_inputs(seed: int = 0) -> dict:
    key = jax.random.key(seed)
    k0, k1, k2, k3 = jax.random.split(key, 4)
    idx0 = jax.random.randint(k0, (NNZ,), 0, D0, dtype=jnp.int32)
    idx1 = jax.random.randint(k1, (NNZ,), 0, D1, dtype=jnp.int32)
    idx2 = jax.random.randint(k2, (NNZ,), 0, D2, dtype=jnp.int32)
    values = jax.random.normal(k3, (NNZ,), dtype=jnp.float32)
    return {"idx0": idx0, "idx1": idx1, "idx2": idx2, "values": values}

def reference(idx0, idx1, idx2, values):
    # Faithful translation of slice_torch_sparse_coo_tensor([10, ':', ':']) + to_dense():
    # - dim0 integer slice keeps entries with idx0 == 10, then zeros out dim0 index
    # - ':' slices on dims 1,2 keep all entries within [min, max] of present indices,
    #   which for full ranges keeps everything
    # - sparse_coo_tensor(...).coalesce().to_dense() sums duplicate coordinates,
    #   equivalent to a scatter-add into a zero dense tensor of shape [1, D1, D2]
    mask = (idx0 == SLICE_IDX)
    vals = jnp.where(mask, values, jnp.zeros_like(values))
    out = jnp.zeros((1, D1, D2), dtype=values.dtype).at[0, idx1, idx2].add(vals)
    return out

if __name__ == "__main__":
    import jax
    _d = setup_inputs()
    print(jax.jit(kernel)(*tuple(_d.values())))

</pallas_src>

<mosaic_0001>
#map = affine_map<(d0, d1) -> (0)>
module attributes {stable_mosaic.version = 14 : i64} {
  func.func @_sc_scatter(%arg0: i32, %arg1: i32, %arg2: memref<1048576xi32, #tpu.memory_space<hbm>>, %arg3: memref<1048576xi32, #tpu.memory_space<hbm>>, %arg4: memref<1048576xi32, #tpu.memory_space<hbm>>, %arg5: memref<1048576xf32, #tpu.memory_space<hbm>>, %arg6: memref<2097152xf32, #tpu.memory_space<hbm>>, %arg7: memref<2x16384xi32, #tpu.memory_space<vmem>>, %arg8: memref<16512xi32, #tpu.memory_space<vmem>>, %arg9: memref<128xi32, #tpu.memory_space<vmem>>, %arg10: memref<128xi32, #tpu.memory_space<vmem>>, %arg11: memref<128xi32, #tpu.memory_space<vmem>>, %arg12: memref<128xf32, #tpu.memory_space<vmem>>, %arg13: memref<128xi32, #tpu.memory_space<vmem>>, %arg14: memref<128xf32, #tpu.memory_space<vmem>>, %arg15: memref<4096xf32, #tpu.memory_space<vmem>>, %arg16: memref<1048576xf32, #tpu.memory_space<vmem_shared>>, %arg17: memref<!tpu.dma_semaphore, #tpu.memory_space<semaphore_mem>>, %arg18: memref<!tpu.dma_semaphore, #tpu.memory_space<semaphore_mem>>, %arg19: memref<!tpu.dma_semaphore, #tpu.memory_space<semaphore_mem>>, %arg20: memref<!tpu.dma_semaphore, #tpu.memory_space<semaphore_mem>>) attributes {dimension_semantics = [#tpu.dimension_semantics<core_parallel>, #tpu.dimension_semantics<subcore_parallel>], iteration_bounds = array<i64: 2, 16>, scalar_prefetch = 0 : i64, scratch_operands = 14 : i64, tpu.core_type = #tpu.core_type<sc_vector_subcore>, window_params = [{transform_indices = #map}, {transform_indices = #map}, {transform_indices = #map}, {transform_indices = #map}, {transform_indices = #map}]} {
    %broadcast_in_dim3A = arith.constant 0.000000e+00 : f32
    %broadcast_in_dim3A_0 = vector.broadcast %broadcast_in_dim3A : f32 to vector<16xf32>
    %scan3A = arith.constant 0 : i32
    %scan3A_1 = arith.constant 256 : i32
    %scan3A_2 = arith.addi %scan3A, %scan3A_1 : i32
    %scan3A_3 = arith.constant 1 : i32
    scf.for %scan3A_199 = %scan3A to %scan3A_2 step %scan3A_3  : i32 {
      %mul3A_200 = arith.constant 16 : i32
      %mul3A_201 = arith.muli %scan3A_199, %mul3A_200 : i32
      %add3A_202 = arith.constant 0 : i32
      %add3A_203 = arith.addi %add3A_202, %mul3A_201 : i32
      %swap3A = arith.index_cast %add3A_203 : i32 to index
      %swap3A_204 = tpu.vector_load %arg15[%swap3A] {strides = array<i32>} : memref<4096xf32, #tpu.memory_space<vmem>>, vector<16xf32>,
      tpu.vector_store %arg15[%swap3A], %broadcast_in_dim3A_0 {strides = array<i32>} : memref<4096xf32, #tpu.memory_space<vmem>>, vector<16xf32>,
    }
    %scan3A_4 = arith.constant 256 : i32
    %scan3A_5 = arith.constant 0 : i32
    %scan3A_6 = arith.constant 16 : i32
    %scan3A_7 = arith.addi %scan3A_5, %scan3A_6 : i32
    %scan3A_8 = arith.constant 1 : i32
    scf.for %scan3A_199 = %scan3A_5 to %scan3A_7 step %scan3A_8  : i32 {
      %mul3A_200 = arith.constant 4096 : i32
      %mul3A_201 = arith.muli %scan3A_199, %mul3A_200 : i32
      %add3A_202 = arith.constant 0 : i32
      %add3A_203 = arith.addi %add3A_202, %mul3A_201 : i32
      %mul3A_204 = arith.constant 65536 : i32
      %mul3A_205 = arith.muli %arg1, %mul3A_204 : i32
      %add3A_206 = arith.addi %mul3A_205, %add3A_203 : i32
      "tpu.region"() ({
        %run_scoped3A = tpu.sem_alloc : memref<!tpu.dma_semaphore, #tpu.memory_space<semaphore_mem>>
        %dma_start3A_207 = tpu.memref_slice %arg16[%add3A_206] : memref<1048576xf32, #tpu.memory_space<vmem_shared>> -> memref<4096xf32, #tpu.memory_space<vmem_shared>>
        %dma_start3A_208 = tpu.memref_slice %arg16[%add3A_206] : memref<1048576xf32, #tpu.memory_space<vmem_shared>> -> memref<4096xf32, #tpu.memory_space<vmem_shared>>
        tpu.enqueue_dma source(%arg15 : memref<4096xf32, #tpu.memory_space<vmem>>) target(%dma_start3A_208 : memref<4096xf32, #tpu.memory_space<vmem_shared>>) target_semaphore(%run_scoped3A : memref<!tpu.dma_semaphore, #tpu.memory_space<semaphore_mem>>)
        %dma_wait3A_209 = tpu.memref_slice %arg16[%add3A_206] : memref<1048576xf32, #tpu.memory_space<vmem_shared>> -> memref<4096xf32, #tpu.memory_space<vmem_shared>>
        %dma_wait3A_210 = tpu.memref_slice %arg16[%add3A_206] : memref<1048576xf32, #tpu.memory_space<vmem_shared>> -> memref<4096xf32, #tpu.memory_space<vmem_shared>>
        tpu.wait_dma2 semaphore(%run_scoped3A : memref<!tpu.dma_semaphore, #tpu.memory_space<semaphore_mem>>) src(%arg15 : memref<4096xf32, #tpu.memory_space<vmem>>) dst(%dma_wait3A_210 : memref<4096xf32, #tpu.memory_space<vmem_shared>>)
        tpu.yield
      }) : () -> ()
    }
    %scan3A_9 = arith.constant 16 : i32
    %barrier3A = arith.constant 0 : index
    tpu.barrier barrier_id(%barrier3A)
    %mul3A = arith.constant 16 : i32
    %mul3A_10 = arith.muli %arg0, %mul3A : i32
    %add3A = arith.addi %mul3A_10, %arg1 : i32
    %mul3A_11 = arith.constant 32768 : i32
    %mul3A_12 = arith.muli %add3A, %mul3A_11 : i32
    %iota3A = tpu.iota {dimensions = array<i32: 0>} : vector<16xi32>
    %broadcast_in_dim3A_13 = arith.constant 0 : i32
    %broadcast_in_dim3A_14 = vector.broadcast %broadcast_in_dim3A_13 : i32 to vector<16xi32>
    %broadcast_in_dim3A_15 = arith.constant 0.000000e+00 : f32
    %broadcast_in_dim3A_16 = vector.broadcast %broadcast_in_dim3A_15 : f32 to vector<16xf32>
    %add3A_17 = arith.constant 0 : i32
    %add3A_18 = arith.addi %mul3A_12, %add3A_17 : i32
    %dma_start3A = arith.constant 0 : i32
    %dma_start3A_19 = arith.constant 0 : i32
    %dma_start3A_20 = tpu.memref_slice %arg7[%dma_start3A, %dma_start3A_19] : memref<2x16384xi32, #tpu.memory_space<vmem>> -> memref<1x16384xi32, #tpu.memory_space<vmem>>
    %dma_start3A_21 = tpu.memref_squeeze %dma_start3A_20 : memref<1x16384xi32, #tpu.memory_space<vmem>> -> memref<16384xi32, #tpu.memory_space<vmem>>
    %dma_start3A_22 = tpu.memref_slice %arg2[%add3A_18] : memref<1048576xi32, #tpu.memory_space<hbm>> -> memref<16384xi32, #tpu.memory_space<hbm>>
    %dma_start3A_23 = arith.constant 0 : i32
    %dma_start3A_24 = tpu.memref_slice %arg7[%dma_start3A, %dma_start3A_23] : memref<2x16384xi32, #tpu.memory_space<vmem>> -> memref<1x16384xi32, #tpu.memory_space<vmem>>
    %dma_start3A_25 = tpu.memref_squeeze %dma_start3A_24 : memref<1x16384xi32, #tpu.memory_space<vmem>> -> memref<16384xi32, #tpu.memory_space<vmem>>
    %dma_start3A_26 = tpu.memref_slice %arg2[%add3A_18] : memref<1048576xi32, #tpu.memory_space<hbm>> -> memref<16384xi32, #tpu.memory_space<hbm>>
    tpu.enqueue_dma source(%dma_start3A_26 : memref<16384xi32, #tpu.memory_space<hbm>>) target(%dma_start3A_25 : memref<16384xi32, #tpu.memory_space<vmem>>) target_semaphore(%arg17 : memref<!tpu.dma_semaphore, #tpu.memory_space<semaphore_mem>>)
    %dma_wait3A = arith.constant 0 : i32
    %dma_wait3A_27 = arith.constant 0 : i32
    %dma_wait3A_28 = tpu.memref_slice %arg7[%dma_wait3A, %dma_wait3A_27] : memref<2x16384xi32, #tpu.memory_space<vmem>> -> memref<1x16384xi32, #tpu.memory_space<vmem>>
    %dma_wait3A_29 = tpu.memref_squeeze %dma_wait3A_28 : memref<1x16384xi32, #tpu.memory_space<vmem>> -> memref<16384xi32, #tpu.memory_space<vmem>>
    %dma_wait3A_30 = tpu.memref_slice %arg2[%add3A_18] : memref<1048576xi32, #tpu.memory_space<hbm>> -> memref<16384xi32, #tpu.memory_space<hbm>>
    %dma_wait3A_31 = arith.constant 0 : i32
    %dma_wait3A_32 = tpu.memref_slice %arg7[%dma_wait3A, %dma_wait3A_31] : memref<2x16384xi32, #tpu.memory_space<vmem>> -> memref<1x16384xi32, #tpu.memory_space<vmem>>
    %dma_wait3A_33 = tpu.memref_squeeze %dma_wait3A_32 : memref<1x16384xi32, #tpu.memory_space<vmem>> -> memref<16384xi32, #tpu.memory_space<vmem>>
    %dma_wait3A_34 = tpu.memref_slice %arg2[%add3A_18] : memref<1048576xi32, #tpu.memory_space<hbm>> -> memref<16384xi32, #tpu.memory_space<hbm>>
    tpu.wait_dma2 semaphore(%arg17 : memref<!tpu.dma_semaphore, #tpu.memory_space<semaphore_mem>>) src(%dma_wait3A_34 : memref<16384xi32, #tpu.memory_space<hbm>>) dst(%dma_wait3A_33 : memref<16384xi32, #tpu.memory_space<vmem>>)
    %add3A_35 = arith.constant 16384 : i32
    %add3A_36 = arith.addi %mul3A_12, %add3A_35 : i32
    %dma_start3A_37 = arith.constant 1 : i32
    %dma_start3A_38 = arith.constant 0 : i32
    %dma_start3A_39 = tpu.memref_slice %arg7[%dma_start3A_37, %dma_start3A_38] : memref<2x16384xi32, #tpu.memory_space<vmem>> -> memref<1x16384xi32, #tpu.memory_space<vmem>>
    %dma_start3A_40 = tpu.memref_squeeze %dma_start3A_39 : memref<1x16384xi32, #tpu.memory_space<vmem>> -> memref<16384xi32, #tpu.memory_space<vmem>>
    %dma_start3A_41 = tpu.memref_slice %arg2[%add3A_36] : memref<1048576xi32, #tpu.memory_space<hbm>> -> memref<16384xi32, #tpu.memory_space<hbm>>
    %dma_start3A_42 = arith.constant 0 : i32
    %dma_start3A_43 = tpu.memref_slice %arg7[%dma_start3A_37, %dma_start3A_42] : memref<2x16384xi32, #tpu.memory_space<vmem>> -> memref<1x16384xi32, #tpu.memory_space<vmem>>
    %dma_start3A_44 = tpu.memref_squeeze %dma_start3A_43 : memref<1x16384xi32, #tpu.memory_space<vmem>> -> memref<16384xi32, #tpu.memory_space<vmem>>
    %dma_start3A_45 = tpu.memref_slice %arg2[%add3A_36] : memref<1048576xi32, #tpu.memory_space<hbm>> -> memref<16384xi32, #tpu.memory_space<hbm>>
    tpu.enqueue_dma source(%dma_start3A_45 : memref<16384xi32, #tpu.memory_space<hbm>>) target(%dma_start3A_44 : memref<16384xi32, #tpu.memory_space<vmem>>) target_semaphore(%arg18 : memref<!tpu.dma_semaphore, #tpu.memory_space<semaphore_mem>>)
    %broadcast_in_dim3A_46 = arith.constant 0 : i32
    %broadcast_in_dim3A_47 = vector.broadcast %broadcast_in_dim3A_46 : i32 to vector<16xi32>
    %parallel_loop3A = arith.constant 0 : i32
    %parallel_loop3A_48 = arith.constant 16384 : i32
    %parallel_loop3A_49 = arith.constant 16 : i32
    %parallel_loop3A_50 = scf.for %parallel_loop3A_199 = %parallel_loop3A to %parallel_loop3A_48 step %parallel_loop3A_49 iter_args(%parallel_loop3A_200 = %broadcast_in_dim3A_47) -> (vector<16xi32>)  : i32 {
      %parallel_loop3A_201 = arith.constant 0 : i32
      %parallel_loop3A_202 = arith.index_cast %parallel_loop3A_201 : i32 to index
      %parallel_loop3A_203 = arith.index_cast %parallel_loop3A_199 : i32 to index
      %parallel_loop3A_204 = tpu.vector_load %arg7[%parallel_loop3A_202, %parallel_loop3A_203] {strides = array<i32>} : memref<2x16384xi32, #tpu.memory_space<vmem>>, vector<16xi32>,
      %parallel_loop3A_205 = arith.constant 10 : i32
      %parallel_loop3A_206 = vector.broadcast %parallel_loop3A_205 : i32 to vector<16xi32>
      %parallel_loop3A_207 = arith.cmpi eq, %parallel_loop3A_204, %parallel_loop3A_206 : vector<16xi32>
      %parallel_loop3A_208 = arith.extui %parallel_loop3A_207 : vector<16xi1> to vector<16xi32>
      %parallel_loop3A_209 = arith.constant true
      %parallel_loop3A_210 = vector.broadcast %parallel_loop3A_209 : i1 to vector<16xi1>
      %parallel_loop3A_211 = tpu.scan <sum>, %parallel_loop3A_208 masked %parallel_loop3A_210 : vector<16xi32>, vector<16xi1> -> vector<16xi32>
      %parallel_loop3A_212 = tpu.all_reduce %parallel_loop3A_207 {dim = 0 : i64, kind = #tpu.reduction_kind<sum>} : vector<16xi1> -> vector<16xi32>
      %parallel_loop3A_213 = vector.broadcast %parallel_loop3A_199 : i32 to vector<16xi32>
      %parallel_loop3A_214 = arith.addi %iota3A, %parallel_loop3A_213 : vector<16xi32>
      %parallel_loop3A_215 = arith.addi %parallel_loop3A_200, %parallel_loop3A_211 : vector<16xi32>
      %parallel_loop3A_216 = arith.constant 1 : i32
      %parallel_loop3A_217 = vector.broadcast %parallel_loop3A_216 : i32 to vector<16xi32>
      %parallel_loop3A_218 = arith.subi %parallel_loop3A_215, %parallel_loop3A_217 : vector<16xi32>
      tpu.vector_store_idx %arg8[%parallel_loop3A_218], %parallel_loop3A_214 masked %parallel_loop3A_207 : memref<16512xi32, #tpu.memory_space<vmem>>[vector<16xi32>], vector<16xi32>, vector<16xi1>
      %parallel_loop3A_219 = arith.addi %parallel_loop3A_200, %parallel_loop3A_212 : vector<16xi32>
      scf.yield %parallel_loop3A_219 : vector<16xi32>
    } {sc.loop_unroll_factor = 8 : i64, sc.parallel_access}
    %add3A_51 = arith.constant 0 : i32
    %add3A_52 = vector.broadcast %add3A_51 : i32 to vector<16xi32>
    %add3A_53 = arith.addi %iota3A, %add3A_52 : vector<16xi32>
    %add3A_54 = arith.addi %parallel_loop3A_50, %add3A_53 : vector<16xi32>
    tpu.vector_store_idx %arg8[%add3A_54], %broadcast_in_dim3A_14 : memref<16512xi32, #tpu.memory_space<vmem>>[vector<16xi32>], vector<16xi32>,
    %add3A_55 = arith.constant 16 : i32
    %add3A_56 = vector.broadcast %add3A_55 : i32 to vector<16xi32>
    %add3A_57 = arith.addi %iota3A, %add3A_56 : vector<16xi32>
    %add3A_58 = arith.addi %parallel_loop3A_50, %add3A_57 : vector<16xi32>
    tpu.vector_store_idx %arg8[%add3A_58], %broadcast_in_dim3A_14 : memref<16512xi32, #tpu.memory_space<vmem>>[vector<16xi32>], vector<16xi32>,
    %add3A_59 = arith.constant 32 : i32
    %add3A_60 = vector.broadcast %add3A_59 : i32 to vector<16xi32>
    %add3A_61 = arith.addi %iota3A, %add3A_60 : vector<16xi32>
    %add3A_62 = arith.addi %parallel_loop3A_50, %add3A_61 : vector<16xi32>
    tpu.vector_store_idx %arg8[%add3A_62], %broadcast_in_dim3A_14 : memref<16512xi32, #tpu.memory_space<vmem>>[vector<16xi32>], vector<16xi32>,
    %add3A_63 = arith.constant 48 : i32
    %add3A_64 = vector.broadcast %add3A_63 : i32 to vector<16xi32>
    %add3A_65 = arith.addi %iota3A, %add3A_64 : vector<16xi32>
    %add3A_66 = arith.addi %parallel_loop3A_50, %add3A_65 : vector<16xi32>
    tpu.vector_store_idx %arg8[%add3A_66], %broadcast_in_dim3A_14 : memref<16512xi32, #tpu.memory_space<vmem>>[vector<16xi32>], vector<16xi32>,
    %add3A_67 = arith.constant 64 : i32
    %add3A_68 = vector.broadcast %add3A_67 : i32 to vector<16xi32>
    %add3A_69 = arith.addi %iota3A, %add3A_68 : vector<16xi32>
    %add3A_70 = arith.addi %parallel_loop3A_50, %add3A_69 : vector<16xi32>
    tpu.vector_store_idx %arg8[%add3A_70], %broadcast_in_dim3A_14 : memref<16512xi32, #tpu.memory_space<vmem>>[vector<16xi32>], vector<16xi32>,
    %add3A_71 = arith.constant 80 : i32
    %add3A_72 = vector.broadcast %add3A_71 : i32 to vector<16xi32>
    %add3A_73 = arith.addi %iota3A, %add3A_72 : vector<16xi32>
    %add3A_74 = arith.addi %parallel_loop3A_50, %add3A_73 : vector<16xi32>
    tpu.vector_store_idx %arg8[%add3A_74], %broadcast_in_dim3A_14 : memref<16512xi32, #tpu.memory_space<vmem>>[vector<16xi32>], vector<16xi32>,
    %add3A_75 = arith.constant 96 : i32
    %add3A_76 = vector.broadcast %add3A_75 : i32 to vector<16xi32>
    %add3A_77 = arith.addi %iota3A, %add3A_76 : vector<16xi32>
    %add3A_78 = arith.addi %parallel_loop3A_50, %add3A_77 : vector<16xi32>
    tpu.vector_store_idx %arg8[%add3A_78], %broadcast_in_dim3A_14 : memref<16512xi32, #tpu.memory_space<vmem>>[vector<16xi32>], vector<16xi32>,
    %add3A_79 = arith.constant 112 : i32
    %add3A_80 = vector.broadcast %add3A_79 : i32 to vector<16xi32>
    %add3A_81 = arith.addi %iota3A, %add3A_80 : vector<16xi32>
    %add3A_82 = arith.addi %parallel_loop3A_50, %add3A_81 : vector<16xi32>
    tpu.vector_store_idx %arg8[%add3A_82], %broadcast_in_dim3A_14 : memref<16512xi32, #tpu.memory_space<vmem>>[vector<16xi32>], vector<16xi32>,
    %reduce_max3A = arith.constant true
    %reduce_max3A_83 = vector.broadcast %reduce_max3A : i1 to vector<16xi1>
    %reduce_max3A_84 = arith.constant -2147483648 : i32
    %reduce_max3A_85 = vector.broadcast %reduce_max3A_84 : i32 to vector<16xi32>
    %reduce_max3A_86 = arith.xori %parallel_loop3A_50, %reduce_max3A_85 : vector<16xi32>
    %reduce_max3A_87 = tpu.scan <max>, %reduce_max3A_86 masked %reduce_max3A_83 : vector<16xi32>, vector<16xi1> -> vector<16xi32>
    %reduce_max3A_88 = arith.xori %reduce_max3A_87, %reduce_max3A_85 : vector<16xi32>
    %reduce_max3A_89 = vector.extract %reduce_max3A_88[15] : i32 from vector<16xi32>
    %add3A_90 = arith.constant 127 : i32
    %add3A_91 = arith.addi %reduce_max3A_89, %add3A_90 : i32
    %shift_right_arithmetic3A = arith.constant 7 : i32
    %shift_right_arithmetic3A_92 = arith.shrsi %add3A_91, %shift_right_arithmetic3A : i32
    %add3A_93 = arith.constant 0 : i32
    %add3A_94 = arith.addi %mul3A_12, %add3A_93 : i32
    %sub3A = arith.constant 0 : i32
    %sub3A_95 = arith.subi %shift_right_arithmetic3A_92, %sub3A : i32
    %sub3A_96 = arith.constant 1 : i32
    %sub3A_97 = arith.constant 1 : i32
    %sub3A_98 = arith.subi %sub3A_96, %sub3A_97 : i32
    %add3A_99 = arith.addi %sub3A_95, %sub3A_98 : i32
    %div3A = arith.constant 1 : i32
    %div3A_100 = arith.divsi %add3A_99, %div3A : i32
    %while3A = arith.constant 1 : i32
    %while3A_101 = arith.constant 0 : i32
    %while3A_102 = arith.constant 0 : i32
    %while3A_103 = arith.subi %div3A_100, %while3A_102 : i32
    %while3A_104 = arith.addi %while3A_102, %while3A_103 : i32
    %while3A_105 = arith.constant 1 : i32
    %while3A_106 = arith.divsi %while3A_103, %while3A_105 : i32
    %while3A_107 = arith.muli %while3A_106, %while3A_105 : i32
    %while3A_108 = arith.addi %while3A_102, %while3A_107 : i32
    %while3A_109 = arith.constant 1 : i32
    scf.for %while3A_199 = %while3A_102 to %while3A_108 step %while3A_109  : i32 {
      %mul3A_200 = arith.muli %while3A_199, %while3A : i32
      %add3A_201 = arith.addi %while3A_101, %mul3A_200 : i32
      %mul3A_202 = arith.constant 128 : i32
      %mul3A_203 = arith.muli %add3A_201, %mul3A_202 : i32
      %add3A_204 = arith.constant 0 : i32
      %add3A_205 = arith.addi %mul3A_203, %add3A_204 : i32
      %get3A = arith.index_cast %add3A_205 : i32 to index
      %get3A_206 = tpu.vector_load %arg8[%get3A] {strides = array<i32>} : memref<16512xi32, #tpu.memory_space<vmem>>, vector<16xi32>,
      %add3A_207 = vector.broadcast %add3A_94 : i32 to vector<16xi32>
      %add3A_208 = arith.addi %get3A_206, %add3A_207 : vector<16xi32>
      %swap3A = arith.constant 0 : index
      %swap3A_209 = tpu.vector_load %arg9[%swap3A] {strides = array<i32>} : memref<128xi32, #tpu.memory_space<vmem>>, vector<16xi32>,
      tpu.vector_store %arg9[%swap3A], %add3A_208 {strides = array<i32>} : memref<128xi32, #tpu.memory_space<vmem>>, vector<16xi32>,
      %add3A_210 = arith.constant 16 : i32
      %add3A_211 = arith.addi %mul3A_203, %add3A_210 : i32
      %get3A_212 = arith.index_cast %add3A_211 : i32 to index
      %get3A_213 = tpu.vector_load %arg8[%get3A_212] {strides = array<i32>} : memref<16512xi32, #tpu.memory_space<vmem>>, vector<16xi32>,
      %add3A_214 = vector.broadcast %add3A_94 : i32 to vector<16xi32>
      %add3A_215 = arith.addi %get3A_213, %add3A_214 : vector<16xi32>
      %swap3A_216 = arith.constant 16 : index
      %swap3A_217 = tpu.vector_load %arg9[%swap3A_216] {strides = array<i32>} : memref<128xi32, #tpu.memory_space<vmem>>, vector<16xi32>,
      tpu.vector_store %arg9[%swap3A_216], %add3A_215 {strides = array<i32>} : memref<128xi32, #tpu.memory_space<vmem>>, vector<16xi32>,
      %add3A_218 = arith.constant 32 : i32
      %add3A_219 = arith.addi %mul3A_203, %add3A_218 : i32
      %get3A_220 = arith.index_cast %add3A_219 : i32 to index
      %get3A_221 = tpu.vector_load %arg8[%get3A_220] {strides = array<i32>} : memref<16512xi32, #tpu.memory_space<vmem>>, vector<16xi32>,
      %add3A_222 = vector.broadcast %add3A_94 : i32 to vector<16xi32>
      %add3A_223 = arith.addi %get3A_221, %add3A_222 : vector<16xi32>
      %swap3A_224 = arith.constant 32 : index
      %swap3A_225 = tpu.vector_load %arg9[%swap3A_224] {strides = array<i32>} : memref<128xi32, #tpu.memory_space<vmem>>, vector<16xi32>,
      tpu.vector_store %arg9[%swap3A_224], %add3A_223 {strides = array<i32>} : memref<128xi32, #tpu.memory_space<vmem>>, vector<16xi32>,
      %add3A_226 = arith.constant 48 : i32
      %add3A_227 = arith.addi %mul3A_203, %add3A_226 : i32
      %get3A_228 = arith.index_cast %add3A_227 : i32 to index
      %get3A_229 = tpu.vector_load %arg8[%get3A_228] {strides = array<i32>} : memref<16512xi32, #tpu.memory_space<vmem>>, vector<16xi32>,
      %add3A_230 = vector.broadcast %add3A_94 : i32 to vector<16xi32>
      %add3A_231 = arith.addi %get3A_229, %add3A_230 : vector<16xi32>
      %swap3A_232 = arith.constant 48 : index
      %swap3A_233 = tpu.vector_load %arg9[%swap3A_232] {strides = array<i32>} : memref<128xi32, #tpu.memory_space<vmem>>, vector<16xi32>,
      tpu.vector_store %arg9[%swap3A_232], %add3A_231 {strides = array<i32>} : memref<128xi32, #tpu.memory_space<vmem>>, vector<16xi32>,
      %add3A_234 = arith.constant 64 : i32
      %add3A_235 = arith.addi %mul3A_203, %add3A_234 : i32
      %get3A_236 = arith.index_cast %add3A_235 : i32 to index
      %get3A_237 = tpu.vector_load %arg8[%get3A_236] {strides = array<i32>} : memref<16512xi32, #tpu.memory_space<vmem>>, vector<16xi32>,
      %add3A_238 = vector.broadcast %add3A_94 : i32 to vector<16xi32>
      %add3A_239 = arith.addi %get3A_237, %add3A_238 : vector<16xi32>
      %swap3A_240 = arith.constant 64 : index
      %swap3A_241 = tpu.vector_load %arg9[%swap3A_240] {strides = array<i32>} : memref<128xi32, #tpu.memory_space<vmem>>, vector<16xi32>,
      tpu.vector_store %arg9[%swap3A_240], %add3A_239 {strides = array<i32>} : memref<128xi32, #tpu.memory_space<vmem>>, vector<16xi32>,
      %add3A_242 = arith.constant 80 : i32
      %add3A_243 = arith.addi %mul3A_203, %add3A_242 : i32
      %get3A_244 = arith.index_cast %add3A_243 : i32 to index
      %get3A_245 = tpu.vector_load %arg8[%get3A_244] {strides = array<i32>} : memref<16512xi32, #tpu.memory_space<vmem>>, vector<16xi32>,
      %add3A_246 = vector.broadcast %add3A_94 : i32 to vector<16xi32>
      %add3A_247 = arith.addi %get3A_245, %add3A_246 : vector<16xi32>
      %swap3A_248 = arith.constant 80 : index
      %swap3A_249 = tpu.vector_load %arg9[%swap3A_248] {strides = array<i32>} : memref<128xi32, #tpu.memory_space<vmem>>, vector<16xi32>,
      tpu.vector_store %arg9[%swap3A_248], %add3A_247 {strides = array<i32>} : memref<128xi32, #tpu.memory_space<vmem>>, vector<16xi32>,
      %add3A_250 = arith.constant 96 : i32
      %add3A_251 = arith.addi %mul3A_203, %add3A_250 : i32
      %get3A_252 = arith.index_cast %add3A_251 : i32 to index
      %get3A_253 = tpu.vector_load %arg8[%get3A_252] {strides = array<i32>} : memref<16512xi32, #tpu.memory_space<vmem>>, vector<16xi32>,
      %add3A_254 = vector.broadcast %add3A_94 : i32 to vector<16xi32>
      %add3A_255 = arith.addi %get3A_253, %add3A_254 : vector<16xi32>
      %swap3A_256 = arith.constant 96 : index
      %swap3A_257 = tpu.vector_load %arg9[%swap3A_256] {strides = array<i32>} : memref<128xi32, #tpu.memory_space<vmem>>, vector<16xi32>,
      tpu.vector_store %arg9[%swap3A_256], %add3A_255 {strides = array<i32>} : memref<128xi32, #tpu.memory_space<vmem>>, vector<16xi32>,
      %add3A_258 = arith.constant 112 : i32
      %add3A_259 = arith.addi %mul3A_203, %add3A_258 : i32
      %get3A_260 = arith.index_cast %add3A_259 : i32 to index
      %get3A_261 = tpu.vector_load %arg8[%get3A_260] {strides = array<i32>} : memref<16512xi32, #tpu.memory_space<vmem>>, vector<16xi32>,
      %add3A_262 = vector.broadcast %add3A_94 : i32 to vector<16xi32>
      %add3A_263 = arith.addi %get3A_261, %add3A_262 : vector<16xi32>
      %swap3A_264 = arith.constant 112 : index
      %swap3A_265 = tpu.vector_load %arg9[%swap3A_264] {strides = array<i32>} : memref<128xi32, #tpu.memory_space<vmem>>, vector<16xi32>,
      tpu.vector_store %arg9[%swap3A_264], %add3A_263 {strides = array<i32>} : memref<128xi32, #tpu.memory_space<vmem>>, vector<16xi32>,
      %dma_start3A_266 = arith.constant 0 : i32
      %dma_start3A_267 = tpu.memref_slice %arg3[%dma_start3A_266] : memref<1048576xi32, #tpu.memory_space<hbm>> -> memref<1048576xi32, #tpu.memory_space<hbm>>
      tpu.enqueue_indirect_dma source(%dma_start3A_267 : memref<1048576xi32, #tpu.memory_space<hbm>>) target(%arg10 : memref<128xi32, #tpu.memory_space<vmem>>) offsets(%arg9 : memref<128xi32, #tpu.memory_space<vmem>>) semaphore(%arg17 : memref<!tpu.dma_semaphore, #tpu.memory_space<semaphore_mem>>)
      %dma_start3A_268 = arith.constant 0 : i32
      %dma_start3A_269 = tpu.memref_slice %arg4[%dma_start3A_268] : memref<1048576xi32, #tpu.memory_space<hbm>> -> memref<1048576xi32, #tpu.memory_space<hbm>>
      tpu.enqueue_indirect_dma source(%dma_start3A_269 : memref<1048576xi32, #tpu.memory_space<hbm>>) target(%arg11 : memref<128xi32, #tpu.memory_space<vmem>>) offsets(%arg9 : memref<128xi32, #tpu.memory_space<vmem>>) semaphore(%arg17 : memref<!tpu.dma_semaphore, #tpu.memory_space<semaphore_mem>>)
      %dma_start3A_270 = arith.constant 0 : i32
      %dma_start3A_271 = tpu.memref_slice %arg5[%dma_start3A_270] : memref<1048576xf32, #tpu.memory_space<hbm>> -> memref<1048576xf32, #tpu.memory_space<hbm>>
      tpu.enqueue_indirect_dma source(%dma_start3A_271 : memref<1048576xf32, #tpu.memory_space<hbm>>) target(%arg12 : memref<128xf32, #tpu.memory_space<vmem>>) offsets(%arg9 : memref<128xi32, #tpu.memory_space<vmem>>) semaphore(%arg17 : memref<!tpu.dma_semaphore, #tpu.memory_space<semaphore_mem>>)
      %dma_wait3A_272 = arith.constant 0 : i32
      %dma_wait3A_273 = tpu.memref_slice %arg3[%dma_wait3A_272] : memref<1048576xi32, #tpu.memory_space<hbm>> -> memref<1048576xi32, #tpu.memory_space<hbm>>
      tpu.wait_indirect_dma semaphore(%arg17 : memref<!tpu.dma_semaphore, #tpu.memory_space<semaphore_mem>>) src(%dma_wait3A_273 : memref<1048576xi32, #tpu.memory_space<hbm>>) dst(%arg10 : memref<128xi32, #tpu.memory_space<vmem>>)
      %dma_wait3A_274 = arith.constant 0 : i32
      %dma_wait3A_275 = tpu.memref_slice %arg4[%dma_wait3A_274] : memref<1048576xi32, #tpu.memory_space<hbm>> -> memref<1048576xi32, #tpu.memory_space<hbm>>
      tpu.wait_indirect_dma semaphore(%arg17 : memref<!tpu.dma_semaphore, #tpu.memory_space<semaphore_mem>>) src(%dma_wait3A_275 : memref<1048576xi32, #tpu.memory_space<hbm>>) dst(%arg11 : memref<128xi32, #tpu.memory_space<vmem>>)
      %dma_wait3A_276 = arith.constant 0 : i32
      %dma_wait3A_277 = tpu.memref_slice %arg5[%dma_wait3A_276] : memref<1048576xf32, #tpu.memory_space<hbm>> -> memref<1048576xf32, #tpu.memory_space<hbm>>
      tpu.wait_indirect_dma semaphore(%arg17 : memref<!tpu.dma_semaphore, #tpu.memory_space<semaphore_mem>>) src(%dma_wait3A_277 : memref<1048576xf32, #tpu.memory_space<hbm>>) dst(%arg12 : memref<128xf32, #tpu.memory_space<vmem>>)
      %add3A_278 = arith.constant 0 : i32
      %add3A_279 = arith.addi %mul3A_203, %add3A_278 : i32
      %add3A_280 = vector.broadcast %add3A_279 : i32 to vector<16xi32>
      %add3A_281 = arith.addi %iota3A, %add3A_280 : vector<16xi32>
      %lt3A = arith.cmpi slt, %add3A_281, %parallel_loop3A_50 : vector<16xi32>
      %get3A_282 = arith.constant 0 : index
      %get3A_283 = tpu.vector_load %arg12[%get3A_282] {strides = array<i32>} : memref<128xf32, #tpu.memory_space<vmem>>, vector<16xf32>,
      %jit3A = arith.constant 0.000000e+00 : f32
      %broadcast_in_dim3A_284 = vector.broadcast %jit3A : f32 to vector<16xf32>
      %select_n3A = arith.select %lt3A, %get3A_283, %broadcast_in_dim3A_284 : vector<16xi1>, vector<16xf32>
      %get3A_285 = arith.constant 0 : index
      %get3A_286 = tpu.vector_load %arg10[%get3A_285] {strides = array<i32>} : memref<128xi32, #tpu.memory_space<vmem>>, vector<16xi32>,
      %shift_left3A = arith.constant 8 : i32
      %shift_left3A_287 = vector.broadcast %shift_left3A : i32 to vector<16xi32>
      %shift_left3A_288 = arith.shli %get3A_286, %shift_left3A_287 : vector<16xi32>
      %get3A_289 = arith.constant 0 : index
      %get3A_290 = tpu.vector_load %arg11[%get3A_289] {strides = array<i32>} : memref<128xi32, #tpu.memory_space<vmem>>, vector<16xi32>,
      %or3A = arith.ori %shift_left3A_288, %get3A_290 : vector<16xi32>
      %swap3A_291 = arith.constant 0 : index
      %swap3A_292 = tpu.vector_load %arg13[%swap3A_291] {strides = array<i32>} : memref<128xi32, #tpu.memory_space<vmem>>, vector<16xi32>,
      tpu.vector_store %arg13[%swap3A_291], %or3A {strides = array<i32>} : memref<128xi32, #tpu.memory_space<vmem>>, vector<16xi32>,
      %swap3A_293 = arith.constant 0 : index
      %swap3A_294 = tpu.vector_load %arg14[%swap3A_293] {strides = array<i32>} : memref<128xf32, #tpu.memory_space<vmem>>, vector<16xf32>,
      tpu.vector_store %arg14[%swap3A_293], %select_n3A {strides = array<i32>} : memref<128xf32, #tpu.memory_space<vmem>>, vector<16xf32>,
      %add3A_295 = arith.constant 16 : i32
      %add3A_296 = arith.addi %mul3A_203, %add3A_295 : i32
      %add3A_297 = vector.broadcast %add3A_296 : i32 to vector<16xi32>
      %add3A_298 = arith.addi %iota3A, %add3A_297 : vector<16xi32>
      %lt3A_299 = arith.cmpi slt, %add3A_298, %parallel_loop3A_50 : vector<16xi32>
      %get3A_300 = arith.constant 16 : index
      %get3A_301 = tpu.vector_load %arg12[%get3A_300] {strides = array<i32>} : memref<128xf32, #tpu.memory_space<vmem>>, vector<16xf32>,
      %jit3A_302 = arith.constant 0.000000e+00 : f32
      %broadcast_in_dim3A_303 = vector.broadcast %jit3A_302 : f32 to vector<16xf32>
      %select_n3A_304 = arith.select %lt3A_299, %get3A_301, %broadcast_in_dim3A_303 : vector<16xi1>, vector<16xf32>
      %get3A_305 = arith.constant 16 : index
      %get3A_306 = tpu.vector_load %arg10[%get3A_305] {strides = array<i32>} : memref<128xi32, #tpu.memory_space<vmem>>, vector<16xi32>,
      %shift_left3A_307 = arith.constant 8 : i32
      %shift_left3A_308 = vector.broadcast %shift_left3A_307 : i32 to vector<16xi32>
      %shift_left3A_309 = arith.shli %get3A_306, %shift_left3A_308 : vector<16xi32>
      %get3A_310 = arith.constant 16 : index
      %get3A_311 = tpu.vector_load %arg11[%get3A_310] {strides = array<i32>} : memref<128xi32, #tpu.memory_space<vmem>>, vector<16xi32>,
      %or3A_312 = arith.ori %shift_left3A_309, %get3A_311 : vector<16xi32>
      %swap3A_313 = arith.constant 16 : index
      %swap3A_314 = tpu.vector_load %arg13[%swap3A_313] {strides = array<i32>} : memref<128xi32, #tpu.memory_space<vmem>>, vector<16xi32>,
      tpu.vector_store %arg13[%swap3A_313], %or3A_312 {strides = array<i32>} : memref<128xi32, #tpu.memory_space<vmem>>, vector<16xi32>,
      %swap3A_315 = arith.constant 16 : index
      %swap3A_316 = tpu.vector_load %arg14[%swap3A_315] {strides = array<i32>} : memref<128xf32, #tpu.memory_space<vmem>>, vector<16xf32>,
      tpu.vector_store %arg14[%swap3A_315], %select_n3A_304 {strides = array<i32>} : memref<128xf32, #tpu.memory_space<vmem>>, vector<16xf32>,
      %add3A_317 = arith.constant 32 : i32
      %add3A_318 = arith.addi %mul3A_203, %add3A_317 : i32
      %add3A_319 = vector.broadcast %add3A_318 : i32 to vector<16xi32>
      %add3A_320 = arith.addi %iota3A, %add3A_319 : vector<16xi32>
      %lt3A_321 = arith.cmpi slt, %add3A_320, %parallel_loop3A_50 : vector<16xi32>
      %get3A_322 = arith.constant 32 : index
      %get3A_323 = tpu.vector_load %arg12[%get3A_322] {strides = array<i32>} : memref<128xf32, #tpu.memory_space<vmem>>, vector<16xf32>,
      %jit3A_324 = arith.constant 0.000000e+00 : f32
      %broadcast_in_dim3A_325 = vector.broadcast %jit3A_324 : f32 to vector<16xf32>
      %select_n3A_326 = arith.select %lt3A_321, %get3A_323, %broadcast_in_dim3A_325 : vector<16xi1>, vector<16xf32>
      %get3A_327 = arith.constant 32 : index
      %get3A_328 = tpu.vector_load %arg10[%get3A_327] {strides = array<i32>} : memref<128xi32, #tpu.memory_space<vmem>>, vector<16xi32>,
      %shift_left3A_329 = arith.constant 8 : i32
      %shift_left3A_330 = vector.broadcast %shift_left3A_329 : i32 to vector<16xi32>
      %shift_left3A_331 = arith.shli %get3A_328, %shift_left3A_330 : vector<16xi32>
      %get3A_332 = arith.constant 32 : index
      %get3A_333 = tpu.vector_load %arg11[%get3A_332] {strides = array<i32>} : memref<128xi32, #tpu.memory_space<vmem>>, vector<16xi32>,
      %or3A_334 = arith.ori %shift_left3A_331, %get3A_333 : vector<16xi32>
      %swap3A_335 = arith.constant 32 : index
      %swap3A_336 = tpu.vector_load %arg13[%swap3A_335] {strides = array<i32>} : memref<128xi32, #tpu.memory_space<vmem>>, vector<16xi32>,
      tpu.vector_store %arg13[%swap3A_335], %or3A_334 {strides = array<i32>} : memref<128xi32, #tpu.memory_space<vmem>>, vector<16xi32>,
      %swap3A_337 = arith.constant 32 : index
      %swap3A_338 = tpu.vector_load %arg14[%swap3A_337] {strides = array<i32>} : memref<128xf32, #tpu.memory_space<vmem>>, vector<16xf32>,
      tpu.vector_store %arg14[%swap3A_337], %select_n3A_326 {strides = array<i32>} : memref<128xf32, #tpu.memory_space<vmem>>, vector<16xf32>,
      %add3A_339 = arith.constant 48 : i32
      %add3A_340 = arith.addi %mul3A_203, %add3A_339 : i32
      %add3A_341 = vector.broadcast %add3A_340 : i32 to vector<16xi32>
      %add3A_342 = arith.addi %iota3A, %add3A_341 : vector<16xi32>
      %lt3A_343 = arith.cmpi slt, %add3A_342, %parallel_loop3A_50 : vector<16xi32>
      %get3A_344 = arith.constant 48 : index
      %get3A_345 = tpu.vector_load %arg12[%get3A_344] {strides = array<i32>} : memref<128xf32, #tpu.memory_space<vmem>>, vector<16xf32>,
      %jit3A_346 = arith.constant 0.000000e+00 : f32
      %broadcast_in_dim3A_347 = vector.broadcast %jit3A_346 : f32 to vector<16xf32>
      %select_n3A_348 = arith.select %lt3A_343, %get3A_345, %broadcast_in_dim3A_347 : vector<16xi1>, vector<16xf32>
      %get3A_349 = arith.constant 48 : index
      %get3A_350 = tpu.vector_load %arg10[%get3A_349] {strides = array<i32>} : memref<128xi32, #tpu.memory_space<vmem>>, vector<16xi32>,
      %shift_left3A_351 = arith.constant 8 : i32
      %shift_left3A_352 = vector.broadcast %shift_left3A_351 : i32 to vector<16xi32>
      %shift_left3A_353 = arith.shli %get3A_350, %shift_left3A_352 : vector<16xi32>
      %get3A_354 = arith.constant 48 : index
      %get3A_355 = tpu.vector_load %arg11[%get3A_354] {strides = array<i32>} : memref<128xi32, #tpu.memory_space<vmem>>, vector<16xi32>,
      %or3A_356 = arith.ori %shift_left3A_353, %get3A_355 : vector<16xi32>
      %swap3A_357 = arith.constant 48 : index
      %swap3A_358 = tpu.vector_load %arg13[%swap3A_357] {strides = array<i32>} : memref<128xi32, #tpu.memory_space<vmem>>, vector<16xi32>,
      tpu.vector_store %arg13[%swap3A_357], %or3A_356 {strides = array<i32>} : memref<128xi32, #tpu.memory_space<vmem>>, vector<16xi32>,
      %swap3A_359 = arith.constant 48 : index
      %swap3A_360 = tpu.vector_load %arg14[%swap3A_359] {strides = array<i32>} : memref<128xf32, #tpu.memory_space<vmem>>, vector<16xf32>,
      tpu.vector_store %arg14[%swap3A_359], %select_n3A_348 {strides = array<i32>} : memref<128xf32, #tpu.memory_space<vmem>>, vector<16xf32>,
      %add3A_361 = arith.constant 64 : i32
      %add3A_362 = arith.addi %mul3A_203, %add3A_361 : i32
      %add3A_363 = vector.broadcast %add3A_362 : i32 to vector<16xi32>
      %add3A_364 = arith.addi %iota3A, %add3A_363 : vector<16xi32>
      %lt3A_365 = arith.cmpi slt, %add3A_364, %parallel_loop3A_50 : vector<16xi32>
      %get3A_366 = arith.constant 64 : index
      %get3A_367 = tpu.vector_load %arg12[%get3A_366] {strides = array<i32>} : memref<128xf32, #tpu.memory_space<vmem>>, vector<16xf32>,
      %jit3A_368 = arith.constant 0.000000e+00 : f32
      %broadcast_in_dim3A_369 = vector.broadcast %jit3A_368 : f32 to vector<16xf32>
      %select_n3A_370 = arith.select %lt3A_365, %get3A_367, %broadcast_in_dim3A_369 : vector<16xi1>, vector<16xf32>
      %get3A_371 = arith.constant 64 : index
      %get3A_372 = tpu.vector_load %arg10[%get3A_371] {strides = array<i32>} : memref<128xi32, #tpu.memory_space<vmem>>, vector<16xi32>,
      %shift_left3A_373 = arith.constant 8 : i32
      %shift_left3A_374 = vector.broadcast %shift_left3A_373 : i32 to vector<16xi32>
      %shift_left3A_375 = arith.shli %get3A_372, %shift_left3A_374 : vector<16xi32>
      %get3A_376 = arith.constant 64 : index
      %get3A_377 = tpu.vector_load %arg11[%get3A_376] {strides = array<i32>} : memref<128xi32, #tpu.memory_space<vmem>>, vector<16xi32>,
      %or3A_378 = arith.ori %shift_left3A_375, %get3A_377 : vector<16xi32>
      %swap3A_379 = arith.constant 64 : index
      %swap3A_380 = tpu.vector_load %arg13[%swap3A_379] {strides = array<i32>} : memref<128xi32, #tpu.memory_space<vmem>>, vector<16xi32>,
      tpu.vector_store %arg13[%swap3A_379], %or3A_378 {strides = array<i32>} : memref<128xi32, #tpu.memory_space<vmem>>, vector<16xi32>,
      %swap3A_381 = arith.constant 64 : index
      %swap3A_382 = tpu.vector_load %arg14[%swap3A_381] {strides = array<i32>} : memref<128xf32, #tpu.memory_space<vmem>>, vector<16xf32>,
      tpu.vector_store %arg14[%swap3A_381], %select_n3A_370 {strides = array<i32>} : memref<128xf32, #tpu.memory_space<vmem>>, vector<16xf32>,
      %add3A_383 = arith.constant 80 : i32
      %add3A_384 = arith.addi %mul3A_203, %add3A_383 : i32
      %add3A_385 = vector.broadcast %add3A_384 : i32 to vector<16xi32>
      %add3A_386 = arith.addi %iota3A, %add3A_385 : vector<16xi32>
      %lt3A_387 = arith.cmpi slt, %add3A_386, %parallel_loop3A_50 : vector<16xi32>
      %get3A_388 = arith.constant 80 : index
      %get3A_389 = tpu.vector_load %arg12[%get3A_388] {strides = array<i32>} : memref<128xf32, #tpu.memory_space<vmem>>, vector<16xf32>,
      %jit3A_390 = arith.constant 0.000000e+00 : f32
      %broadcast_in_dim3A_391 = vector.broadcast %jit3A_390 : f32 to vector<16xf32>
      %select_n3A_392 = arith.select %lt3A_387, %get3A_389, %broadcast_in_dim3A_391 : vector<16xi1>, vector<16xf32>
      %get3A_393 = arith.constant 80 : index
      %get3A_394 = tpu.vector_load %arg10[%get3A_393] {strides = array<i32>} : memref<128xi32, #tpu.memory_space<vmem>>, vector<16xi32>,
      %shift_left3A_395 = arith.constant 8 : i32
      %shift_left3A_396 = vector.broadcast %shift_left3A_395 : i32 to vector<16xi32>
      %shift_left3A_397 = arith.shli %get3A_394, %shift_left3A_396 : vector<16xi32>
      %get3A_398 = arith.constant 80 : index
      %get3A_399 = tpu.vector_load %arg11[%get3A_398] {strides = array<i32>} : memref<128xi32, #tpu.memory_space<vmem>>, vector<16xi32>,
      %or3A_400 = arith.ori %shift_left3A_397, %get3A_399 : vector<16xi32>
      %swap3A_401 = arith.constant 80 : index
      %swap3A_402 = tpu.vector_load %arg13[%swap3A_401] {strides = array<i32>} : memref<128xi32, #tpu.memory_space<vmem>>, vector<16xi32>,
      tpu.vector_store %arg13[%swap3A_401], %or3A_400 {strides = array<i32>} : memref<128xi32, #tpu.memory_space<vmem>>, vector<16xi32>,
      %swap3A_403 = arith.constant 80 : index
      %swap3A_404 = tpu.vector_load %arg14[%swap3A_403] {strides = array<i32>} : memref<128xf32, #tpu.memory_space<vmem>>, vector<16xf32>,
      tpu.vector_store %arg14[%swap3A_403], %select_n3A_392 {strides = array<i32>} : memref<128xf32, #tpu.memory_space<vmem>>, vector<16xf32>,
      %add3A_405 = arith.constant 96 : i32
      %add3A_406 = arith.addi %mul3A_203, %add3A_405 : i32
      %add3A_407 = vector.broadcast %add3A_406 : i32 to vector<16xi32>
      %add3A_408 = arith.addi %iota3A, %add3A_407 : vector<16xi32>
      %lt3A_409 = arith.cmpi slt, %add3A_408, %parallel_loop3A_50 : vector<16xi32>
      %get3A_410 = arith.constant 96 : index
      %get3A_411 = tpu.vector_load %arg12[%get3A_410] {strides = array<i32>} : memref<128xf32, #tpu.memory_space<vmem>>, vector<16xf32>,
      %jit3A_412 = arith.constant 0.000000e+00 : f32
      %broadcast_in_dim3A_413 = vector.broadcast %jit3A_412 : f32 to vector<16xf32>
      %select_n3A_414 = arith.select %lt3A_409, %get3A_411, %broadcast_in_dim3A_413 : vector<16xi1>, vector<16xf32>
      %get3A_415 = arith.constant 96 : index
      %get3A_416 = tpu.vector_load %arg10[%get3A_415] {strides = array<i32>} : memref<128xi32, #tpu.memory_space<vmem>>, vector<16xi32>,
      %shift_left3A_417 = arith.constant 8 : i32
      %shift_left3A_418 = vector.broadcast %shift_left3A_417 : i32 to vector<16xi32>
      %shift_left3A_419 = arith.shli %get3A_416, %shift_left3A_418 : vector<16xi32>
      %get3A_420 = arith.constant 96 : index
      %get3A_421 = tpu.vector_load %arg11[%get3A_420] {strides = array<i32>} : memref<128xi32, #tpu.memory_space<vmem>>, vector<16xi32>,
      %or3A_422 = arith.ori %shift_left3A_419, %get3A_421 : vector<16xi32>
      %swap3A_423 = arith.constant 96 : index
      %swap3A_424 = tpu.vector_load %arg13[%swap3A_423] {strides = array<i32>} : memref<128xi32, #tpu.memory_space<vmem>>, vector<16xi32>,
      tpu.vector_store %arg13[%swap3A_423], %or3A_422 {strides = array<i32>} : memref<128xi32, #tpu.memory_space<vmem>>, vector<16xi32>,
      %swap3A_425 = arith.constant 96 : index
      %swap3A_426 = tpu.vector_load %arg14[%swap3A_425] {strides = array<i32>} : memref<128xf32, #tpu.memory_space<vmem>>, vector<16xf32>,
      tpu.vector_store %arg14[%swap3A_425], %select_n3A_414 {strides = array<i32>} : memref<128xf32, #tpu.memory_space<vmem>>, vector<16xf32>,
      %add3A_427 = arith.constant 112 : i32
      %add3A_428 = arith.addi %mul3A_203, %add3A_427 : i32
      %add3A_429 = vector.broadcast %add3A_428 : i32 to vector<16xi32>
      %add3A_430 = arith.addi %iota3A, %add3A_429 : vector<16xi32>
      %lt3A_431 = arith.cmpi slt, %add3A_430, %parallel_loop3A_50 : vector<16xi32>
      %get3A_432 = arith.constant 112 : index
      %get3A_433 = tpu.vector_load %arg12[%get3A_432] {strides = array<i32>} : memref<128xf32, #tpu.memory_space<vmem>>, vector<16xf32>,
      %jit3A_434 = arith.constant 0.000000e+00 : f32
      %broadcast_in_dim3A_435 = vector.broadcast %jit3A_434 : f32 to vector<16xf32>
      %select_n3A_436 = arith.select %lt3A_431, %get3A_433, %broadcast_in_dim3A_435 : vector<16xi1>, vector<16xf32>
      %get3A_437 = arith.constant 112 : index
      %get3A_438 = tpu.vector_load %arg10[%get3A_437] {strides = array<i32>} : memref<128xi32, #tpu.memory_space<vmem>>, vector<16xi32>,
      %shift_left3A_439 = arith.constant 8 : i32
      %shift_left3A_440 = vector.broadcast %shift_left3A_439 : i32 to vector<16xi32>
      %shift_left3A_441 = arith.shli %get3A_438, %shift_left3A_440 : vector<16xi32>
      %get3A_442 = arith.constant 112 : index
      %get3A_443 = tpu.vector_load %arg11[%get3A_442] {strides = array<i32>} : memref<128xi32, #tpu.memory_space<vmem>>, vector<16xi32>,
      %or3A_444 = arith.ori %shift_left3A_441, %get3A_443 : vector<16xi32>
      %swap3A_445 = arith.constant 112 : index
      %swap3A_446 = tpu.vector_load %arg13[%swap3A_445] {strides = array<i32>} : memref<128xi32, #tpu.memory_space<vmem>>, vector<16xi32>,
      tpu.vector_store %arg13[%swap3A_445], %or3A_444 {strides = array<i32>} : memref<128xi32, #tpu.memory_space<vmem>>, vector<16xi32>,
      %swap3A_447 = arith.constant 112 : index
      %swap3A_448 = tpu.vector_load %arg14[%swap3A_447] {strides = array<i32>} : memref<128xf32, #tpu.memory_space<vmem>>, vector<16xf32>,
      tpu.vector_store %arg14[%swap3A_447], %select_n3A_436 {strides = array<i32>} : memref<128xf32, #tpu.memory_space<vmem>>, vector<16xf32>,
      "tpu.region"() ({
        %run_scoped3A = tpu.sem_alloc : memref<!tpu.dma_semaphore, #tpu.memory_space<semaphore_mem>>
        %dma_start3A_449 = arith.constant 0 : i32
        %dma_start3A_450 = tpu.memref_slice %arg16[%dma_start3A_449] : memref<1048576xf32, #tpu.memory_space<vmem_shared>> -> memref<1048576xf32, #tpu.memory_space<vmem_shared>>
        tpu.enqueue_indirect_dma source(%arg14 : memref<128xf32, #tpu.memory_space<vmem>>) target(%dma_start3A_450 : memref<1048576xf32, #tpu.memory_space<vmem_shared>>) offsets(%arg13 : memref<128xi32, #tpu.memory_space<vmem>>) semaphore(%run_scoped3A : memref<!tpu.dma_semaphore, #tpu.memory_space<semaphore_mem>>) {add = true}
        %dma_wait3A_451 = arith.constant 0 : i32
        %dma_wait3A_452 = tpu.memref_slice %arg16[%dma_wait3A_451] : memref<1048576xf32, #tpu.memory_space<vmem_shared>> -> memref<1048576xf32, #tpu.memory_space<vmem_shared>>
        tpu.wait_indirect_dma semaphore(%run_scoped3A : memref<!tpu.dma_semaphore, #tpu.memory_space<semaphore_mem>>) src(%arg14 : memref<128xf32, #tpu.memory_space<vmem>>) dst(%dma_wait3A_452 : memref<1048576xf32, #tpu.memory_space<vmem_shared>>)
        tpu.yield
      }) : () -> ()
    }
    %while3A_110 = arith.constant 1 : i32
    scf.for %while3A_199 = %while3A_108 to %while3A_104 step %while3A_110  : i32 {
      %mul3A_200 = arith.muli %while3A_199, %while3A : i32
      %add3A_201 = arith.addi %while3A_101, %mul3A_200 : i32
      %mul3A_202 = arith.constant 128 : i32
      %mul3A_203 = arith.muli %add3A_201, %mul3A_202 : i32
      %add3A_204 = arith.constant 0 : i32
      %add3A_205 = arith.addi %mul3A_203, %add3A_204 : i32
      %get3A = arith.index_cast %add3A_205 : i32 to index
      %get3A_206 = tpu.vector_load %arg8[%get3A] {strides = array<i32>} : memref<16512xi32, #tpu.memory_space<vmem>>, vector<16xi32>,
      %add3A_207 = vector.broadcast %add3A_94 : i32 to vector<16xi32>
      %add3A_208 = arith.addi %get3A_206, %add3A_207 : vector<16xi32>
      %swap3A = arith.constant 0 : index
      %swap3A_209 = tpu.vector_load %arg9[%swap3A] {strides = array<i32>} : memref<128xi32, #tpu.memory_space<vmem>>, vector<16xi32>,
      tpu.vector_store %arg9[%swap3A], %add3A_208 {strides = array<i32>} : memref<128xi32, #tpu.memory_space<vmem>>, vector<16xi32>,
      %add3A_210 = arith.constant 16 : i32
      %add3A_211 = arith.addi %mul3A_203, %add3A_210 : i32
      %get3A_212 = arith.index_cast %add3A_211 : i32 to index
      %get3A_213 = tpu.vector_load %arg8[%get3A_212] {strides = array<i32>} : memref<16512xi32, #tpu.memory_space<vmem>>, vector<16xi32>,
      %add3A_214 = vector.broadcast %add3A_94 : i32 to vector<16xi32>
      %add3A_215 = arith.addi %get3A_213, %add3A_214 : vector<16xi32>
      %swap3A_216 = arith.constant 16 : index
      %swap3A_217 = tpu.vector_load %arg9[%swap3A_216] {strides = array<i32>} : memref<128xi32, #tpu.memory_space<vmem>>, vector<16xi32>,
      tpu.vector_store %arg9[%swap3A_216], %add3A_215 {strides = array<i32>} : memref<128xi32, #tpu.memory_space<vmem>>, vector<16xi32>,
      %add3A_218 = arith.constant 32 : i32
      %add3A_219 = arith.addi %mul3A_203, %add3A_218 : i32
      %get3A_220 = arith.index_cast %add3A_219 : i32 to index
      %get3A_221 = tpu.vector_load %arg8[%get3A_220] {strides = array<i32>} : memref<16512xi32, #tpu.memory_space<vmem>>, vector<16xi32>,
      %add3A_222 = vector.broadcast %add3A_94 : i32 to vector<16xi32>
      %add3A_223 = arith.addi %get3A_221, %add3A_222 : vector<16xi32>
      %swap3A_224 = arith.constant 32 : index
      %swap3A_225 = tpu.vector_load %arg9[%swap3A_224] {strides = array<i32>} : memref<128xi32, #tpu.memory_space<vmem>>, vector<16xi32>,
      tpu.vector_store %arg9[%swap3A_224], %add3A_223 {strides = array<i32>} : memref<128xi32, #tpu.memory_space<vmem>>, vector<16xi32>,
      %add3A_226 = arith.constant 48 : i32
      %add3A_227 = arith.addi %mul3A_203, %add3A_226 : i32
      %get3A_228 = arith.index_cast %add3A_227 : i32 to index
      %get3A_229 = tpu.vector_load %arg8[%get3A_228] {strides = array<i32>} : memref<16512xi32, #tpu.memory_space<vmem>>, vector<16xi32>,
      %add3A_230 = vector.broadcast %add3A_94 : i32 to vector<16xi32>
      %add3A_231 = arith.addi %get3A_229, %add3A_230 : vector<16xi32>
      %swap3A_232 = arith.constant 48 : index
      %swap3A_233 = tpu.vector_load %arg9[%swap3A_232] {strides = array<i32>} : memref<128xi32, #tpu.memory_space<vmem>>, vector<16xi32>,
      tpu.vector_store %arg9[%swap3A_232], %add3A_231 {strides = array<i32>} : memref<128xi32, #tpu.memory_space<vmem>>, vector<16xi32>,
      %add3A_234 = arith.constant 64 : i32
      %add3A_235 = arith.addi %mul3A_203, %add3A_234 : i32
      %get3A_236 = arith.index_cast %add3A_235 : i32 to index
      %get3A_237 = tpu.vector_load %arg8[%get3A_236] {strides = array<i32>} : memref<16512xi32, #tpu.memory_space<vmem>>, vector<16xi32>,
      %add3A_238 = vector.broadcast %add3A_94 : i32 to vector<16xi32>
      %add3A_239 = arith.addi %get3A_237, %add3A_238 : vector<16xi32>
      %swap3A_240 = arith.constant 64 : index
      %swap3A_241 = tpu.vector_load %arg9[%swap3A_240] {strides = array<i32>} : memref<128xi32, #tpu.memory_space<vmem>>, vector<16xi32>,
      tpu.vector_store %arg9[%swap3A_240], %add3A_239 {strides = array<i32>} : memref<128xi32, #tpu.memory_space<vmem>>, vector<16xi32>,
      %add3A_242 = arith.constant 80 : i32
      %add3A_243 = arith.addi %mul3A_203, %add3A_242 : i32
      %get3A_244 = arith.index_cast %add3A_243 : i32 to index
      %get3A_245 = tpu.vector_load %arg8[%get3A_244] {strides = array<i32>} : memref<16512xi32, #tpu.memory_space<vmem>>, vector<16xi32>,
      %add3A_246 = vector.broadcast %add3A_94 : i32 to vector<16xi32>
      %add3A_247 = arith.addi %get3A_245, %add3A_246 : vector<16xi32>
      %swap3A_248 = arith.constant 80 : index
      %swap3A_249 = tpu.vector_load %arg9[%swap3A_248] {strides = array<i32>} : memref<128xi32, #tpu.memory_space<vmem>>, vector<16xi32>,
      tpu.vector_store %arg9[%swap3A_248], %add3A_247 {strides = array<i32>} : memref<128xi32, #tpu.memory_space<vmem>>, vector<16xi32>,
      %add3A_250 = arith.constant 96 : i32
      %add3A_251 = arith.addi %mul3A_203, %add3A_250 : i32
      %get3A_252 = arith.index_cast %add3A_251 : i32 to index
      %get3A_253 = tpu.vector_load %arg8[%get3A_252] {strides = array<i32>} : memref<16512xi32, #tpu.memory_space<vmem>>, vector<16xi32>,
      %add3A_254 = vector.broadcast %add3A_94 : i32 to vector<16xi32>
      %add3A_255 = arith.addi %get3A_253, %add3A_254 : vector<16xi32>
      %swap3A_256 = arith.constant 96 : index
      %swap3A_257 = tpu.vector_load %arg9[%swap3A_256] {strides = array<i32>} : memref<128xi32, #tpu.memory_space<vmem>>, vector<16xi32>,
      tpu.vector_store %arg9[%swap3A_256], %add3A_255 {strides = array<i32>} : memref<128xi32, #tpu.memory_space<vmem>>, vector<16xi32>,
      %add3A_258 = arith.constant 112 : i32
      %add3A_259 = arith.addi %mul3A_203, %add3A_258 : i32
      %get3A_260 = arith.index_cast %add3A_259 : i32 to index
      %get3A_261 = tpu.vector_load %arg8[%get3A_260] {strides = array<i32>} : memref<16512xi32, #tpu.memory_space<vmem>>, vector<16xi32>,
      %add3A_262 = vector.broadcast %add3A_94 : i32 to vector<16xi32>
      %add3A_263 = arith.addi %get3A_261, %add3A_262 : vector<16xi32>
      %swap3A_264 = arith.constant 112 : index
      %swap3A_265 = tpu.vector_load %arg9[%swap3A_264] {strides = array<i32>} : memref<128xi32, #tpu.memory_space<vmem>>, vector<16xi32>,
      tpu.vector_store %arg9[%swap3A_264], %add3A_263 {strides = array<i32>} : memref<128xi32, #tpu.memory_space<vmem>>, vector<16xi32>,
      %dma_start3A_266 = arith.constant 0 : i32
      %dma_start3A_267 = tpu.memref_slice %arg3[%dma_start3A_266] : memref<1048576xi32, #tpu.memory_space<hbm>> -> memref<1048576xi32, #tpu.memory_space<hbm>>
      tpu.enqueue_indirect_dma source(%dma_start3A_267 : memref<1048576xi32, #tpu.memory_space<hbm>>) target(%arg10 : memref<128xi32, #tpu.memory_space<vmem>>) offsets(%arg9 : memref<128xi32, #tpu.memory_space<vmem>>) semaphore(%arg17 : memref<!tpu.dma_semaphore, #tpu.memory_space<semaphore_mem>>)
      %dma_start3A_268 = arith.constant 0 : i32
      %dma_start3A_269 = tpu.memref_slice %arg4[%dma_start3A_268] : memref<1048576xi32, #tpu.memory_space<hbm>> -> memref<1048576xi32, #tpu.memory_space<hbm>>
      tpu.enqueue_indirect_dma source(%dma_start3A_269 : memref<1048576xi32, #tpu.memory_space<hbm>>) target(%arg11 : memref<128xi32, #tpu.memory_space<vmem>>) offsets(%arg9 : memref<128xi32, #tpu.memory_space<vmem>>) semaphore(%arg17 : memref<!tpu.dma_semaphore, #tpu.memory_space<semaphore_mem>>)
      %dma_start3A_270 = arith.constant 0 : i32
      %dma_start3A_271 = tpu.memref_slice %arg5[%dma_start3A_270] : memref<1048576xf32, #tpu.memory_space<hbm>> -> memref<1048576xf32, #tpu.memory_space<hbm>>
      tpu.enqueue_indirect_dma source(%dma_start3A_271 : memref<1048576xf32, #tpu.memory_space<hbm>>) target(%arg12 : memref<128xf32, #tpu.memory_space<vmem>>) offsets(%arg9 : memref<128xi32, #tpu.memory_space<vmem>>) semaphore(%arg17 : memref<!tpu.dma_semaphore, #tpu.memory_space<semaphore_mem>>)
      %dma_wait3A_272 = arith.constant 0 : i32
      %dma_wait3A_273 = tpu.memref_slice %arg3[%dma_wait3A_272] : memref<1048576xi32, #tpu.memory_space<hbm>> -> memref<1048576xi32, #tpu.memory_space<hbm>>
      tpu.wait_indirect_dma semaphore(%arg17 : memref<!tpu.dma_semaphore, #tpu.memory_space<semaphore_mem>>) src(%dma_wait3A_273 : memref<1048576xi32, #tpu.memory_space<hbm>>) dst(%arg10 : memref<128xi32, #tpu.memory_space<vmem>>)
      %dma_wait3A_274 = arith.constant 0 : i32
      %dma_wait3A_275 = tpu.memref_slice %arg4[%dma_wait3A_274] : memref<1048576xi32, #tpu.memory_space<hbm>> -> memref<1048576xi32, #tpu.memory_space<hbm>>
      tpu.wait_indirect_dma semaphore(%arg17 : memref<!tpu.dma_semaphore, #tpu.memory_space<semaphore_mem>>) src(%dma_wait3A_275 : memref<1048576xi32, #tpu.memory_space<hbm>>) dst(%arg11 : memref<128xi32, #tpu.memory_space<vmem>>)
      %dma_wait3A_276 = arith.constant 0 : i32
      %dma_wait3A_277 = tpu.memref_slice %arg5[%dma_wait3A_276] : memref<1048576xf32, #tpu.memory_space<hbm>> -> memref<1048576xf32, #tpu.memory_space<hbm>>
      tpu.wait_indirect_dma semaphore(%arg17 : memref<!tpu.dma_semaphore, #tpu.memory_space<semaphore_mem>>) src(%dma_wait3A_277 : memref<1048576xf32, #tpu.memory_space<hbm>>) dst(%arg12 : memref<128xf32, #tpu.memory_space<vmem>>)
      %add3A_278 = arith.constant 0 : i32
      %add3A_279 = arith.addi %mul3A_203, %add3A_278 : i32
      %add3A_280 = vector.broadcast %add3A_279 : i32 to vector<16xi32>
      %add3A_281 = arith.addi %iota3A, %add3A_280 : vector<16xi32>
      %lt3A = arith.cmpi slt, %add3A_281, %parallel_loop3A_50 : vector<16xi32>
      %get3A_282 = arith.constant 0 : index
      %get3A_283 = tpu.vector_load %arg12[%get3A_282] {strides = array<i32>} : memref<128xf32, #tpu.memory_space<vmem>>, vector<16xf32>,
      %jit3A = arith.constant 0.000000e+00 : f32
      %broadcast_in_dim3A_284 = vector.broadcast %jit3A : f32 to vector<16xf32>
      %select_n3A = arith.select %lt3A, %get3A_283, %broadcast_in_dim3A_284 : vector<16xi1>, vector<16xf32>
      %get3A_285 = arith.constant 0 : index
      %get3A_286 = tpu.vector_load %arg10[%get3A_285] {strides = array<i32>} : memref<128xi32, #tpu.memory_space<vmem>>, vector<16xi32>,
      %shift_left3A = arith.constant 8 : i32
      %shift_left3A_287 = vector.broadcast %shift_left3A : i32 to vector<16xi32>
      %shift_left3A_288 = arith.shli %get3A_286, %shift_left3A_287 : vector<16xi32>
      %get3A_289 = arith.constant 0 : index
      %get3A_290 = tpu.vector_load %arg11[%get3A_289] {strides = array<i32>} : memref<128xi32, #tpu.memory_space<vmem>>, vector<16xi32>,
      %or3A = arith.ori %shift_left3A_288, %get3A_290 : vector<16xi32>
      %swap3A_291 = arith.constant 0 : index
      %swap3A_292 = tpu.vector_load %arg13[%swap3A_291] {strides = array<i32>} : memref<128xi32, #tpu.memory_space<vmem>>, vector<16xi32>,
      tpu.vector_store %arg13[%swap3A_291], %or3A {strides = array<i32>} : memref<128xi32, #tpu.memory_space<vmem>>, vector<16xi32>,
      %swap3A_293 = arith.constant 0 : index
      %swap3A_294 = tpu.vector_load %arg14[%swap3A_293] {strides = array<i32>} : memref<128xf32, #tpu.memory_space<vmem>>, vector<16xf32>,
      tpu.vector_store %arg14[%swap3A_293], %select_n3A {strides = array<i32>} : memref<128xf32, #tpu.memory_space<vmem>>, vector<16xf32>,
      %add3A_295 = arith.constant 16 : i32
      %add3A_296 = arith.addi %mul3A_203, %add3A_295 : i32
      %add3A_297 = vector.broadcast %add3A_296 : i32 to vector<16xi32>
      %add3A_298 = arith.addi %iota3A, %add3A_297 : vector<16xi32>
      %lt3A_299 = arith.cmpi slt, %add3A_298, %parallel_loop3A_50 : vector<16xi32>
      %get3A_300 = arith.constant 16 : index
      %get3A_301 = tpu.vector_load %arg12[%get3A_300] {strides = array<i32>} : memref<128xf32, #tpu.memory_space<vmem>>, vector<16xf32>,
      %jit3A_302 = arith.constant 0.000000e+00 : f32
      %broadcast_in_dim3A_303 = vector.broadcast %jit3A_302 : f32 to vector<16xf32>
      %select_n3A_304 = arith.select %lt3A_299, %get3A_301, %broadcast_in_dim3A_303 : vector<16xi1>, vector<16xf32>
      %get3A_305 = arith.constant 16 : index
      %get3A_306 = tpu.vector_load %arg10[%get3A_305] {strides = array<i32>} : memref<128xi32, #tpu.memory_space<vmem>>, vector<16xi32>,
      %shift_left3A_307 = arith.constant 8 : i32
      %shift_left3A_308 = vector.broadcast %shift_left3A_307 : i32 to vector<16xi32>
      %shift_left3A_309 = arith.shli %get3A_306, %shift_left3A_308 : vector<16xi32>
      %get3A_310 = arith.constant 16 : index
      %get3A_311 = tpu.vector_load %arg11[%get3A_310] {strides = array<i32>} : memref<128xi32, #tpu.memory_space<vmem>>, vector<16xi32>,
      %or3A_312 = arith.ori %shift_left3A_309, %get3A_311 : vector<16xi32>
      %swap3A_313 = arith.constant 16 : index
      %swap3A_314 = tpu.vector_load %arg13[%swap3A_313] {strides = array<i32>} : memref<128xi32, #tpu.memory_space<vmem>>, vector<16xi32>,
      tpu.vector_store %arg13[%swap3A_313], %or3A_312 {strides = array<i32>} : memref<128xi32, #tpu.memory_space<vmem>>, vector<16xi32>,
      %swap3A_315 = arith.constant 16 : index
      %swap3A_316 = tpu.vector_load %arg14[%swap3A_315] {strides = array<i32>} : memref<128xf32, #tpu.memory_space<vmem>>, vector<16xf32>,
      tpu.vector_store %arg14[%swap3A_315], %select_n3A_304 {strides = array<i32>} : memref<128xf32, #tpu.memory_space<vmem>>, vector<16xf32>,
      %add3A_317 = arith.constant 32 : i32
      %add3A_318 = arith.addi %mul3A_203, %add3A_317 : i32
      %add3A_319 = vector.broadcast %add3A_318 : i32 to vector<16xi32>
      %add3A_320 = arith.addi %iota3A, %add3A_319 : vector<16xi32>
      %lt3A_321 = arith.cmpi slt, %add3A_320, %parallel_loop3A_50 : vector<16xi32>
      %get3A_322 = arith.constant 32 : index
      %get3A_323 = tpu.vector_load %arg12[%get3A_322] {strides = array<i32>} : memref<128xf32, #tpu.memory_space<vmem>>, vector<16xf32>,
      %jit3A_324 = arith.constant 0.000000e+00 : f32
      %broadcast_in_dim3A_325 = vector.broadcast %jit3A_324 : f32 to vector<16xf32>
      %select_n3A_326 = arith.select %lt3A_321, %get3A_323, %broadcast_in_dim3A_325 : vector<16xi1>, vector<16xf32>
      %get3A_327 = arith.constant 32 : index
      %get3A_328 = tpu.vector_load %arg10[%get3A_327] {strides = array<i32>} : memref<128xi32, #tpu.memory_space<vmem>>, vector<16xi32>,
      %shift_left3A_329 = arith.constant 8 : i32
      %shift_left3A_330 = vector.broadcast %shift_left3A_329 : i32 to vector<16xi32>
      %shift_left3A_331 = arith.shli %get3A_328, %shift_left3A_330 : vector<16xi32>
      %get3A_332 = arith.constant 32 : index
      %get3A_333 = tpu.vector_load %arg11[%get3A_332] {strides = array<i32>} : memref<128xi32, #tpu.memory_space<vmem>>, vector<16xi32>,
      %or3A_334 = arith.ori %shift_left3A_331, %get3A_333 : vector<16xi32>
      %swap3A_335 = arith.constant 32 : index
      %swap3A_336 = tpu.vector_load %arg13[%swap3A_335] {strides = array<i32>} : memref<128xi32, #tpu.memory_space<vmem>>, vector<16xi32>,
      tpu.vector_store %arg13[%swap3A_335], %or3A_334 {strides = array<i32>} : memref<128xi32, #tpu.memory_space<vmem>>, vector<16xi32>,
      %swap3A_337 = arith.constant 32 : index
      %swap3A_338 = tpu.vector_load %arg14[%swap3A_337] {strides = array<i32>} : memref<128xf32, #tpu.memory_space<vmem>>, vector<16xf32>,
      tpu.vector_store %arg14[%swap3A_337], %select_n3A_326 {strides = array<i32>} : memref<128xf32, #tpu.memory_space<vmem>>, vector<16xf32>,
      %add3A_339 = arith.constant 48 : i32
      %add3A_340 = arith.addi %mul3A_203, %add3A_339 : i32
      %add3A_341 = vector.broadcast %add3A_340 : i32 to vector<16xi32>
      %add3A_342 = arith.addi %iota3A, %add3A_341 : vector<16xi32>
      %lt3A_343 = arith.cmpi slt, %add3A_342, %parallel_loop3A_50 : vector<16xi32>
      %get3A_344 = arith.constant 48 : index
      %get3A_345 = tpu.vector_load %arg12[%get3A_344] {strides = array<i32>} : memref<128xf32, #tpu.memory_space<vmem>>, vector<16xf32>,
      %jit3A_346 = arith.constant 0.000000e+00 : f32
      %broadcast_in_dim3A_347 = vector.broadcast %jit3A_346 : f32 to vector<16xf32>
      %select_n3A_348 = arith.select %lt3A_343, %get3A_345, %broadcast_in_dim3A_347 : vector<16xi1>, vector<16xf32>
      %get3A_349 = arith.constant 48 : index
      %get3A_350 = tpu.vector_load %arg10[%get3A_349] {strides = array<i32>} : memref<128xi32, #tpu.memory_space<vmem>>, vector<16xi32>,
      %shift_left3A_351 = arith.constant 8 : i32
      %shift_left3A_352 = vector.broadcast %shift_left3A_351 : i32 to vector<16xi32>
      %shift_left3A_353 = arith.shli %get3A_350, %shift_left3A_352 : vector<16xi32>
      %get3A_354 = arith.constant 48 : index
      %get3A_355 = tpu.vector_load %arg11[%get3A_354] {strides = array<i32>} : memref<128xi32, #tpu.memory_space<vmem>>, vector<16xi32>,
      %or3A_356 = arith.ori %shift_left3A_353, %get3A_355 : vector<16xi32>
      %swap3A_357 = arith.constant 48 : index
      %swap3A_358 = tpu.vector_load %arg13[%swap3A_357] {strides = array<i32>} : memref<128xi32, #tpu.memory_space<vmem>>, vector<16xi32>,
      tpu.vector_store %arg13[%swap3A_357], %or3A_356 {strides = array<i32>} : memref<128xi32, #tpu.memory_space<vmem>>, vector<16xi32>,
      %swap3A_359 = arith.constant 48 : index
      %swap3A_360 = tpu.vector_load %arg14[%swap3A_359] {strides = array<i32>} : memref<128xf32, #tpu.memory_space<vmem>>, vector<16xf32>,
      tpu.vector_store %arg14[%swap3A_359], %select_n3A_348 {strides = array<i32>} : memref<128xf32, #tpu.memory_space<vmem>>, vector<16xf32>,
      %add3A_361 = arith.constant 64 : i32
      %add3A_362 = arith.addi %mul3A_203, %add3A_361 : i32
      %add3A_363 = vector.broadcast %add3A_362 : i32 to vector<16xi32>
      %add3A_364 = arith.addi %iota3A, %add3A_363 : vector<16xi32>
      %lt3A_365 = arith.cmpi slt, %add3A_364, %parallel_loop3A_50 : vector<16xi32>
      %get3A_366 = arith.constant 64 : index
      %get3A_367 = tpu.vector_load %arg12[%get3A_366] {strides = array<i32>} : memref<128xf32, #tpu.memory_space<vmem>>, vector<16xf32>,
      %jit3A_368 = arith.constant 0.000000e+00 : f32
      %broadcast_in_dim3A_369 = vector.broadcast %jit3A_368 : f32 to vector<16xf32>
      %select_n3A_370 = arith.select %lt3A_365, %get3A_367, %broadcast_in_dim3A_369 : vector<16xi1>, vector<16xf32>
      %get3A_371 = arith.constant 64 : index
      %get3A_372 = tpu.vector_load %arg10[%get3A_371] {strides = array<i32>} : memref<128xi32, #tpu.memory_space<vmem>>, vector<16xi32>,
      %shift_left3A_373 = arith.constant 8 : i32
      %shift_left3A_374 = vector.broadcast %shift_left3A_373 : i32 to vector<16xi32>
      %shift_left3A_375 = arith.shli %get3A_372, %shift_left3A_374 : vector<16xi32>
      %get3A_376 = arith.constant 64 : index
      %get3A_377 = tpu.vector_load %arg11[%get3A_376] {strides = array<i32>} : memref<128xi32, #tpu.memory_space<vmem>>, vector<16xi32>,
      %or3A_378 = arith.ori %shift_left3A_375, %get3A_377 : vector<16xi32>
      %swap3A_379 = arith.constant 64 : index
      %swap3A_380 = tpu.vector_load %arg13[%swap3A_379] {strides = array<i32>} : memref<128xi32, #tpu.memory_space<vmem>>, vector<16xi32>,
      tpu.vector_store %arg13[%swap3A_379], %or3A_378 {strides = array<i32>} : memref<128xi32, #tpu.memory_space<vmem>>, vector<16xi32>,
      %swap3A_381 = arith.constant 64 : index
      %swap3A_382 = tpu.vector_load %arg14[%swap3A_381] {strides = array<i32>} : memref<128xf32, #tpu.memory_space<vmem>>, vector<16xf32>,
      tpu.vector_store %arg14[%swap3A_381], %select_n3A_370 {strides = array<i32>} : memref<128xf32, #tpu.memory_space<vmem>>, vector<16xf32>,
      %add3A_383 = arith.constant 80 : i32
      %add3A_384 = arith.addi %mul3A_203, %add3A_383 : i32
      %add3A_385 = vector.broadcast %add3A_384 : i32 to vector<16xi32>
      %add3A_386 = arith.addi %iota3A, %add3A_385 : vector<16xi32>
      %lt3A_387 = arith.cmpi slt, %add3A_386, %parallel_loop3A_50 : vector<16xi32>
      %get3A_388 = arith.constant 80 : index
      %get3A_389 = tpu.vector_load %arg12[%get3A_388] {strides = array<i32>} : memref<128xf32, #tpu.memory_space<vmem>>, vector<16xf32>,
      %jit3A_390 = arith.constant 0.000000e+00 : f32
      %broadcast_in_dim3A_391 = vector.broadcast %jit3A_390 : f32 to vector<16xf32>
      %select_n3A_392 = arith.select %lt3A_387, %get3A_389, %broadcast_in_dim3A_391 : vector<16xi1>, vector<16xf32>
      %get3A_393 = arith.constant 80 : index
      %get3A_394 = tpu.vector_load %arg10[%get3A_393] {strides = array<i32>} : memref<128xi32, #tpu.memory_space<vmem>>, vector<16xi32>,
      %shift_left3A_395 = arith.constant 8 : i32
      %shift_left3A_396 = vector.broadcast %shift_left3A_395 : i32 to vector<16xi32>
      %shift_left3A_397 = arith.shli %get3A_394, %shift_left3A_396 : vector<16xi32>
      %get3A_398 = arith.constant 80 : index
      %get3A_399 = tpu.vector_load %arg11[%get3A_398] {strides = array<i32>} : memref<128xi32, #tpu.memory_space<vmem>>, vector<16xi32>,
      %or3A_400 = arith.ori %shift_left3A_397, %get3A_399 : vector<16xi32>
      %swap3A_401 = arith.constant 80 : index
      %swap3A_402 = tpu.vector_load %arg13[%swap3A_401] {strides = array<i32>} : memref<128xi32, #tpu.memory_space<vmem>>, vector<16xi32>,
      tpu.vector_store %arg13[%swap3A_401], %or3A_400 {strides = array<i32>} : memref<128xi32, #tpu.memory_space<vmem>>, vector<16xi32>,
      %swap3A_403 = arith.constant 80 : index
      %swap3A_404 = tpu.vector_load %arg14[%swap3A_403] {strides = array<i32>} : memref<128xf32, #tpu.memory_space<vmem>>, vector<16xf32>,
      tpu.vector_store %arg14[%swap3A_403], %select_n3A_392 {strides = array<i32>} : memref<128xf32, #tpu.memory_space<vmem>>, vector<16xf32>,
      %add3A_405 = arith.constant 96 : i32
      %add3A_406 = arith.addi %mul3A_203, %add3A_405 : i32
      %add3A_407 = vector.broadcast %add3A_406 : i32 to vector<16xi32>
      %add3A_408 = arith.addi %iota3A, %add3A_407 : vector<16xi32>
      %lt3A_409 = arith.cmpi slt, %add3A_408, %parallel_loop3A_50 : vector<16xi32>
      %get3A_410 = arith.constant 96 : index
      %get3A_411 = tpu.vector_load %arg12[%get3A_410] {strides = array<i32>} : memref<128xf32, #tpu.memory_space<vmem>>, vector<16xf32>,
      %jit3A_412 = arith.constant 0.000000e+00 : f32
      %broadcast_in_dim3A_413 = vector.broadcast %jit3A_412 : f32 to vector<16xf32>
      %select_n3A_414 = arith.select %lt3A_409, %get3A_411, %broadcast_in_dim3A_413 : vector<16xi1>, vector<16xf32>
      %get3A_415 = arith.constant 96 : index
      %get3A_416 = tpu.vector_load %arg10[%get3A_415] {strides = array<i32>} : memref<128xi32, #tpu.memory_space<vmem>>, vector<16xi32>,
      %shift_left3A_417 = arith.constant 8 : i32
      %shift_left3A_418 = vector.broadcast %shift_left3A_417 : i32 to vector<16xi32>
      %shift_left3A_419 = arith.shli %get3A_416, %shift_left3A_418 : vector<16xi32>
      %get3A_420 = arith.constant 96 : index
      %get3A_421 = tpu.vector_load %arg11[%get3A_420] {strides = array<i32>} : memref<128xi32, #tpu.memory_space<vmem>>, vector<16xi32>,
      %or3A_422 = arith.ori %shift_left3A_419, %get3A_421 : vector<16xi32>
      %swap3A_423 = arith.constant 96 : index
      %swap3A_424 = tpu.vector_load %arg13[%swap3A_423] {strides = array<i32>} : memref<128xi32, #tpu.memory_space<vmem>>, vector<16xi32>,
      tpu.vector_store %arg13[%swap3A_423], %or3A_422 {strides = array<i32>} : memref<128xi32, #tpu.memory_space<vmem>>, vector<16xi32>,
      %swap3A_425 = arith.constant 96 : index
      %swap3A_426 = tpu.vector_load %arg14[%swap3A_425] {strides = array<i32>} : memref<128xf32, #tpu.memory_space<vmem>>, vector<16xf32>,
      tpu.vector_store %arg14[%swap3A_425], %select_n3A_414 {strides = array<i32>} : memref<128xf32, #tpu.memory_space<vmem>>, vector<16xf32>,
      %add3A_427 = arith.constant 112 : i32
      %add3A_428 = arith.addi %mul3A_203, %add3A_427 : i32
      %add3A_429 = vector.broadcast %add3A_428 : i32 to vector<16xi32>
      %add3A_430 = arith.addi %iota3A, %add3A_429 : vector<16xi32>
      %lt3A_431 = arith.cmpi slt, %add3A_430, %parallel_loop3A_50 : vector<16xi32>
      %get3A_432 = arith.constant 112 : index
      %get3A_433 = tpu.vector_load %arg12[%get3A_432] {strides = array<i32>} : memref<128xf32, #tpu.memory_space<vmem>>, vector<16xf32>,
      %jit3A_434 = arith.constant 0.000000e+00 : f32
      %broadcast_in_dim3A_435 = vector.broadcast %jit3A_434 : f32 to vector<16xf32>
      %select_n3A_436 = arith.select %lt3A_431, %get3A_433, %broadcast_in_dim3A_435 : vector<16xi1>, vector<16xf32>
      %get3A_437 = arith.constant 112 : index
      %get3A_438 = tpu.vector_load %arg10[%get3A_437] {strides = array<i32>} : memref<128xi32, #tpu.memory_space<vmem>>, vector<16xi32>,
      %shift_left3A_439 = arith.constant 8 : i32
      %shift_left3A_440 = vector.broadcast %shift_left3A_439 : i32 to vector<16xi32>
      %shift_left3A_441 = arith.shli %get3A_438, %shift_left3A_440 : vector<16xi32>
      %get3A_442 = arith.constant 112 : index
      %get3A_443 = tpu.vector_load %arg11[%get3A_442] {strides = array<i32>} : memref<128xi32, #tpu.memory_space<vmem>>, vector<16xi32>,
      %or3A_444 = arith.ori %shift_left3A_441, %get3A_443 : vector<16xi32>
      %swap3A_445 = arith.constant 112 : index
      %swap3A_446 = tpu.vector_load %arg13[%swap3A_445] {strides = array<i32>} : memref<128xi32, #tpu.memory_space<vmem>>, vector<16xi32>,
      tpu.vector_store %arg13[%swap3A_445], %or3A_444 {strides = array<i32>} : memref<128xi32, #tpu.memory_space<vmem>>, vector<16xi32>,
      %swap3A_447 = arith.constant 112 : index
      %swap3A_448 = tpu.vector_load %arg14[%swap3A_447] {strides = array<i32>} : memref<128xf32, #tpu.memory_space<vmem>>, vector<16xf32>,
      tpu.vector_store %arg14[%swap3A_447], %select_n3A_436 {strides = array<i32>} : memref<128xf32, #tpu.memory_space<vmem>>, vector<16xf32>,
      "tpu.region"() ({
        %run_scoped3A = tpu.sem_alloc : memref<!tpu.dma_semaphore, #tpu.memory_space<semaphore_mem>>
        %dma_start3A_449 = arith.constant 0 : i32
        %dma_start3A_450 = tpu.memref_slice %arg16[%dma_start3A_449] : memref<1048576xf32, #tpu.memory_space<vmem_shared>> -> memref<1048576xf32, #tpu.memory_space<vmem_shared>>
        tpu.enqueue_indirect_dma source(%arg14 : memref<128xf32, #tpu.memory_space<vmem>>) target(%dma_start3A_450 : memref<1048576xf32, #tpu.memory_space<vmem_shared>>) offsets(%arg13 : memref<128xi32, #tpu.memory_space<vmem>>) semaphore(%run_scoped3A : memref<!tpu.dma_semaphore, #tpu.memory_space<semaphore_mem>>) {add = true}
        %dma_wait3A_451 = arith.constant 0 : i32
        %dma_wait3A_452 = tpu.memref_slice %arg16[%dma_wait3A_451] : memref<1048576xf32, #tpu.memory_space<vmem_shared>> -> memref<1048576xf32, #tpu.memory_space<vmem_shared>>
        tpu.wait_indirect_dma semaphore(%run_scoped3A : memref<!tpu.dma_semaphore, #tpu.memory_space<semaphore_mem>>) src(%arg14 : memref<128xf32, #tpu.memory_space<vmem>>) dst(%dma_wait3A_452 : memref<1048576xf32, #tpu.memory_space<vmem_shared>>)
        tpu.yield
      }) : () -> ()
    }
    %dma_wait3A_111 = arith.constant 1 : i32
    %dma_wait3A_112 = arith.constant 0 : i32
    %dma_wait3A_113 = tpu.memref_slice %arg7[%dma_wait3A_111, %dma_wait3A_112] : memref<2x16384xi32, #tpu.memory_space<vmem>> -> memref<1x16384xi32, #tpu.memory_space<vmem>>
    %dma_wait3A_114 = tpu.memref_squeeze %dma_wait3A_113 : memref<1x16384xi32, #tpu.memory_space<vmem>> -> memref<16384xi32, #tpu.memory_space<vmem>>
    %dma_wait3A_115 = tpu.memref_slice %arg2[%add3A_36] : memref<1048576xi32, #tpu.memory_space<hbm>> -> memref<16384xi32, #tpu.memory_space<hbm>>
    %dma_wait3A_116 = arith.constant 0 : i32
    %dma_wait3A_117 = tpu.memref_slice %arg7[%dma_wait3A_111, %dma_wait3A_116] : memref<2x16384xi32, #tpu.memory_space<vmem>> -> memref<1x16384xi32, #tpu.memory_space<vmem>>
    %dma_wait3A_118 = tpu.memref_squeeze %dma_wait3A_117 : memref<1x16384xi32, #tpu.memory_space<vmem>> -> memref<16384xi32, #tpu.memory_space<vmem>>
    %dma_wait3A_119 = tpu.memref_slice %arg2[%add3A_36] : memref<1048576xi32, #tpu.memory_space<hbm>> -> memref<16384xi32, #tpu.memory_space<hbm>>
    tpu.wait_dma2 semaphore(%arg18 : memref<!tpu.dma_semaphore, #tpu.memory_space<semaphore_mem>>) src(%dma_wait3A_119 : memref<16384xi32, #tpu.memory_space<hbm>>) dst(%dma_wait3A_118 : memref<16384xi32, #tpu.memory_space<vmem>>)
    %broadcast_in_dim3A_120 = arith.constant 0 : i32
    %broadcast_in_dim3A_121 = vector.broadcast %broadcast_in_dim3A_120 : i32 to vector<16xi32>
    %parallel_loop3A_122 = arith.constant 0 : i32
    %parallel_loop3A_123 = arith.constant 16384 : i32
    %parallel_loop3A_124 = arith.constant 16 : i32
    %parallel_loop3A_125 = scf.for %parallel_loop3A_199 = %parallel_loop3A_122 to %parallel_loop3A_123 step %parallel_loop3A_124 iter_args(%parallel_loop3A_200 = %broadcast_in_dim3A_121) -> (vector<16xi32>)  : i32 {
      %parallel_loop3A_201 = arith.constant 1 : i32
      %parallel_loop3A_202 = arith.index_cast %parallel_loop3A_201 : i32 to index
      %parallel_loop3A_203 = arith.index_cast %parallel_loop3A_199 : i32 to index
      %parallel_loop3A_204 = tpu.vector_load %arg7[%parallel_loop3A_202, %parallel_loop3A_203] {strides = array<i32>} : memref<2x16384xi32, #tpu.memory_space<vmem>>, vector<16xi32>,
      %parallel_loop3A_205 = arith.constant 10 : i32
      %parallel_loop3A_206 = vector.broadcast %parallel_loop3A_205 : i32 to vector<16xi32>
      %parallel_loop3A_207 = arith.cmpi eq, %parallel_loop3A_204, %parallel_loop3A_206 : vector<16xi32>
      %parallel_loop3A_208 = arith.extui %parallel_loop3A_207 : vector<16xi1> to vector<16xi32>
      %parallel_loop3A_209 = arith.constant true
      %parallel_loop3A_210 = vector.broadcast %parallel_loop3A_209 : i1 to vector<16xi1>
      %parallel_loop3A_211 = tpu.scan <sum>, %parallel_loop3A_208 masked %parallel_loop3A_210 : vector<16xi32>, vector<16xi1> -> vector<16xi32>
      %parallel_loop3A_212 = tpu.all_reduce %parallel_loop3A_207 {dim = 0 : i64, kind = #tpu.reduction_kind<sum>} : vector<16xi1> -> vector<16xi32>
      %parallel_loop3A_213 = vector.broadcast %parallel_loop3A_199 : i32 to vector<16xi32>
      %parallel_loop3A_214 = arith.addi %iota3A, %parallel_loop3A_213 : vector<16xi32>
      %parallel_loop3A_215 = arith.addi %parallel_loop3A_200, %parallel_loop3A_211 : vector<16xi32>
      %parallel_loop3A_216 = arith.constant 1 : i32
      %parallel_loop3A_217 = vector.broadcast %parallel_loop3A_216 : i32 to vector<16xi32>
      %parallel_loop3A_218 = arith.subi %parallel_loop3A_215, %parallel_loop3A_217 : vector<16xi32>
      tpu.vector_store_idx %arg8[%parallel_loop3A_218], %parallel_loop3A_214 masked %parallel_loop3A_207 : memref<16512xi32, #tpu.memory_space<vmem>>[vector<16xi32>], vector<16xi32>, vector<16xi1>
      %parallel_loop3A_219 = arith.addi %parallel_loop3A_200, %parallel_loop3A_212 : vector<16xi32>
      scf.yield %parallel_loop3A_219 : vector<16xi32>
    } {sc.loop_unroll_factor = 8 : i64, sc.parallel_access}
    %add3A_126 = arith.constant 0 : i32
    %add3A_127 = vector.broadcast %add3A_126 : i32 to vector<16xi32>
    %add3A_128 = arith.addi %iota3A, %add3A_127 : vector<16xi32>
    %add3A_129 = arith.addi %parallel_loop3A_125, %add3A_128 : vector<16xi32>
    tpu.vector_store_idx %arg8[%add3A_129], %broadcast_in_dim3A_14 : memref<16512xi32, #tpu.memory_space<vmem>>[vector<16xi32>], vector<16xi32>,
    %add3A_130 = arith.constant 16 : i32
    %add3A_131 = vector.broadcast %add3A_130 : i32 to vector<16xi32>
    %add3A_132 = arith.addi %iota3A, %add3A_131 : vector<16xi32>
    %add3A_133 = arith.addi %parallel_loop3A_125, %add3A_132 : vector<16xi32>
    tpu.vector_store_idx %arg8[%add3A_133], %broadcast_in_dim3A_14 : memref<16512xi32, #tpu.memory_space<vmem>>[vector<16xi32>], vector<16xi32>,
    %add3A_134 = arith.constant 32 : i32
    %add3A_135 = vector.broadcast %add3A_134 : i32 to vector<16xi32>
    %add3A_136 = arith.addi %iota3A, %add3A_135 : vector<16xi32>
    %add3A_137 = arith.addi %parallel_loop3A_125, %add3A_136 : vector<16xi32>
    tpu.vector_store_idx %arg8[%add3A_137], %broadcast_in_dim3A_14 : memref<16512xi32, #tpu.memory_space<vmem>>[vector<16xi32>], vector<16xi32>,
    %add3A_138 = arith.constant 48 : i32
    %add3A_139 = vector.broadcast %add3A_138 : i32 to vector<16xi32>
    %add3A_140 = arith.addi %iota3A, %add3A_139 : vector<16xi32>
    %add3A_141 = arith.addi %parallel_loop3A_125, %add3A_140 : vector<16xi32>
    tpu.vector_store_idx %arg8[%add3A_141], %broadcast_in_dim3A_14 : memref<16512xi32, #tpu.memory_space<vmem>>[vector<16xi32>], vector<16xi32>,
    %add3A_142 = arith.constant 64 : i32
    %add3A_143 = vector.broadcast %add3A_142 : i32 to vector<16xi32>
    %add3A_144 = arith.addi %iota3A, %add3A_143 : vector<16xi32>
    %add3A_145 = arith.addi %parallel_loop3A_125, %add3A_144 : vector<16xi32>
    tpu.vector_store_idx %arg8[%add3A_145], %broadcast_in_dim3A_14 : memref<16512xi32, #tpu.memory_space<vmem>>[vector<16xi32>], vector<16xi32>,
    %add3A_146 = arith.constant 80 : i32
    %add3A_147 = vector.broadcast %add3A_146 : i32 to vector<16xi32>
    %add3A_148 = arith.addi %iota3A, %add3A_147 : vector<16xi32>
    %add3A_149 = arith.addi %parallel_loop3A_125, %add3A_148 : vector<16xi32>
    tpu.vector_store_idx %arg8[%add3A_149], %broadcast_in_dim3A_14 : memref<16512xi32, #tpu.memory_space<vmem>>[vector<16xi32>], vector<16xi32>,
    %add3A_150 = arith.constant 96 : i32
    %add3A_151 = vector.broadcast %add3A_150 : i32 to vector<16xi32>
    %add3A_152 = arith.addi %iota3A, %add3A_151 : vector<16xi32>
    %add3A_153 = arith.addi %parallel_loop3A_125, %add3A_152 : vector<16xi32>
    tpu.vector_store_idx %arg8[%add3A_153], %broadcast_in_dim3A_14 : memref<16512xi32, #tpu.memory_space<vmem>>[vector<16xi32>], vector<16xi32>,
    %add3A_154 = arith.constant 112 : i32
    %add3A_155 = vector.broadcast %add3A_154 : i32 to vector<16xi32>
    %add3A_156 = arith.addi %iota3A, %add3A_155 : vector<16xi32>
    %add3A_157 = arith.addi %parallel_loop3A_125, %add3A_156 : vector<16xi32>
    tpu.vector_store_idx %arg8[%add3A_157], %broadcast_in_dim3A_14 : memref<16512xi32, #tpu.memory_space<vmem>>[vector<16xi32>], vector<16xi32>,
    %reduce_max3A_158 = arith.constant true
    %reduce_max3A_159 = vector.broadcast %reduce_max3A_158 : i1 to vector<16xi1>
    %reduce_max3A_160 = arith.constant -2147483648 : i32
    %reduce_max3A_161 = vector.broadcast %reduce_max3A_160 : i32 to vector<16xi32>
    %reduce_max3A_162 = arith.xori %parallel_loop3A_125, %reduce_max3A_161 : vector<16xi32>
    %reduce_max3A_163 = tpu.scan <max>, %reduce_max3A_162 masked %reduce_max3A_159 : vector<16xi32>, vector<16xi1> -> vector<16xi32>
    %reduce_max3A_164 = arith.xori %reduce_max3A_163, %reduce_max3A_161 : vector<16xi32>
    %reduce_max3A_165 = vector.extract %reduce_max3A_164[15] : i32 from vector<16xi32>
    %add3A_166 = arith.constant 127 : i32
    %add3A_167 = arith.addi %reduce_max3A_165, %add3A_166 : i32
    %shift_right_arithmetic3A_168 = arith.constant 7 : i32
    %shift_right_arithmetic3A_169 = arith.shrsi %add3A_167, %shift_right_arithmetic3A_168 : i32
    %add3A_170 = arith.constant 16384 : i32
    %add3A_171 = arith.addi %mul3A_12, %add3A_170 : i32
    %sub3A_172 = arith.constant 0 : i32
    %sub3A_173 = arith.subi %shift_right_arithmetic3A_169, %sub3A_172 : i32
    %sub3A_174 = arith.constant 1 : i32
    %sub3A_175 = arith.constant 1 : i32
    %sub3A_176 = arith.subi %sub3A_174, %sub3A_175 : i32
    %add3A_177 = arith.addi %sub3A_173, %sub3A_176 : i32
    %div3A_178 = arith.constant 1 : i32
    %div3A_179 = arith.divsi %add3A_177, %div3A_178 : i32
    %while3A_180 = arith.constant 1 : i32
    %while3A_181 = arith.constant 0 : i32
    %while3A_182 = arith.constant 0 : i32
    %while3A_183 = arith.subi %div3A_179, %while3A_182 : i32
    %while3A_184 = arith.addi %while3A_182, %while3A_183 : i32
    %while3A_185 = arith.constant 1 : i32
    %while3A_186 = arith.divsi %while3A_183, %while3A_185 : i32
    %while3A_187 = arith.muli %while3A_186, %while3A_185 : i32
    %while3A_188 = arith.addi %while3A_182, %while3A_187 : i32
    %while3A_189 = arith.constant 1 : i32
    scf.for %while3A_199 = %while3A_182 to %while3A_188 step %while3A_189  : i32 {
      %mul3A_200 = arith.muli %while3A_199, %while3A_180 : i32
      %add3A_201 = arith.addi %while3A_181, %mul3A_200 : i32
      %mul3A_202 = arith.constant 128 : i32
      %mul3A_203 = arith.muli %add3A_201, %mul3A_202 : i32
      %add3A_204 = arith.constant 0 : i32
      %add3A_205 = arith.addi %mul3A_203, %add3A_204 : i32
      %get3A = arith.index_cast %add3A_205 : i32 to index
      %get3A_206 = tpu.vector_load %arg8[%get3A] {strides = array<i32>} : memref<16512xi32, #tpu.memory_space<vmem>>, vector<16xi32>,
      %add3A_207 = vector.broadcast %add3A_171 : i32 to vector<16xi32>
      %add3A_208 = arith.addi %get3A_206, %add3A_207 : vector<16xi32>
      %swap3A = arith.constant 0 : index
      %swap3A_209 = tpu.vector_load %arg9[%swap3A] {strides = array<i32>} : memref<128xi32, #tpu.memory_space<vmem>>, vector<16xi32>,
      tpu.vector_store %arg9[%swap3A], %add3A_208 {strides = array<i32>} : memref<128xi32, #tpu.memory_space<vmem>>, vector<16xi32>,
      %add3A_210 = arith.constant 16 : i32
      %add3A_211 = arith.addi %mul3A_203, %add3A_210 : i32
      %get3A_212 = arith.index_cast %add3A_211 : i32 to index
      %get3A_213 = tpu.vector_load %arg8[%get3A_212] {strides = array<i32>} : memref<16512xi32, #tpu.memory_space<vmem>>, vector<16xi32>,
      %add3A_214 = vector.broadcast %add3A_171 : i32 to vector<16xi32>
      %add3A_215 = arith.addi %get3A_213, %add3A_214 : vector<16xi32>
      %swap3A_216 = arith.constant 16 : index
      %swap3A_217 = tpu.vector_load %arg9[%swap3A_216] {strides = array<i32>} : memref<128xi32, #tpu.memory_space<vmem>>, vector<16xi32>,
      tpu.vector_store %arg9[%swap3A_216], %add3A_215 {strides = array<i32>} : memref<128xi32, #tpu.memory_space<vmem>>, vector<16xi32>,
      %add3A_218 = arith.constant 32 : i32
      %add3A_219 = arith.addi %mul3A_203, %add3A_218 : i32
      %get3A_220 = arith.index_cast %add3A_219 : i32 to index
      %get3A_221 = tpu.vector_load %arg8[%get3A_220] {strides = array<i32>} : memref<16512xi32, #tpu.memory_space<vmem>>, vector<16xi32>,
      %add3A_222 = vector.broadcast %add3A_171 : i32 to vector<16xi32>
      %add3A_223 = arith.addi %get3A_221, %add3A_222 : vector<16xi32>
      %swap3A_224 = arith.constant 32 : index
      %swap3A_225 = tpu.vector_load %arg9[%swap3A_224] {strides = array<i32>} : memref<128xi32, #tpu.memory_space<vmem>>, vector<16xi32>,
      tpu.vector_store %arg9[%swap3A_224], %add3A_223 {strides = array<i32>} : memref<128xi32, #tpu.memory_space<vmem>>, vector<16xi32>,
      %add3A_226 = arith.constant 48 : i32
      %add3A_227 = arith.addi %mul3A_203, %add3A_226 : i32
      %get3A_228 = arith.index_cast %add3A_227 : i32 to index
      %get3A_229 = tpu.vector_load %arg8[%get3A_228] {strides = array<i32>} : memref<16512xi32, #tpu.memory_space<vmem>>, vector<16xi32>,
      %add3A_230 = vector.broadcast %add3A_171 : i32 to vector<16xi32>
      %add3A_231 = arith.addi %get3A_229, %add3A_230 : vector<16xi32>
      %swap3A_232 = arith.constant 48 : index
      %swap3A_233 = tpu.vector_load %arg9[%swap3A_232] {strides = array<i32>} : memref<128xi32, #tpu.memory_space<vmem>>, vector<16xi32>,
      tpu.vector_store %arg9[%swap3A_232], %add3A_231 {strides = array<i32>} : memref<128xi32, #tpu.memory_space<vmem>>, vector<16xi32>,
      %add3A_234 = arith.constant 64 : i32
      %add3A_235 = arith.addi %mul3A_203, %add3A_234 : i32
      %get3A_236 = arith.index_cast %add3A_235 : i32 to index
      %get3A_237 = tpu.vector_load %arg8[%get3A_236] {strides = array<i32>} : memref<16512xi32, #tpu.memory_space<vmem>>, vector<16xi32>,
      %add3A_238 = vector.broadcast %add3A_171 : i32 to vector<16xi32>
      %add3A_239 = arith.addi %get3A_237, %add3A_238 : vector<16xi32>
      %swap3A_240 = arith.constant 64 : index
      %swap3A_241 = tpu.vector_load %arg9[%swap3A_240] {strides = array<i32>} : memref<128xi32, #tpu.memory_space<vmem>>, vector<16xi32>,
      tpu.vector_store %arg9[%swap3A_240], %add3A_239 {strides = array<i32>} : memref<128xi32, #tpu.memory_space<vmem>>, vector<16xi32>,
      %add3A_242 = arith.constant 80 : i32
      %add3A_243 = arith.addi %mul3A_203, %add3A_242 : i32
      %get3A_244 = arith.index_cast %add3A_243 : i32 to index
      %get3A_245 = tpu.vector_load %arg8[%get3A_244] {strides = array<i32>} : memref<16512xi32, #tpu.memory_space<vmem>>, vector<16xi32>,
      %add3A_246 = vector.broadcast %add3A_171 : i32 to vector<16xi32>
      %add3A_247 = arith.addi %get3A_245, %add3A_246 : vector<16xi32>
      %swap3A_248 = arith.constant 80 : index
      %swap3A_249 = tpu.vector_load %arg9[%swap3A_248] {strides = array<i32>} : memref<128xi32, #tpu.memory_space<vmem>>, vector<16xi32>,
      tpu.vector_store %arg9[%swap3A_248], %add3A_247 {strides = array<i32>} : memref<128xi32, #tpu.memory_space<vmem>>, vector<16xi32>,
      %add3A_250 = arith.constant 96 : i32
      %add3A_251 = arith.addi %mul3A_203, %add3A_250 : i32
      %get3A_252 = arith.index_cast %add3A_251 : i32 to index
      %get3A_253 = tpu.vector_load %arg8[%get3A_252] {strides = array<i32>} : memref<16512xi32, #tpu.memory_space<vmem>>, vector<16xi32>,
      %add3A_254 = vector.broadcast %add3A_171 : i32 to vector<16xi32>
      %add3A_255 = arith.addi %get3A_253, %add3A_254 : vector<16xi32>
      %swap3A_256 = arith.constant 96 : index
      %swap3A_257 = tpu.vector_load %arg9[%swap3A_256] {strides = array<i32>} : memref<128xi32, #tpu.memory_space<vmem>>, vector<16xi32>,
      tpu.vector_store %arg9[%swap3A_256], %add3A_255 {strides = array<i32>} : memref<128xi32, #tpu.memory_space<vmem>>, vector<16xi32>,
      %add3A_258 = arith.constant 112 : i32
      %add3A_259 = arith.addi %mul3A_203, %add3A_258 : i32
      %get3A_260 = arith.index_cast %add3A_259 : i32 to index
      %get3A_261 = tpu.vector_load %arg8[%get3A_260] {strides = array<i32>} : memref<16512xi32, #tpu.memory_space<vmem>>, vector<16xi32>,
      %add3A_262 = vector.broadcast %add3A_171 : i32 to vector<16xi32>
      %add3A_263 = arith.addi %get3A_261, %add3A_262 : vector<16xi32>
      %swap3A_264 = arith.constant 112 : index
      %swap3A_265 = tpu.vector_load %arg9[%swap3A_264] {strides = array<i32>} : memref<128xi32, #tpu.memory_space<vmem>>, vector<16xi32>,
      tpu.vector_store %arg9[%swap3A_264], %add3A_263 {strides = array<i32>} : memref<128xi32, #tpu.memory_space<vmem>>, vector<16xi32>,
      %dma_start3A_266 = arith.constant 0 : i32
      %dma_start3A_267 = tpu.memref_slice %arg3[%dma_start3A_266] : memref<1048576xi32, #tpu.memory_space<hbm>> -> memref<1048576xi32, #tpu.memory_space<hbm>>
      tpu.enqueue_indirect_dma source(%dma_start3A_267 : memref<1048576xi32, #tpu.memory_space<hbm>>) target(%arg10 : memref<128xi32, #tpu.memory_space<vmem>>) offsets(%arg9 : memref<128xi32, #tpu.memory_space<vmem>>) semaphore(%arg18 : memref<!tpu.dma_semaphore, #tpu.memory_space<semaphore_mem>>)
      %dma_start3A_268 = arith.constant 0 : i32
      %dma_start3A_269 = tpu.memref_slice %arg4[%dma_start3A_268] : memref<1048576xi32, #tpu.memory_space<hbm>> -> memref<1048576xi32, #tpu.memory_space<hbm>>
      tpu.enqueue_indirect_dma source(%dma_start3A_269 : memref<1048576xi32, #tpu.memory_space<hbm>>) target(%arg11 : memref<128xi32, #tpu.memory_space<vmem>>) offsets(%arg9 : memref<128xi32, #tpu.memory_space<vmem>>) semaphore(%arg18 : memref<!tpu.dma_semaphore, #tpu.memory_space<semaphore_mem>>)
      %dma_start3A_270 = arith.constant 0 : i32
      %dma_start3A_271 = tpu.memref_slice %arg5[%dma_start3A_270] : memref<1048576xf32, #tpu.memory_space<hbm>> -> memref<1048576xf32, #tpu.memory_space<hbm>>
      tpu.enqueue_indirect_dma source(%dma_start3A_271 : memref<1048576xf32, #tpu.memory_space<hbm>>) target(%arg12 : memref<128xf32, #tpu.memory_space<vmem>>) offsets(%arg9 : memref<128xi32, #tpu.memory_space<vmem>>) semaphore(%arg18 : memref<!tpu.dma_semaphore, #tpu.memory_space<semaphore_mem>>)
      %dma_wait3A_272 = arith.constant 0 : i32
      %dma_wait3A_273 = tpu.memref_slice %arg3[%dma_wait3A_272] : memref<1048576xi32, #tpu.memory_space<hbm>> -> memref<1048576xi32, #tpu.memory_space<hbm>>
      tpu.wait_indirect_dma semaphore(%arg18 : memref<!tpu.dma_semaphore, #tpu.memory_space<semaphore_mem>>) src(%dma_wait3A_273 : memref<1048576xi32, #tpu.memory_space<hbm>>) dst(%arg10 : memref<128xi32, #tpu.memory_space<vmem>>)
      %dma_wait3A_274 = arith.constant 0 : i32
      %dma_wait3A_275 = tpu.memref_slice %arg4[%dma_wait3A_274] : memref<1048576xi32, #tpu.memory_space<hbm>> -> memref<1048576xi32, #tpu.memory_space<hbm>>
      tpu.wait_indirect_dma semaphore(%arg18 : memref<!tpu.dma_semaphore, #tpu.memory_space<semaphore_mem>>) src(%dma_wait3A_275 : memref<1048576xi32, #tpu.memory_space<hbm>>) dst(%arg11 : memref<128xi32, #tpu.memory_space<vmem>>)
      %dma_wait3A_276 = arith.constant 0 : i32
      %dma_wait3A_277 = tpu.memref_slice %arg5[%dma_wait3A_276] : memref<1048576xf32, #tpu.memory_space<hbm>> -> memref<1048576xf32, #tpu.memory_space<hbm>>
      tpu.wait_indirect_dma semaphore(%arg18 : memref<!tpu.dma_semaphore, #tpu.memory_space<semaphore_mem>>) src(%dma_wait3A_277 : memref<1048576xf32, #tpu.memory_space<hbm>>) dst(%arg12 : memref<128xf32, #tpu.memory_space<vmem>>)
      %add3A_278 = arith.constant 0 : i32
      %add3A_279 = arith.addi %mul3A_203, %add3A_278 : i32
      %add3A_280 = vector.broadcast %add3A_279 : i32 to vector<16xi32>
      %add3A_281 = arith.addi %iota3A, %add3A_280 : vector<16xi32>
      %lt3A = arith.cmpi slt, %add3A_281, %parallel_loop3A_125 : vector<16xi32>
      %get3A_282 = arith.constant 0 : index
      %get3A_283 = tpu.vector_load %arg12[%get3A_282] {strides = array<i32>} : memref<128xf32, #tpu.memory_space<vmem>>, vector<16xf32>,
      %jit3A = arith.constant 0.000000e+00 : f32
      %broadcast_in_dim3A_284 = vector.broadcast %jit3A : f32 to vector<16xf32>
      %select_n3A = arith.select %lt3A, %get3A_283, %broadcast_in_dim3A_284 : vector<16xi1>, vector<16xf32>
      %get3A_285 = arith.constant 0 : index
      %get3A_286 = tpu.vector_load %arg10[%get3A_285] {strides = array<i32>} : memref<128xi32, #tpu.memory_space<vmem>>, vector<16xi32>,
      %shift_left3A = arith.constant 8 : i32
      %shift_left3A_287 = vector.broadcast %shift_left3A : i32 to vector<16xi32>
      %shift_left3A_288 = arith.shli %get3A_286, %shift_left3A_287 : vector<16xi32>
      %get3A_289 = arith.constant 0 : index
      %get3A_290 = tpu.vector_load %arg11[%get3A_289] {strides = array<i32>} : memref<128xi32, #tpu.memory_space<vmem>>, vector<16xi32>,
      %or3A = arith.ori %shift_left3A_288, %get3A_290 : vector<16xi32>
      %swap3A_291 = arith.constant 0 : index
      %swap3A_292 = tpu.vector_load %arg13[%swap3A_291] {strides = array<i32>} : memref<128xi32, #tpu.memory_space<vmem>>, vector<16xi32>,
      tpu.vector_store %arg13[%swap3A_291], %or3A {strides = array<i32>} : memref<128xi32, #tpu.memory_space<vmem>>, vector<16xi32>,
      %swap3A_293 = arith.constant 0 : index
      %swap3A_294 = tpu.vector_load %arg14[%swap3A_293] {strides = array<i32>} : memref<128xf32, #tpu.memory_space<vmem>>, vector<16xf32>,
      tpu.vector_store %arg14[%swap3A_293], %select_n3A {strides = array<i32>} : memref<128xf32, #tpu.memory_space<vmem>>, vector<16xf32>,
      %add3A_295 = arith.constant 16 : i32
      %add3A_296 = arith.addi %mul3A_203, %add3A_295 : i32
      %add3A_297 = vector.broadcast %add3A_296 : i32 to vector<16xi32>
      %add3A_298 = arith.addi %iota3A, %add3A_297 : vector<16xi32>
      %lt3A_299 = arith.cmpi slt, %add3A_298, %parallel_loop3A_125 : vector<16xi32>
      %get3A_300 = arith.constant 16 : index
      %get3A_301 = tpu.vector_load %arg12[%get3A_300] {strides = array<i32>} : memref<128xf32, #tpu.memory_space<vmem>>, vector<16xf32>,
      %jit3A_302 = arith.constant 0.000000e+00 : f32
      %broadcast_in_dim3A_303 = vector.broadcast %jit3A_302 : f32 to vector<16xf32>
      %select_n3A_304 = arith.select %lt3A_299, %get3A_301, %broadcast_in_dim3A_303 : vector<16xi1>, vector<16xf32>
      %get3A_305 = arith.constant 16 : index
      %get3A_306 = tpu.vector_load %arg10[%get3A_305] {strides = array<i32>} : memref<128xi32, #tpu.memory_space<vmem>>, vector<16xi32>,
      %shift_left3A_307 = arith.constant 8 : i32
      %shift_left3A_308 = vector.broadcast %shift_left3A_307 : i32 to vector<16xi32>
      %shift_left3A_309 = arith.shli %get3A_306, %shift_left3A_308 : vector<16xi32>
      %get3A_310 = arith.constant 16 : index
      %get3A_311 = tpu.vector_load %arg11[%get3A_310] {strides = array<i32>} : memref<128xi32, #tpu.memory_space<vmem>>, vector<16xi32>,
      %or3A_312 = arith.ori %shift_left3A_309, %get3A_311 : vector<16xi32>
      %swap3A_313 = arith.constant 16 : index
      %swap3A_314 = tpu.vector_load %arg13[%swap3A_313] {strides = array<i32>} : memref<128xi32, #tpu.memory_space<vmem>>, vector<16xi32>,
      tpu.vector_store %arg13[%swap3A_313], %or3A_312 {strides = array<i32>} : memref<128xi32, #tpu.memory_space<vmem>>, vector<16xi32>,
      %swap3A_315 = arith.constant 16 : index
      %swap3A_316 = tpu.vector_load %arg14[%swap3A_315] {strides = array<i32>} : memref<128xf32, #tpu.memory_space<vmem>>, vector<16xf32>,
      tpu.vector_store %arg14[%swap3A_315], %select_n3A_304 {strides = array<i32>} : memref<128xf32, #tpu.memory_space<vmem>>, vector<16xf32>,
      %add3A_317 = arith.constant 32 : i32
      %add3A_318 = arith.addi %mul3A_203, %add3A_317 : i32
      %add3A_319 = vector.broadcast %add3A_318 : i32 to vector<16xi32>
      %add3A_320 = arith.addi %iota3A, %add3A_319 : vector<16xi32>
      %lt3A_321 = arith.cmpi slt, %add3A_320, %parallel_loop3A_125 : vector<16xi32>
      %get3A_322 = arith.constant 32 : index
      %get3A_323 = tpu.vector_load %arg12[%get3A_322] {strides = array<i32>} : memref<128xf32, #tpu.memory_space<vmem>>, vector<16xf32>,
      %jit3A_324 = arith.constant 0.000000e+00 : f32
      %broadcast_in_dim3A_325 = vector.broadcast %jit3A_324 : f32 to vector<16xf32>
      %select_n3A_326 = arith.select %lt3A_321, %get3A_323, %broadcast_in_dim3A_325 : vector<16xi1>, vector<16xf32>
      %get3A_327 = arith.constant 32 : index
      %get3A_328 = tpu.vector_load %arg10[%get3A_327] {strides = array<i32>} : memref<128xi32, #tpu.memory_space<vmem>>, vector<16xi32>,
      %shift_left3A_329 = arith.constant 8 : i32
      %shift_left3A_330 = vector.broadcast %shift_left3A_329 : i32 to vector<16xi32>
      %shift_left3A_331 = arith.shli %get3A_328, %shift_left3A_330 : vector<16xi32>
      %get3A_332 = arith.constant 32 : index
      %get3A_333 = tpu.vector_load %arg11[%get3A_332] {strides = array<i32>} : memref<128xi32, #tpu.memory_space<vmem>>, vector<16xi32>,
      %or3A_334 = arith.ori %shift_left3A_331, %get3A_333 : vector<16xi32>
      %swap3A_335 = arith.constant 32 : index
      %swap3A_336 = tpu.vector_load %arg13[%swap3A_335] {strides = array<i32>} : memref<128xi32, #tpu.memory_space<vmem>>, vector<16xi32>,
      tpu.vector_store %arg13[%swap3A_335], %or3A_334 {strides = array<i32>} : memref<128xi32, #tpu.memory_space<vmem>>, vector<16xi32>,
      %swap3A_337 = arith.constant 32 : index
      %swap3A_338 = tpu.vector_load %arg14[%swap3A_337] {strides = array<i32>} : memref<128xf32, #tpu.memory_space<vmem>>, vector<16xf32>,
      tpu.vector_store %arg14[%swap3A_337], %select_n3A_326 {strides = array<i32>} : memref<128xf32, #tpu.memory_space<vmem>>, vector<16xf32>,
      %add3A_339 = arith.constant 48 : i32
      %add3A_340 = arith.addi %mul3A_203, %add3A_339 : i32
      %add3A_341 = vector.broadcast %add3A_340 : i32 to vector<16xi32>
      %add3A_342 = arith.addi %iota3A, %add3A_341 : vector<16xi32>
      %lt3A_343 = arith.cmpi slt, %add3A_342, %parallel_loop3A_125 : vector<16xi32>
      %get3A_344 = arith.constant 48 : index
      %get3A_345 = tpu.vector_load %arg12[%get3A_344] {strides = array<i32>} : memref<128xf32, #tpu.memory_space<vmem>>, vector<16xf32>,
      %jit3A_346 = arith.constant 0.000000e+00 : f32
      %broadcast_in_dim3A_347 = vector.broadcast %jit3A_346 : f32 to vector<16xf32>
      %select_n3A_348 = arith.select %lt3A_343, %get3A_345, %broadcast_in_dim3A_347 : vector<16xi1>, vector<16xf32>
      %get3A_349 = arith.constant 48 : index
      %get3A_350 = tpu.vector_load %arg10[%get3A_349] {strides = array<i32>} : memref<128xi32, #tpu.memory_space<vmem>>, vector<16xi32>,
      %shift_left3A_351 = arith.constant 8 : i32
      %shift_left3A_352 = vector.broadcast %shift_left3A_351 : i32 to vector<16xi32>
      %shift_left3A_353 = arith.shli %get3A_350, %shift_left3A_352 : vector<16xi32>
      %get3A_354 = arith.constant 48 : index
      %get3A_355 = tpu.vector_load %arg11[%get3A_354] {strides = array<i32>} : memref<128xi32, #tpu.memory_space<vmem>>, vector<16xi32>,
      %or3A_356 = arith.ori %shift_left3A_353, %get3A_355 : vector<16xi32>
      %swap3A_357 = arith.constant 48 : index
      %swap3A_358 = tpu.vector_load %arg13[%swap3A_357] {strides = array<i32>} : memref<128xi32, #tpu.memory_space<vmem>>, vector<16xi32>,
      tpu.vector_store %arg13[%swap3A_357], %or3A_356 {strides = array<i32>} : memref<128xi32, #tpu.memory_space<vmem>>, vector<16xi32>,
      %swap3A_359 = arith.constant 48 : index
      %swap3A_360 = tpu.vector_load %arg14[%swap3A_359] {strides = array<i32>} : memref<128xf32, #tpu.memory_space<vmem>>, vector<16xf32>,
      tpu.vector_store %arg14[%swap3A_359], %select_n3A_348 {strides = array<i32>} : memref<128xf32, #tpu.memory_space<vmem>>, vector<16xf32>,
      %add3A_361 = arith.constant 64 : i32
      %add3A_362 = arith.addi %mul3A_203, %add3A_361 : i32
      %add3A_363 = vector.broadcast %add3A_362 : i32 to vector<16xi32>
      %add3A_364 = arith.addi %iota3A, %add3A_363 : vector<16xi32>
      %lt3A_365 = arith.cmpi slt, %add3A_364, %parallel_loop3A_125 : vector<16xi32>
      %get3A_366 = arith.constant 64 : index
      %get3A_367 = tpu.vector_load %arg12[%get3A_366] {strides = array<i32>} : memref<128xf32, #tpu.memory_space<vmem>>, vector<16xf32>,
      %jit3A_368 = arith.constant 0.000000e+00 : f32
      %broadcast_in_dim3A_369 = vector.broadcast %jit3A_368 : f32 to vector<16xf32>
      %select_n3A_370 = arith.select %lt3A_365, %get3A_367, %broadcast_in_dim3A_369 : vector<16xi1>, vector<16xf32>
      %get3A_371 = arith.constant 64 : index
      %get3A_372 = tpu.vector_load %arg10[%get3A_371] {strides = array<i32>} : memref<128xi32, #tpu.memory_space<vmem>>, vector<16xi32>,
      %shift_left3A_373 = arith.constant 8 : i32
      %shift_left3A_374 = vector.broadcast %shift_left3A_373 : i32 to vector<16xi32>
      %shift_left3A_375 = arith.shli %get3A_372, %shift_left3A_374 : vector<16xi32>
      %get3A_376 = arith.constant 64 : index
      %get3A_377 = tpu.vector_load %arg11[%get3A_376] {strides = array<i32>} : memref<128xi32, #tpu.memory_space<vmem>>, vector<16xi32>,
      %or3A_378 = arith.ori %shift_left3A_375, %get3A_377 : vector<16xi32>
      %swap3A_379 = arith.constant 64 : index
      %swap3A_380 = tpu.vector_load %arg13[%swap3A_379] {strides = array<i32>} : memref<128xi32, #tpu.memory_space<vmem>>, vector<16xi32>,
      tpu.vector_store %arg13[%swap3A_379], %or3A_378 {strides = array<i32>} : memref<128xi32, #tpu.memory_space<vmem>>, vector<16xi32>,
      %swap3A_381 = arith.constant 64 : index
      %swap3A_382 = tpu.vector_load %arg14[%swap3A_381] {strides = array<i32>} : memref<128xf32, #tpu.memory_space<vmem>>, vector<16xf32>,
      tpu.vector_store %arg14[%swap3A_381], %select_n3A_370 {strides = array<i32>} : memref<128xf32, #tpu.memory_space<vmem>>, vector<16xf32>,
      %add3A_383 = arith.constant 80 : i32
      %add3A_384 = arith.addi %mul3A_203, %add3A_383 : i32
      %add3A_385 = vector.broadcast %add3A_384 : i32 to vector<16xi32>
      %add3A_386 = arith.addi %iota3A, %add3A_385 : vector<16xi32>
      %lt3A_387 = arith.cmpi slt, %add3A_386, %parallel_loop3A_125 : vector<16xi32>
      %get3A_388 = arith.constant 80 : index
      %get3A_389 = tpu.vector_load %arg12[%get3A_388] {strides = array<i32>} : memref<128xf32, #tpu.memory_space<vmem>>, vector<16xf32>,
      %jit3A_390 = arith.constant 0.000000e+00 : f32
      %broadcast_in_dim3A_391 = vector.broadcast %jit3A_390 : f32 to vector<16xf32>
      %select_n3A_392 = arith.select %lt3A_387, %get3A_389, %broadcast_in_dim3A_391 : vector<16xi1>, vector<16xf32>
      %get3A_393 = arith.constant 80 : index
      %get3A_394 = tpu.vector_load %arg10[%get3A_393] {strides = array<i32>} : memref<128xi32, #tpu.memory_space<vmem>>, vector<16xi32>,
      %shift_left3A_395 = arith.constant 8 : i32
      %shift_left3A_396 = vector.broadcast %shift_left3A_395 : i32 to vector<16xi32>
      %shift_left3A_397 = arith.shli %get3A_394, %shift_left3A_396 : vector<16xi32>
      %get3A_398 = arith.constant 80 : index
      %get3A_399 = tpu.vector_load %arg11[%get3A_398] {strides = array<i32>} : memref<128xi32, #tpu.memory_space<vmem>>, vector<16xi32>,
      %or3A_400 = arith.ori %shift_left3A_397, %get3A_399 : vector<16xi32>
      %swap3A_401 = arith.constant 80 : index
      %swap3A_402 = tpu.vector_load %arg13[%swap3A_401] {strides = array<i32>} : memref<128xi32, #tpu.memory_space<vmem>>, vector<16xi32>,
      tpu.vector_store %arg13[%swap3A_401], %or3A_400 {strides = array<i32>} : memref<128xi32, #tpu.memory_space<vmem>>, vector<16xi32>,
      %swap3A_403 = arith.constant 80 : index
      %swap3A_404 = tpu.vector_load %arg14[%swap3A_403] {strides = array<i32>} : memref<128xf32, #tpu.memory_space<vmem>>, vector<16xf32>,
      tpu.vector_store %arg14[%swap3A_403], %select_n3A_392 {strides = array<i32>} : memref<128xf32, #tpu.memory_space<vmem>>, vector<16xf32>,
      %add3A_405 = arith.constant 96 : i32
      %add3A_406 = arith.addi %mul3A_203, %add3A_405 : i32
      %add3A_407 = vector.broadcast %add3A_406 : i32 to vector<16xi32>
      %add3A_408 = arith.addi %iota3A, %add3A_407 : vector<16xi32>
      %lt3A_409 = arith.cmpi slt, %add3A_408, %parallel_loop3A_125 : vector<16xi32>
      %get3A_410 = arith.constant 96 : index
      %get3A_411 = tpu.vector_load %arg12[%get3A_410] {strides = array<i32>} : memref<128xf32, #tpu.memory_space<vmem>>, vector<16xf32>,
      %jit3A_412 = arith.constant 0.000000e+00 : f32
      %broadcast_in_dim3A_413 = vector.broadcast %jit3A_412 : f32 to vector<16xf32>
      %select_n3A_414 = arith.select %lt3A_409, %get3A_411, %broadcast_in_dim3A_413 : vector<16xi1>, vector<16xf32>
      %get3A_415 = arith.constant 96 : index
      %get3A_416 = tpu.vector_load %arg10[%get3A_415] {strides = array<i32>} : memref<128xi32, #tpu.memory_space<vmem>>, vector<16xi32>,
      %shift_left3A_417 = arith.constant 8 : i32
      %shift_left3A_418 = vector.broadcast %shift_left3A_417 : i32 to vector<16xi32>
      %shift_left3A_419 = arith.shli %get3A_416, %shift_left3A_418 : vector<16xi32>
      %get3A_420 = arith.constant 96 : index
      %get3A_421 = tpu.vector_load %arg11[%get3A_420] {strides = array<i32>} : memref<128xi32, #tpu.memory_space<vmem>>, vector<16xi32>,
      %or3A_422 = arith.ori %shift_left3A_419, %get3A_421 : vector<16xi32>
      %swap3A_423 = arith.constant 96 : index
      %swap3A_424 = tpu.vector_load %arg13[%swap3A_423] {strides = array<i32>} : memref<128xi32, #tpu.memory_space<vmem>>, vector<16xi32>,
      tpu.vector_store %arg13[%swap3A_423], %or3A_422 {strides = array<i32>} : memref<128xi32, #tpu.memory_space<vmem>>, vector<16xi32>,
      %swap3A_425 = arith.constant 96 : index
      %swap3A_426 = tpu.vector_load %arg14[%swap3A_425] {strides = array<i32>} : memref<128xf32, #tpu.memory_space<vmem>>, vector<16xf32>,
      tpu.vector_store %arg14[%swap3A_425], %select_n3A_414 {strides = array<i32>} : memref<128xf32, #tpu.memory_space<vmem>>, vector<16xf32>,
      %add3A_427 = arith.constant 112 : i32
      %add3A_428 = arith.addi %mul3A_203, %add3A_427 : i32
      %add3A_429 = vector.broadcast %add3A_428 : i32 to vector<16xi32>
      %add3A_430 = arith.addi %iota3A, %add3A_429 : vector<16xi32>
      %lt3A_431 = arith.cmpi slt, %add3A_430, %parallel_loop3A_125 : vector<16xi32>
      %get3A_432 = arith.constant 112 : index
      %get3A_433 = tpu.vector_load %arg12[%get3A_432] {strides = array<i32>} : memref<128xf32, #tpu.memory_space<vmem>>, vector<16xf32>,
      %jit3A_434 = arith.constant 0.000000e+00 : f32
      %broadcast_in_dim3A_435 = vector.broadcast %jit3A_434 : f32 to vector<16xf32>
      %select_n3A_436 = arith.select %lt3A_431, %get3A_433, %broadcast_in_dim3A_435 : vector<16xi1>, vector<16xf32>
      %get3A_437 = arith.constant 112 : index
      %get3A_438 = tpu.vector_load %arg10[%get3A_437] {strides = array<i32>} : memref<128xi32, #tpu.memory_space<vmem>>, vector<16xi32>,
      %shift_left3A_439 = arith.constant 8 : i32
      %shift_left3A_440 = vector.broadcast %shift_left3A_439 : i32 to vector<16xi32>
      %shift_left3A_441 = arith.shli %get3A_438, %shift_left3A_440 : vector<16xi32>
      %get3A_442 = arith.constant 112 : index
      %get3A_443 = tpu.vector_load %arg11[%get3A_442] {strides = array<i32>} : memref<128xi32, #tpu.memory_space<vmem>>, vector<16xi32>,
      %or3A_444 = arith.ori %shift_left3A_441, %get3A_443 : vector<16xi32>
      %swap3A_445 = arith.constant 112 : index
      %swap3A_446 = tpu.vector_load %arg13[%swap3A_445] {strides = array<i32>} : memref<128xi32, #tpu.memory_space<vmem>>, vector<16xi32>,
      tpu.vector_store %arg13[%swap3A_445], %or3A_444 {strides = array<i32>} : memref<128xi32, #tpu.memory_space<vmem>>, vector<16xi32>,
      %swap3A_447 = arith.constant 112 : index
      %swap3A_448 = tpu.vector_load %arg14[%swap3A_447] {strides = array<i32>} : memref<128xf32, #tpu.memory_space<vmem>>, vector<16xf32>,
      tpu.vector_store %arg14[%swap3A_447], %select_n3A_436 {strides = array<i32>} : memref<128xf32, #tpu.memory_space<vmem>>, vector<16xf32>,
      "tpu.region"() ({
        %run_scoped3A = tpu.sem_alloc : memref<!tpu.dma_semaphore, #tpu.memory_space<semaphore_mem>>
        %dma_start3A_449 = arith.constant 0 : i32
        %dma_start3A_450 = tpu.memref_slice %arg16[%dma_start3A_449] : memref<1048576xf32, #tpu.memory_space<vmem_shared>> -> memref<1048576xf32, #tpu.memory_space<vmem_shared>>
        tpu.enqueue_indirect_dma source(%arg14 : memref<128xf32, #tpu.memory_space<vmem>>) target(%dma_start3A_450 : memref<1048576xf32, #tpu.memory_space<vmem_shared>>) offsets(%arg13 : memref<128xi32, #tpu.memory_space<vmem>>) semaphore(%run_scoped3A : memref<!tpu.dma_semaphore, #tpu.memory_space<semaphore_mem>>) {add = true}
        %dma_wait3A_451 = arith.constant 0 : i32
        %dma_wait3A_452 = tpu.memref_slice %arg16[%dma_wait3A_451] : memref<1048576xf32, #tpu.memory_space<vmem_shared>> -> memref<1048576xf32, #tpu.memory_space<vmem_shared>>
        tpu.wait_indirect_dma semaphore(%run_scoped3A : memref<!tpu.dma_semaphore, #tpu.memory_space<semaphore_mem>>) src(%arg14 : memref<128xf32, #tpu.memory_space<vmem>>) dst(%dma_wait3A_452 : memref<1048576xf32, #tpu.memory_space<vmem_shared>>)
        tpu.yield
      }) : () -> ()
    }
    %while3A_190 = arith.constant 1 : i32
    scf.for %while3A_199 = %while3A_188 to %while3A_184 step %while3A_190  : i32 {
      %mul3A_200 = arith.muli %while3A_199, %while3A_180 : i32
      %add3A_201 = arith.addi %while3A_181, %mul3A_200 : i32
      %mul3A_202 = arith.constant 128 : i32
      %mul3A_203 = arith.muli %add3A_201, %mul3A_202 : i32
      %add3A_204 = arith.constant 0 : i32
      %add3A_205 = arith.addi %mul3A_203, %add3A_204 : i32
      %get3A = arith.index_cast %add3A_205 : i32 to index
      %get3A_206 = tpu.vector_load %arg8[%get3A] {strides = array<i32>} : memref<16512xi32, #tpu.memory_space<vmem>>, vector<16xi32>,
      %add3A_207 = vector.broadcast %add3A_171 : i32 to vector<16xi32>
      %add3A_208 = arith.addi %get3A_206, %add3A_207 : vector<16xi32>
      %swap3A = arith.constant 0 : index
      %swap3A_209 = tpu.vector_load %arg9[%swap3A] {strides = array<i32>} : memref<128xi32, #tpu.memory_space<vmem>>, vector<16xi32>,
      tpu.vector_store %arg9[%swap3A], %add3A_208 {strides = array<i32>} : memref<128xi32, #tpu.memory_space<vmem>>, vector<16xi32>,
      %add3A_210 = arith.constant 16 : i32
      %add3A_211 = arith.addi %mul3A_203, %add3A_210 : i32
      %get3A_212 = arith.index_cast %add3A_211 : i32 to index
      %get3A_213 = tpu.vector_load %arg8[%get3A_212] {strides = array<i32>} : memref<16512xi32, #tpu.memory_space<vmem>>, vector<16xi32>,
      %add3A_214 = vector.broadcast %add3A_171 : i32 to vector<16xi32>
      %add3A_215 = arith.addi %get3A_213, %add3A_214 : vector<16xi32>
      %swap3A_216 = arith.constant 16 : index
      %swap3A_217 = tpu.vector_load %arg9[%swap3A_216] {strides = array<i32>} : memref<128xi32, #tpu.memory_space<vmem>>, vector<16xi32>,
      tpu.vector_store %arg9[%swap3A_216], %add3A_215 {strides = array<i32>} : memref<128xi32, #tpu.memory_space<vmem>>, vector<16xi32>,
      %add3A_218 = arith.constant 32 : i32
      %add3A_219 = arith.addi %mul3A_203, %add3A_218 : i32
      %get3A_220 = arith.index_cast %add3A_219 : i32 to index
      %get3A_221 = tpu.vector_load %arg8[%get3A_220] {strides = array<i32>} : memref<16512xi32, #tpu.memory_space<vmem>>, vector<16xi32>,
      %add3A_222 = vector.broadcast %add3A_171 : i32 to vector<16xi32>
      %add3A_223 = arith.addi %get3A_221, %add3A_222 : vector<16xi32>
      %swap3A_224 = arith.constant 32 : index
      %swap3A_225 = tpu.vector_load %arg9[%swap3A_224] {strides = array<i32>} : memref<128xi32, #tpu.memory_space<vmem>>, vector<16xi32>,
      tpu.vector_store %arg9[%swap3A_224], %add3A_223 {strides = array<i32>} : memref<128xi32, #tpu.memory_space<vmem>>, vector<16xi32>,
      %add3A_226 = arith.constant 48 : i32
      %add3A_227 = arith.addi %mul3A_203, %add3A_226 : i32
      %get3A_228 = arith.index_cast %add3A_227 : i32 to index
      %get3A_229 = tpu.vector_load %arg8[%get3A_228] {strides = array<i32>} : memref<16512xi32, #tpu.memory_space<vmem>>, vector<16xi32>,
      %add3A_230 = vector.broadcast %add3A_171 : i32 to vector<16xi32>
      %add3A_231 = arith.addi %get3A_229, %add3A_230 : vector<16xi32>
      %swap3A_232 = arith.constant 48 : index
      %swap3A_233 = tpu.vector_load %arg9[%swap3A_232] {strides = array<i32>} : memref<128xi32, #tpu.memory_space<vmem>>, vector<16xi32>,
      tpu.vector_store %arg9[%swap3A_232], %add3A_231 {strides = array<i32>} : memref<128xi32, #tpu.memory_space<vmem>>, vector<16xi32>,
      %add3A_234 = arith.constant 64 : i32
      %add3A_235 = arith.addi %mul3A_203, %add3A_234 : i32
      %get3A_236 = arith.index_cast %add3A_235 : i32 to index
      %get3A_237 = tpu.vector_load %arg8[%get3A_236] {strides = array<i32>} : memref<16512xi32, #tpu.memory_space<vmem>>, vector<16xi32>,
      %add3A_238 = vector.broadcast %add3A_171 : i32 to vector<16xi32>
      %add3A_239 = arith.addi %get3A_237, %add3A_238 : vector<16xi32>
      %swap3A_240 = arith.constant 64 : index
      %swap3A_241 = tpu.vector_load %arg9[%swap3A_240] {strides = array<i32>} : memref<128xi32, #tpu.memory_space<vmem>>, vector<16xi32>,
      tpu.vector_store %arg9[%swap3A_240], %add3A_239 {strides = array<i32>} : memref<128xi32, #tpu.memory_space<vmem>>, vector<16xi32>,
      %add3A_242 = arith.constant 80 : i32
      %add3A_243 = arith.addi %mul3A_203, %add3A_242 : i32
      %get3A_244 = arith.index_cast %add3A_243 : i32 to index
      %get3A_245 = tpu.vector_load %arg8[%get3A_244] {strides = array<i32>} : memref<16512xi32, #tpu.memory_space<vmem>>, vector<16xi32>,
      %add3A_246 = vector.broadcast %add3A_171 : i32 to vector<16xi32>
      %add3A_247 = arith.addi %get3A_245, %add3A_246 : vector<16xi32>
      %swap3A_248 = arith.constant 80 : index
      %swap3A_249 = tpu.vector_load %arg9[%swap3A_248] {strides = array<i32>} : memref<128xi32, #tpu.memory_space<vmem>>, vector<16xi32>,
      tpu.vector_store %arg9[%swap3A_248], %add3A_247 {strides = array<i32>} : memref<128xi32, #tpu.memory_space<vmem>>, vector<16xi32>,
      %add3A_250 = arith.constant 96 : i32
      %add3A_251 = arith.addi %mul3A_203, %add3A_250 : i32
      %get3A_252 = arith.index_cast %add3A_251 : i32 to index
      %get3A_253 = tpu.vector_load %arg8[%get3A_252] {strides = array<i32>} : memref<16512xi32, #tpu.memory_space<vmem>>, vector<16xi32>,
      %add3A_254 = vector.broadcast %add3A_171 : i32 to vector<16xi32>
      %add3A_255 = arith.addi %get3A_253, %add3A_254 : vector<16xi32>
      %swap3A_256 = arith.constant 96 : index
      %swap3A_257 = tpu.vector_load %arg9[%swap3A_256] {strides = array<i32>} : memref<128xi32, #tpu.memory_space<vmem>>, vector<16xi32>,
      tpu.vector_store %arg9[%swap3A_256], %add3A_255 {strides = array<i32>} : memref<128xi32, #tpu.memory_space<vmem>>, vector<16xi32>,
      %add3A_258 = arith.constant 112 : i32
      %add3A_259 = arith.addi %mul3A_203, %add3A_258 : i32
      %get3A_260 = arith.index_cast %add3A_259 : i32 to index
      %get3A_261 = tpu.vector_load %arg8[%get3A_260] {strides = array<i32>} : memref<16512xi32, #tpu.memory_space<vmem>>, vector<16xi32>,
      %add3A_262 = vector.broadcast %add3A_171 : i32 to vector<16xi32>
      %add3A_263 = arith.addi %get3A_261, %add3A_262 : vector<16xi32>
      %swap3A_264 = arith.constant 112 : index
      %swap3A_265 = tpu.vector_load %arg9[%swap3A_264] {strides = array<i32>} : memref<128xi32, #tpu.memory_space<vmem>>, vector<16xi32>,
      tpu.vector_store %arg9[%swap3A_264], %add3A_263 {strides = array<i32>} : memref<128xi32, #tpu.memory_space<vmem>>, vector<16xi32>,
      %dma_start3A_266 = arith.constant 0 : i32
      %dma_start3A_267 = tpu.memref_slice %arg3[%dma_start3A_266] : memref<1048576xi32, #tpu.memory_space<hbm>> -> memref<1048576xi32, #tpu.memory_space<hbm>>
      tpu.enqueue_indirect_dma source(%dma_start3A_267 : memref<1048576xi32, #tpu.memory_space<hbm>>) target(%arg10 : memref<128xi32, #tpu.memory_space<vmem>>) offsets(%arg9 : memref<128xi32, #tpu.memory_space<vmem>>) semaphore(%arg18 : memref<!tpu.dma_semaphore, #tpu.memory_space<semaphore_mem>>)
      %dma_start3A_268 = arith.constant 0 : i32
      %dma_start3A_269 = tpu.memref_slice %arg4[%dma_start3A_268] : memref<1048576xi32, #tpu.memory_space<hbm>> -> memref<1048576xi32, #tpu.memory_space<hbm>>
      tpu.enqueue_indirect_dma source(%dma_start3A_269 : memref<1048576xi32, #tpu.memory_space<hbm>>) target(%arg11 : memref<128xi32, #tpu.memory_space<vmem>>) offsets(%arg9 : memref<128xi32, #tpu.memory_space<vmem>>) semaphore(%arg18 : memref<!tpu.dma_semaphore, #tpu.memory_space<semaphore_mem>>)
      %dma_start3A_270 = arith.constant 0 : i32
      %dma_start3A_271 = tpu.memref_slice %arg5[%dma_start3A_270] : memref<1048576xf32, #tpu.memory_space<hbm>> -> memref<1048576xf32, #tpu.memory_space<hbm>>
      tpu.enqueue_indirect_dma source(%dma_start3A_271 : memref<1048576xf32, #tpu.memory_space<hbm>>) target(%arg12 : memref<128xf32, #tpu.memory_space<vmem>>) offsets(%arg9 : memref<128xi32, #tpu.memory_space<vmem>>) semaphore(%arg18 : memref<!tpu.dma_semaphore, #tpu.memory_space<semaphore_mem>>)
      %dma_wait3A_272 = arith.constant 0 : i32
      %dma_wait3A_273 = tpu.memref_slice %arg3[%dma_wait3A_272] : memref<1048576xi32, #tpu.memory_space<hbm>> -> memref<1048576xi32, #tpu.memory_space<hbm>>
      tpu.wait_indirect_dma semaphore(%arg18 : memref<!tpu.dma_semaphore, #tpu.memory_space<semaphore_mem>>) src(%dma_wait3A_273 : memref<1048576xi32, #tpu.memory_space<hbm>>) dst(%arg10 : memref<128xi32, #tpu.memory_space<vmem>>)
      %dma_wait3A_274 = arith.constant 0 : i32
      %dma_wait3A_275 = tpu.memref_slice %arg4[%dma_wait3A_274] : memref<1048576xi32, #tpu.memory_space<hbm>> -> memref<1048576xi32, #tpu.memory_space<hbm>>
      tpu.wait_indirect_dma semaphore(%arg18 : memref<!tpu.dma_semaphore, #tpu.memory_space<semaphore_mem>>) src(%dma_wait3A_275 : memref<1048576xi32, #tpu.memory_space<hbm>>) dst(%arg11 : memref<128xi32, #tpu.memory_space<vmem>>)
      %dma_wait3A_276 = arith.constant 0 : i32
      %dma_wait3A_277 = tpu.memref_slice %arg5[%dma_wait3A_276] : memref<1048576xf32, #tpu.memory_space<hbm>> -> memref<1048576xf32, #tpu.memory_space<hbm>>
      tpu.wait_indirect_dma semaphore(%arg18 : memref<!tpu.dma_semaphore, #tpu.memory_space<semaphore_mem>>) src(%dma_wait3A_277 : memref<1048576xf32, #tpu.memory_space<hbm>>) dst(%arg12 : memref<128xf32, #tpu.memory_space<vmem>>)
      %add3A_278 = arith.constant 0 : i32
      %add3A_279 = arith.addi %mul3A_203, %add3A_278 : i32
      %add3A_280 = vector.broadcast %add3A_279 : i32 to vector<16xi32>
      %add3A_281 = arith.addi %iota3A, %add3A_280 : vector<16xi32>
      %lt3A = arith.cmpi slt, %add3A_281, %parallel_loop3A_125 : vector<16xi32>
      %get3A_282 = arith.constant 0 : index
      %get3A_283 = tpu.vector_load %arg12[%get3A_282] {strides = array<i32>} : memref<128xf32, #tpu.memory_space<vmem>>, vector<16xf32>,
      %jit3A = arith.constant 0.000000e+00 : f32
      %broadcast_in_dim3A_284 = vector.broadcast %jit3A : f32 to vector<16xf32>
      %select_n3A = arith.select %lt3A, %get3A_283, %broadcast_in_dim3A_284 : vector<16xi1>, vector<16xf32>
      %get3A_285 = arith.constant 0 : index
      %get3A_286 = tpu.vector_load %arg10[%get3A_285] {strides = array<i32>} : memref<128xi32, #tpu.memory_space<vmem>>, vector<16xi32>,
      %shift_left3A = arith.constant 8 : i32
      %shift_left3A_287 = vector.broadcast %shift_left3A : i32 to vector<16xi32>
      %shift_left3A_288 = arith.shli %get3A_286, %shift_left3A_287 : vector<16xi32>
      %get3A_289 = arith.constant 0 : index
      %get3A_290 = tpu.vector_load %arg11[%get3A_289] {strides = array<i32>} : memref<128xi32, #tpu.memory_space<vmem>>, vector<16xi32>,
      %or3A = arith.ori %shift_left3A_288, %get3A_290 : vector<16xi32>
      %swap3A_291 = arith.constant 0 : index
      %swap3A_292 = tpu.vector_load %arg13[%swap3A_291] {strides = array<i32>} : memref<128xi32, #tpu.memory_space<vmem>>, vector<16xi32>,
      tpu.vector_store %arg13[%swap3A_291], %or3A {strides = array<i32>} : memref<128xi32, #tpu.memory_space<vmem>>, vector<16xi32>,
      %swap3A_293 = arith.constant 0 : index
      %swap3A_294 = tpu.vector_load %arg14[%swap3A_293] {strides = array<i32>} : memref<128xf32, #tpu.memory_space<vmem>>, vector<16xf32>,
      tpu.vector_store %arg14[%swap3A_293], %select_n3A {strides = array<i32>} : memref<128xf32, #tpu.memory_space<vmem>>, vector<16xf32>,
      %add3A_295 = arith.constant 16 : i32
      %add3A_296 = arith.addi %mul3A_203, %add3A_295 : i32
      %add3A_297 = vector.broadcast %add3A_296 : i32 to vector<16xi32>
      %add3A_298 = arith.addi %iota3A, %add3A_297 : vector<16xi32>
      %lt3A_299 = arith.cmpi slt, %add3A_298, %parallel_loop3A_125 : vector<16xi32>
      %get3A_300 = arith.constant 16 : index
      %get3A_301 = tpu.vector_load %arg12[%get3A_300] {strides = array<i32>} : memref<128xf32, #tpu.memory_space<vmem>>, vector<16xf32>,
      %jit3A_302 = arith.constant 0.000000e+00 : f32
      %broadcast_in_dim3A_303 = vector.broadcast %jit3A_302 : f32 to vector<16xf32>
      %select_n3A_304 = arith.select %lt3A_299, %get3A_301, %broadcast_in_dim3A_303 : vector<16xi1>, vector<16xf32>
      %get3A_305 = arith.constant 16 : index
      %get3A_306 = tpu.vector_load %arg10[%get3A_305] {strides = array<i32>} : memref<128xi32, #tpu.memory_space<vmem>>, vector<16xi32>,
      %shift_left3A_307 = arith.constant 8 : i32
      %shift_left3A_308 = vector.broadcast %shift_left3A_307 : i32 to vector<16xi32>
      %shift_left3A_309 = arith.shli %get3A_306, %shift_left3A_308 : vector<16xi32>
      %get3A_310 = arith.constant 16 : index
      %get3A_311 = tpu.vector_load %arg11[%get3A_310] {strides = array<i32>} : memref<128xi32, #tpu.memory_space<vmem>>, vector<16xi32>,
      %or3A_312 = arith.ori %shift_left3A_309, %get3A_311 : vector<16xi32>
      %swap3A_313 = arith.constant 16 : index
      %swap3A_314 = tpu.vector_load %arg13[%swap3A_313] {strides = array<i32>} : memref<128xi32, #tpu.memory_space<vmem>>, vector<16xi32>,
      tpu.vector_store %arg13[%swap3A_313], %or3A_312 {strides = array<i32>} : memref<128xi32, #tpu.memory_space<vmem>>, vector<16xi32>,
      %swap3A_315 = arith.constant 16 : index
      %swap3A_316 = tpu.vector_load %arg14[%swap3A_315] {strides = array<i32>} : memref<128xf32, #tpu.memory_space<vmem>>, vector<16xf32>,
      tpu.vector_store %arg14[%swap3A_315], %select_n3A_304 {strides = array<i32>} : memref<128xf32, #tpu.memory_space<vmem>>, vector<16xf32>,
      %add3A_317 = arith.constant 32 : i32
      %add3A_318 = arith.addi %mul3A_203, %add3A_317 : i32
      %add3A_319 = vector.broadcast %add3A_318 : i32 to vector<16xi32>
      %add3A_320 = arith.addi %iota3A, %add3A_319 : vector<16xi32>
      %lt3A_321 = arith.cmpi slt, %add3A_320, %parallel_loop3A_125 : vector<16xi32>
      %get3A_322 = arith.constant 32 : index
      %get3A_323 = tpu.vector_load %arg12[%get3A_322] {strides = array<i32>} : memref<128xf32, #tpu.memory_space<vmem>>, vector<16xf32>,
      %jit3A_324 = arith.constant 0.000000e+00 : f32
      %broadcast_in_dim3A_325 = vector.broadcast %jit3A_324 : f32 to vector<16xf32>
      %select_n3A_326 = arith.select %lt3A_321, %get3A_323, %broadcast_in_dim3A_325 : vector<16xi1>, vector<16xf32>
      %get3A_327 = arith.constant 32 : index
      %get3A_328 = tpu.vector_load %arg10[%get3A_327] {strides = array<i32>} : memref<128xi32, #tpu.memory_space<vmem>>, vector<16xi32>,
      %shift_left3A_329 = arith.constant 8 : i32
      %shift_left3A_330 = vector.broadcast %shift_left3A_329 : i32 to vector<16xi32>
      %shift_left3A_331 = arith.shli %get3A_328, %shift_left3A_330 : vector<16xi32>
      %get3A_332 = arith.constant 32 : index
      %get3A_333 = tpu.vector_load %arg11[%get3A_332] {strides = array<i32>} : memref<128xi32, #tpu.memory_space<vmem>>, vector<16xi32>,
      %or3A_334 = arith.ori %shift_left3A_331, %get3A_333 : vector<16xi32>
      %swap3A_335 = arith.constant 32 : index
      %swap3A_336 = tpu.vector_load %arg13[%swap3A_335] {strides = array<i32>} : memref<128xi32, #tpu.memory_space<vmem>>, vector<16xi32>,
      tpu.vector_store %arg13[%swap3A_335], %or3A_334 {strides = array<i32>} : memref<128xi32, #tpu.memory_space<vmem>>, vector<16xi32>,
      %swap3A_337 = arith.constant 32 : index
      %swap3A_338 = tpu.vector_load %arg14[%swap3A_337] {strides = array<i32>} : memref<128xf32, #tpu.memory_space<vmem>>, vector<16xf32>,
      tpu.vector_store %arg14[%swap3A_337], %select_n3A_326 {strides = array<i32>} : memref<128xf32, #tpu.memory_space<vmem>>, vector<16xf32>,
      %add3A_339 = arith.constant 48 : i32
      %add3A_340 = arith.addi %mul3A_203, %add3A_339 : i32
      %add3A_341 = vector.broadcast %add3A_340 : i32 to vector<16xi32>
      %add3A_342 = arith.addi %iota3A, %add3A_341 : vector<16xi32>
      %lt3A_343 = arith.cmpi slt, %add3A_342, %parallel_loop3A_125 : vector<16xi32>
      %get3A_344 = arith.constant 48 : index
      %get3A_345 = tpu.vector_load %arg12[%get3A_344] {strides = array<i32>} : memref<128xf32, #tpu.memory_space<vmem>>, vector<16xf32>,
      %jit3A_346 = arith.constant 0.000000e+00 : f32
      %broadcast_in_dim3A_347 = vector.broadcast %jit3A_346 : f32 to vector<16xf32>
      %select_n3A_348 = arith.select %lt3A_343, %get3A_345, %broadcast_in_dim3A_347 : vector<16xi1>, vector<16xf32>
      %get3A_349 = arith.constant 48 : index
      %get3A_350 = tpu.vector_load %arg10[%get3A_349] {strides = array<i32>} : memref<128xi32, #tpu.memory_space<vmem>>, vector<16xi32>,
      %shift_left3A_351 = arith.constant 8 : i32
      %shift_left3A_352 = vector.broadcast %shift_left3A_351 : i32 to vector<16xi32>
      %shift_left3A_353 = arith.shli %get3A_350, %shift_left3A_352 : vector<16xi32>
      %get3A_354 = arith.constant 48 : index
      %get3A_355 = tpu.vector_load %arg11[%get3A_354] {strides = array<i32>} : memref<128xi32, #tpu.memory_space<vmem>>, vector<16xi32>,
      %or3A_356 = arith.ori %shift_left3A_353, %get3A_355 : vector<16xi32>
      %swap3A_357 = arith.constant 48 : index
      %swap3A_358 = tpu.vector_load %arg13[%swap3A_357] {strides = array<i32>} : memref<128xi32, #tpu.memory_space<vmem>>, vector<16xi32>,
      tpu.vector_store %arg13[%swap3A_357], %or3A_356 {strides = array<i32>} : memref<128xi32, #tpu.memory_space<vmem>>, vector<16xi32>,
      %swap3A_359 = arith.constant 48 : index
      %swap3A_360 = tpu.vector_load %arg14[%swap3A_359] {strides = array<i32>} : memref<128xf32, #tpu.memory_space<vmem>>, vector<16xf32>,
      tpu.vector_store %arg14[%swap3A_359], %select_n3A_348 {strides = array<i32>} : memref<128xf32, #tpu.memory_space<vmem>>, vector<16xf32>,
      %add3A_361 = arith.constant 64 : i32
      %add3A_362 = arith.addi %mul3A_203, %add3A_361 : i32
      %add3A_363 = vector.broadcast %add3A_362 : i32 to vector<16xi32>
      %add3A_364 = arith.addi %iota3A, %add3A_363 : vector<16xi32>
      %lt3A_365 = arith.cmpi slt, %add3A_364, %parallel_loop3A_125 : vector<16xi32>
      %get3A_366 = arith.constant 64 : index
      %get3A_367 = tpu.vector_load %arg12[%get3A_366] {strides = array<i32>} : memref<128xf32, #tpu.memory_space<vmem>>, vector<16xf32>,
      %jit3A_368 = arith.constant 0.000000e+00 : f32
      %broadcast_in_dim3A_369 = vector.broadcast %jit3A_368 : f32 to vector<16xf32>
      %select_n3A_370 = arith.select %lt3A_365, %get3A_367, %broadcast_in_dim3A_369 : vector<16xi1>, vector<16xf32>
      %get3A_371 = arith.constant 64 : index
      %get3A_372 = tpu.vector_load %arg10[%get3A_371] {strides = array<i32>} : memref<128xi32, #tpu.memory_space<vmem>>, vector<16xi32>,
      %shift_left3A_373 = arith.constant 8 : i32
      %shift_left3A_374 = vector.broadcast %shift_left3A_373 : i32 to vector<16xi32>
      %shift_left3A_375 = arith.shli %get3A_372, %shift_left3A_374 : vector<16xi32>
      %get3A_376 = arith.constant 64 : index
      %get3A_377 = tpu.vector_load %arg11[%get3A_376] {strides = array<i32>} : memref<128xi32, #tpu.memory_space<vmem>>, vector<16xi32>,
      %or3A_378 = arith.ori %shift_left3A_375, %get3A_377 : vector<16xi32>
      %swap3A_379 = arith.constant 64 : index
      %swap3A_380 = tpu.vector_load %arg13[%swap3A_379] {strides = array<i32>} : memref<128xi32, #tpu.memory_space<vmem>>, vector<16xi32>,
      tpu.vector_store %arg13[%swap3A_379], %or3A_378 {strides = array<i32>} : memref<128xi32, #tpu.memory_space<vmem>>, vector<16xi32>,
      %swap3A_381 = arith.constant 64 : index
      %swap3A_382 = tpu.vector_load %arg14[%swap3A_381] {strides = array<i32>} : memref<128xf32, #tpu.memory_space<vmem>>, vector<16xf32>,
      tpu.vector_store %arg14[%swap3A_381], %select_n3A_370 {strides = array<i32>} : memref<128xf32, #tpu.memory_space<vmem>>, vector<16xf32>,
      %add3A_383 = arith.constant 80 : i32
      %add3A_384 = arith.addi %mul3A_203, %add3A_383 : i32
      %add3A_385 = vector.broadcast %add3A_384 : i32 to vector<16xi32>
      %add3A_386 = arith.addi %iota3A, %add3A_385 : vector<16xi32>
      %lt3A_387 = arith.cmpi slt, %add3A_386, %parallel_loop3A_125 : vector<16xi32>
      %get3A_388 = arith.constant 80 : index
      %get3A_389 = tpu.vector_load %arg12[%get3A_388] {strides = array<i32>} : memref<128xf32, #tpu.memory_space<vmem>>, vector<16xf32>,
      %jit3A_390 = arith.constant 0.000000e+00 : f32
      %broadcast_in_dim3A_391 = vector.broadcast %jit3A_390 : f32 to vector<16xf32>
      %select_n3A_392 = arith.select %lt3A_387, %get3A_389, %broadcast_in_dim3A_391 : vector<16xi1>, vector<16xf32>
      %get3A_393 = arith.constant 80 : index
      %get3A_394 = tpu.vector_load %arg10[%get3A_393] {strides = array<i32>} : memref<128xi32, #tpu.memory_space<vmem>>, vector<16xi32>,
      %shift_left3A_395 = arith.constant 8 : i32
      %shift_left3A_396 = vector.broadcast %shift_left3A_395 : i32 to vector<16xi32>
      %shift_left3A_397 = arith.shli %get3A_394, %shift_left3A_396 : vector<16xi32>
      %get3A_398 = arith.constant 80 : index
      %get3A_399 = tpu.vector_load %arg11[%get3A_398] {strides = array<i32>} : memref<128xi32, #tpu.memory_space<vmem>>, vector<16xi32>,
      %or3A_400 = arith.ori %shift_left3A_397, %get3A_399 : vector<16xi32>
      %swap3A_401 = arith.constant 80 : index
      %swap3A_402 = tpu.vector_load %arg13[%swap3A_401] {strides = array<i32>} : memref<128xi32, #tpu.memory_space<vmem>>, vector<16xi32>,
      tpu.vector_store %arg13[%swap3A_401], %or3A_400 {strides = array<i32>} : memref<128xi32, #tpu.memory_space<vmem>>, vector<16xi32>,
      %swap3A_403 = arith.constant 80 : index
      %swap3A_404 = tpu.vector_load %arg14[%swap3A_403] {strides = array<i32>} : memref<128xf32, #tpu.memory_space<vmem>>, vector<16xf32>,
      tpu.vector_store %arg14[%swap3A_403], %select_n3A_392 {strides = array<i32>} : memref<128xf32, #tpu.memory_space<vmem>>, vector<16xf32>,
      %add3A_405 = arith.constant 96 : i32
      %add3A_406 = arith.addi %mul3A_203, %add3A_405 : i32
      %add3A_407 = vector.broadcast %add3A_406 : i32 to vector<16xi32>
      %add3A_408 = arith.addi %iota3A, %add3A_407 : vector<16xi32>
      %lt3A_409 = arith.cmpi slt, %add3A_408, %parallel_loop3A_125 : vector<16xi32>
      %get3A_410 = arith.constant 96 : index
      %get3A_411 = tpu.vector_load %arg12[%get3A_410] {strides = array<i32>} : memref<128xf32, #tpu.memory_space<vmem>>, vector<16xf32>,
      %jit3A_412 = arith.constant 0.000000e+00 : f32
      %broadcast_in_dim3A_413 = vector.broadcast %jit3A_412 : f32 to vector<16xf32>
      %select_n3A_414 = arith.select %lt3A_409, %get3A_411, %broadcast_in_dim3A_413 : vector<16xi1>, vector<16xf32>
      %get3A_415 = arith.constant 96 : index
      %get3A_416 = tpu.vector_load %arg10[%get3A_415] {strides = array<i32>} : memref<128xi32, #tpu.memory_space<vmem>>, vector<16xi32>,
      %shift_left3A_417 = arith.constant 8 : i32
      %shift_left3A_418 = vector.broadcast %shift_left3A_417 : i32 to vector<16xi32>
      %shift_left3A_419 = arith.shli %get3A_416, %shift_left3A_418 : vector<16xi32>
      %get3A_420 = arith.constant 96 : index
      %get3A_421 = tpu.vector_load %arg11[%get3A_420] {strides = array<i32>} : memref<128xi32, #tpu.memory_space<vmem>>, vector<16xi32>,
      %or3A_422 = arith.ori %shift_left3A_419, %get3A_421 : vector<16xi32>
      %swap3A_423 = arith.constant 96 : index
      %swap3A_424 = tpu.vector_load %arg13[%swap3A_423] {strides = array<i32>} : memref<128xi32, #tpu.memory_space<vmem>>, vector<16xi32>,
      tpu.vector_store %arg13[%swap3A_423], %or3A_422 {strides = array<i32>} : memref<128xi32, #tpu.memory_space<vmem>>, vector<16xi32>,
      %swap3A_425 = arith.constant 96 : index
      %swap3A_426 = tpu.vector_load %arg14[%swap3A_425] {strides = array<i32>} : memref<128xf32, #tpu.memory_space<vmem>>, vector<16xf32>,
      tpu.vector_store %arg14[%swap3A_425], %select_n3A_414 {strides = array<i32>} : memref<128xf32, #tpu.memory_space<vmem>>, vector<16xf32>,
      %add3A_427 = arith.constant 112 : i32
      %add3A_428 = arith.addi %mul3A_203, %add3A_427 : i32
      %add3A_429 = vector.broadcast %add3A_428 : i32 to vector<16xi32>
      %add3A_430 = arith.addi %iota3A, %add3A_429 : vector<16xi32>
      %lt3A_431 = arith.cmpi slt, %add3A_430, %parallel_loop3A_125 : vector<16xi32>
      %get3A_432 = arith.constant 112 : index
      %get3A_433 = tpu.vector_load %arg12[%get3A_432] {strides = array<i32>} : memref<128xf32, #tpu.memory_space<vmem>>, vector<16xf32>,
      %jit3A_434 = arith.constant 0.000000e+00 : f32
      %broadcast_in_dim3A_435 = vector.broadcast %jit3A_434 : f32 to vector<16xf32>
      %select_n3A_436 = arith.select %lt3A_431, %get3A_433, %broadcast_in_dim3A_435 : vector<16xi1>, vector<16xf32>
      %get3A_437 = arith.constant 112 : index
      %get3A_438 = tpu.vector_load %arg10[%get3A_437] {strides = array<i32>} : memref<128xi32, #tpu.memory_space<vmem>>, vector<16xi32>,
      %shift_left3A_439 = arith.constant 8 : i32
      %shift_left3A_440 = vector.broadcast %shift_left3A_439 : i32 to vector<16xi32>
      %shift_left3A_441 = arith.shli %get3A_438, %shift_left3A_440 : vector<16xi32>
      %get3A_442 = arith.constant 112 : index
      %get3A_443 = tpu.vector_load %arg11[%get3A_442] {strides = array<i32>} : memref<128xi32, #tpu.memory_space<vmem>>, vector<16xi32>,
      %or3A_444 = arith.ori %shift_left3A_441, %get3A_443 : vector<16xi32>
      %swap3A_445 = arith.constant 112 : index
      %swap3A_446 = tpu.vector_load %arg13[%swap3A_445] {strides = array<i32>} : memref<128xi32, #tpu.memory_space<vmem>>, vector<16xi32>,
      tpu.vector_store %arg13[%swap3A_445], %or3A_444 {strides = array<i32>} : memref<128xi32, #tpu.memory_space<vmem>>, vector<16xi32>,
      %swap3A_447 = arith.constant 112 : index
      %swap3A_448 = tpu.vector_load %arg14[%swap3A_447] {strides = array<i32>} : memref<128xf32, #tpu.memory_space<vmem>>, vector<16xf32>,
      tpu.vector_store %arg14[%swap3A_447], %select_n3A_436 {strides = array<i32>} : memref<128xf32, #tpu.memory_space<vmem>>, vector<16xf32>,
      "tpu.region"() ({
        %run_scoped3A = tpu.sem_alloc : memref<!tpu.dma_semaphore, #tpu.memory_space<semaphore_mem>>
        %dma_start3A_449 = arith.constant 0 : i32
        %dma_start3A_450 = tpu.memref_slice %arg16[%dma_start3A_449] : memref<1048576xf32, #tpu.memory_space<vmem_shared>> -> memref<1048576xf32, #tpu.memory_space<vmem_shared>>
        tpu.enqueue_indirect_dma source(%arg14 : memref<128xf32, #tpu.memory_space<vmem>>) target(%dma_start3A_450 : memref<1048576xf32, #tpu.memory_space<vmem_shared>>) offsets(%arg13 : memref<128xi32, #tpu.memory_space<vmem>>) semaphore(%run_scoped3A : memref<!tpu.dma_semaphore, #tpu.memory_space<semaphore_mem>>) {add = true}
        %dma_wait3A_451 = arith.constant 0 : i32
        %dma_wait3A_452 = tpu.memref_slice %arg16[%dma_wait3A_451] : memref<1048576xf32, #tpu.memory_space<vmem_shared>> -> memref<1048576xf32, #tpu.memory_space<vmem_shared>>
        tpu.wait_indirect_dma semaphore(%run_scoped3A : memref<!tpu.dma_semaphore, #tpu.memory_space<semaphore_mem>>) src(%arg14 : memref<128xf32, #tpu.memory_space<vmem>>) dst(%dma_wait3A_452 : memref<1048576xf32, #tpu.memory_space<vmem_shared>>)
        tpu.yield
      }) : () -> ()
    }
    %barrier3A_191 = arith.constant 0 : index
    tpu.barrier barrier_id(%barrier3A_191)
    %mul3A_192 = arith.constant 65536 : i32
    %mul3A_193 = arith.muli %arg1, %mul3A_192 : i32
    %mul3A_194 = arith.constant 1048576 : i32
    %mul3A_195 = arith.muli %arg0, %mul3A_194 : i32
    %mul3A_196 = arith.constant 65536 : i32
    %mul3A_197 = arith.muli %arg1, %mul3A_196 : i32
    %add3A_198 = arith.addi %mul3A_195, %mul3A_197 : i32
    "tpu.region"() ({
      %run_scoped3A = tpu.sem_alloc : memref<!tpu.dma_semaphore, #tpu.memory_space<semaphore_mem>>
      %dma_start3A_199 = tpu.memref_slice %arg6[%add3A_198] : memref<2097152xf32, #tpu.memory_space<hbm>> -> memref<65536xf32, #tpu.memory_space<hbm>>
      %dma_start3A_200 = tpu.memref_slice %arg16[%mul3A_193] : memref<1048576xf32, #tpu.memory_space<vmem_shared>> -> memref<65536xf32, #tpu.memory_space<vmem_shared>>
      tpu.enqueue_dma source(%dma_start3A_200 : memref<65536xf32, #tpu.memory_space<vmem_shared>>) target(%dma_start3A_199 : memref<65536xf32, #tpu.memory_space<hbm>>) target_semaphore(%run_scoped3A : memref<!tpu.dma_semaphore, #tpu.memory_space<semaphore_mem>>)
      %dma_wait3A_201 = tpu.memref_slice %arg6[%add3A_198] : memref<2097152xf32, #tpu.memory_space<hbm>> -> memref<65536xf32, #tpu.memory_space<hbm>>
      %dma_wait3A_202 = tpu.memref_slice %arg16[%mul3A_193] : memref<1048576xf32, #tpu.memory_space<vmem_shared>> -> memref<65536xf32, #tpu.memory_space<vmem_shared>>
      tpu.wait_dma2 semaphore(%run_scoped3A : memref<!tpu.dma_semaphore, #tpu.memory_space<semaphore_mem>>) src(%dma_wait3A_202 : memref<65536xf32, #tpu.memory_space<vmem_shared>>) dst(%dma_wait3A_201 : memref<65536xf32, #tpu.memory_space<hbm>>)
      tpu.yield
    }) : () -> ()
    return
  }
}

module attributes {stable_mosaic.version = 14 : i64} {
  func.func @_combine_body(%arg0: i32, %arg1: memref<4096x128xf32, #tpu.memory_space<vmem>>, %arg2: memref<4096x128xf32, #tpu.memory_space<vmem>>, %arg3: memref<2048x256xf32, #tpu.memory_space<vmem>>) attributes {dimension_semantics = [#tpu.dimension_semantics<arbitrary>], iteration_bounds = array<i64: 2>, scalar_prefetch = 0 : i64, scratch_operands = 0 : i64, tpu.core_type = #tpu.core_type<tc>, window_params = [{transform_indices = @transform_0, window_bounds = array<i64: 4096, 128>}, {transform_indices = @transform_1, window_bounds = array<i64: 4096, 128>}, {transform_indices = @transform_2, window_bounds = array<i64: 2048, 256>}]} {
    %get3A = arith.constant 0 : index
    %get3A_0 = arith.constant 0 : index
    %get3A_1 = vector.load %arg1[%get3A, %get3A_0] : memref<4096x128xf32, #tpu.memory_space<vmem>>, vector<4096x128xf32>
    %get3A_2 = arith.constant 0 : index
    %get3A_3 = arith.constant 0 : index
    %get3A_4 = vector.load %arg2[%get3A_2, %get3A_3] : memref<4096x128xf32, #tpu.memory_space<vmem>>, vector<4096x128xf32>
    %add3A = arith.addf %get3A_1, %get3A_4 : vector<4096x128xf32>
    %reshape3A = vector.shape_cast %add3A : vector<4096x128xf32> to vector<2048x256xf32>
    %swap3A = arith.constant 0 : index
    %swap3A_5 = arith.constant 0 : index
    %swap3A_6 = vector.load %arg3[%swap3A, %swap3A_5] : memref<2048x256xf32, #tpu.memory_space<vmem>>, vector<2048x256xf32>
    tpu.vector_store %arg3[%swap3A, %swap3A_5], %reshape3A {strides = array<i32>} : memref<2048x256xf32, #tpu.memory_space<vmem>>, vector<2048x256xf32>,
    return
  }
  func.func @transform_0(%arg0: i32) -> (i32, i32) {
    %c0_i32 = arith.constant 0 : i32
    %c0_i32_0 = arith.constant 0 : i32
    return %arg0, %c0_i32 : i32, i32
  }
  func.func @transform_1(%arg0: i32) -> (i32, i32) {
    %add3A = arith.constant 2 : i32
    %add3A_0 = arith.addi %arg0, %add3A : i32
    %c0_i32 = arith.constant 0 : i32
    %c0_i32_1 = arith.constant 0 : i32
    return %add3A_0, %c0_i32 : i32, i32
  }
  func.func @transform_2(%arg0: i32) -> (i32, i32) {
    %c0_i32 = arith.constant 0 : i32
    %c0_i32_0 = arith.constant 0 : i32
    return %arg0, %c0_i32 : i32, i32
  }
}

</mosaic_0001>

<sc_bundles>
// kernel: kernel.4.cloned.1.call-start
scs
__scs_entry_jumppad:
0x0: {  	(pc) =	sbr.rel $0x88, $3  }
0x1: {  	(tag) =	ssettag $0x0;
	lr =	simm.s32 $0x1  }
0x2: {  	[smem:$0x3F9D] =	sst lr;
	_ =	strace $0xD0000000  }
0x3: {  	_ = 	snop  }
0x4: {  	_ = 	snop  }
0x5: {  	_ = 	snop  }
0x6: {  	_ = 	snop  }
0x7: {  	_ = 	snop  }
__scs_overlays_trampoline_lowered:
0x8: {  	[smem:$0x3FAC] =	sst s0  }
0x9: {  	[smem:$0x3FAD] =	sst s1  }
0xa: {  	[smem:$0x3FAE] =	sst s2  }
0xb: {  	[smem:$0x3FAF] =	sst s3  }
0xc: {  	[smem:$0x3FB0] =	sst s4  }
0xd: {  	[smem:$0x3FB1] =	sst s5  }
0xe: {  	[smem:$0x3FB2] =	sst s6  }
0xf: {  	[smem:$0x3FB3] =	sst s7  }
0x10: {  	[smem:$0x3FB4] =	sst s8  }
0x11: {  	[smem:$0x3FB5] =	sst s9;
	s0 =	simm.s32 @!p0 $0x0  }
0x12: {  	s1 =	sld [smem:$0x3F9B];
	s0 =	simm.s32 @p0 $0x1  }
0x13: {  	[smem:$0x3FB6] =	sst s0;
	s0 =	simm.s32 @!p1 $0x0  }
0x14: {  	s2 =	sld [smem:$0x3F9A];
	s0 =	simm.s32 @p1 $0x1  }
0x15: {  	[smem:$0x3FB7] =	sst s0;
	s0 =	simm.s32 @!p2 $0x0  }
0x16: {  	s3 =	sld [smem:$0x3FDB];
	s0 =	simm.s32 @p2 $0x1  }
0x17: {  	s4 =	simm.s32 $0x1BF5;
	[smem:$0x3FB9] =	sst s0  }
0x18: {  	s0 =	sld [smem:$0x3F9C];
	_ =	swait.ge [sflag:s4], $0x0  }
0x19: {  	s7 =	sld [smem:$0x3F9D]  }
0x1a: {  	s8 =	sadd.s32 $0xFFFFE003, lr  }
0x1b: {  	s9 =	sadd.s32 $0xFFFFFEF7, lr;
	s5 =	simm.s32 $0xFFFFFFFF;
	p2 =	slt.u32 s8, $0xFFFFF086  }
0x1c: {  	p1 =	slt.u32 s9, $0xF7A;
	s5 =	simm.s32 @!p2 $0x0  }
0x1d: {  	s5 =	simm.s32 @p1 $0x1;
	p0 =	seq.s32 s7, s2  }
0x1e: {  	s7 =	smul.u32 @!p0 $0xF7A, s2;
	p2 =	seq.s32 @!p0 s5, $0x0  }
0x1f: {  	s9 =	smul.u32 $0xF7A, s1;
	s8 =	simm.s32 @!p0 $0x1BF5;
	p2 =	por !p2, p0  }
0x20: {  	[sflag:s8] =	ssyncset.s32 @!p0 $0xFFFFF086;
	s6 =	sadd.s32 @!p0 s3, s7;
	s7 =	simm.s32 @!p0 $0x108  }
0x21: {  	s3 =	sadd.s32 s3, s9;
	s6 =	sadd.s32 @!p0 $0x88, s6;
	s7 =	simm.s32 @p2 $0x1082  }
0x22: {  	[simem:s7], [sflag:s8] =	dma.local @!p0 [hbm:s6], $0xF7A  }
0x23: {  	s9 =	sor.u32 $0xD0000000, s2;
	s6 =	simm.s32 $0x108;
	_ =	swait.ge @!p0 [sflag:s8], $0x0  }
0x24: {  	s3 =	sadd.s32 $0x88, s3;
	s6 =	simm.s32 @!p1 $0x1082;
	[sflag:s4] =	ssyncset.s32 $0xFFFFF086  }
0x25: {  	[simem:s6], [sflag:s4] =	dma.local [hbm:s3], $0xF7A  }
0x26: {  	[smem:$0x3F9D] =	sst s1;
	(tag) =	ssettag s2;
	_ =	strace s9  }
0x27: {  	s1 =	sld [smem:$0x3FAD]  }
0x28: {  	s2 =	sld [smem:$0x3FAE]  }
0x29: {  	s4 =	sld [smem:$0x3FB0]  }
0x2a: {  	p0 =	seq.s32 s5, $0x0;
	s5 =	sld [smem:$0x3FB1]  }
0x2b: {  	s6 =	sld [smem:$0x3FB2]  }
0x2c: {  	s7 =	sld [smem:$0x3FB3]  }
0x2d: {  	s3 =	simm.s32 $0x108;
	s8 =	sld [smem:$0x3FB4]  }
0x2e: {  	s3 =	simm.s32 @!p0 $0x1082;
	s9 =	sld [smem:$0x3FB5]  }
0x2f: {  	lr =	sadd.s32 s0, s3;
	s0 =	sld [smem:$0x3FAC]  }
0x30: {  	s3 =	sld [smem:$0x3FAF]  }
0x31: {  	[smem:$0x3FB8] =	sst s10  }
0x32: {  	s10 =	sld [smem:$0x3FB6];
	_ =	sdelay $0x3  }
0x33: {  	p0 =	seq.s32 s10, $0x1;
	s10 =	sld [smem:$0x3FB8];
	_ =	sdelay $0x3  }
0x34: {  	[smem:$0x3FB8] =	sst s10  }
0x35: {  	s10 =	sld [smem:$0x3FB7];
	_ =	sdelay $0x3  }
0x36: {  	p1 =	seq.s32 s10, $0x1;
	s10 =	sld [smem:$0x3FB8];
	_ =	sdelay $0x3  }
0x37: {  	[smem:$0x3FB8] =	sst s10  }
0x38: {  	s10 =	sld [smem:$0x3FB9]  }
0x39: {  	_ = 	snop;
	(pc) =	sbr.ind lr, $3  }
0x3a: {  	_ = 	snop  }
0x3b: {  	_ = 	snop  }
0x3c: {  	p2 =	seq.s32 s10, $0x1;
	s10 =	sld [smem:$0x3FB8]  }
0x3d: {  	_ =	shalt  }
0x3e: {  	_ =	shalt  }
0x3f: {  	_ =	shalt  }
0x40: {  	_ =	shalt  }
0x41: {  	_ =	shalt  }
0x42: {  	_ =	shalt  }
0x43: {  	_ =	shalt  }
0x44: {  	_ =	shalt  }
0x45: {  	_ =	shalt  }
0x46: {  	_ =	shalt  }
0x47: {  	_ =	shalt  }
0x48: {  	_ =	shalt  }
0x49: {  	_ =	shalt  }
0x4a: {  	_ =	shalt  }
0x4b: {  	_ =	shalt  }
0x4c: {  	_ =	shalt  }
0x4d: {  	_ =	shalt  }
0x4e: {  	_ =	shalt  }
0x4f: {  	_ =	shalt  }
0x50: {  	_ =	shalt  }
0x51: {  	_ =	shalt  }
0x52: {  	_ =	shalt  }
0x53: {  	_ =	shalt  }
0x54: {  	_ =	shalt  }
0x55: {  	_ =	shalt  }
0x56: {  	_ =	shalt  }
0x57: {  	_ =	shalt  }
0x58: {  	_ =	shalt  }
0x59: {  	_ =	shalt  }
0x5a: {  	_ =	shalt  }
0x5b: {  	_ =	shalt  }
0x5c: {  	_ =	shalt  }
0x5d: {  	_ =	shalt  }
0x5e: {  	_ =	shalt  }
0x5f: {  	_ =	shalt  }
0x60: {  	_ =	shalt  }
0x61: {  	_ =	shalt  }
0x62: {  	_ =	shalt  }
0x63: {  	_ =	shalt  }
0x64: {  	_ =	shalt  }
0x65: {  	_ =	shalt  }
0x66: {  	_ =	shalt  }
0x67: {  	_ =	shalt  }
0x68: {  	_ =	shalt  }
0x69: {  	_ =	shalt  }
0x6a: {  	_ =	shalt  }
0x6b: {  	_ =	shalt  }
0x6c: {  	_ =	shalt  }
0x6d: {  	_ =	shalt  }
0x6e: {  	_ =	shalt  }
0x6f: {  	_ =	shalt  }
0x70: {  	_ =	shalt  }
0x71: {  	_ =	shalt  }
0x72: {  	_ =	shalt  }
0x73: {  	_ =	shalt  }
0x74: {  	_ =	shalt  }
0x75: {  	_ =	shalt  }
0x76: {  	_ =	shalt  }
0x77: {  	_ =	shalt  }
0x78: {  	_ =	shalt  }
0x79: {  	_ =	shalt  }
0x7a: {  	_ =	shalt  }
0x7b: {  	_ =	shalt  }
0x7c: {  	_ =	shalt  }
0x7d: {  	_ =	shalt  }
0x7e: {  	_ =	shalt  }
0x7f: {  	_ =	shalt  }
0x80: {  	_ =	shalt  }
0x81: {  	_ =	shalt  }
0x82: {  	_ =	shalt  }
0x83: {  	_ =	shalt  }
0x84: {  	_ =	shalt  }
0x85: {  	_ =	shalt  }
0x86: {  	_ =	shalt  }
0x87: {  	_ =	shalt  }
.Lfunc_end0:
.L_simem_size_0:
called_computation_lowered:
.L_overlay_start_0:
0x88: {  	s2 =	sld [smem:$0x3FD9]  }
0x89: {  	s3 =	sld [smem:$0x3FFE];
	_ =	sdelay $0x1  }
0x8a: {  	s1 =	srdreg.scid  }
0x8b: {  	s0 =	sand.u32 $0x1, s1  }
0x8c: {  	s17 =	sshll.u32 s0, $0xA;
	s2 =	sadd.s32 s3, s2  }
0x8d: {  	s2 =	sadd.s32 s2, s17  }
0x8e: {  	[smem:$0x3FC4] =	sst s2  }
0x8f: {  	_ = 	snop  }
0x90: {  	s2 =	sld [smem:$0x3FC9]  }
0x91: {  	s18 =	sld [smem:$0x3FC8]  }
0x92: {  	s4 =	sld [smem:$0x3FC7]  }
0x93: {  	s5 =	sld [smem:$0x3FC6];
	(tm) =	ssettm $0x1  }
0x94: {  	s6 =	sld [smem:$0x3FFB];
	_ =	sdelay $0x3  }
0x95: {  	_ =	strace s6  }
0x96: {  	s6 =	sld [smem:$0x3FFC];
	_ =	sdelay $0x3  }
0x97: {  	_ =	strace s6  }
0x98: {  	s6 =	sld [smem:$0x3FFD];
	_ =	sdelay $0x3  }
0x99: {  	_ =	strace s6  }
0x9a: {  	_ =	strace $0x8FFFFFFF  }
0x9b: {  	s19 =	sld [smem:$0x3FDB];
	_ =	sdelay $0x1  }
0x9c: {  	s7 =	simm.s32 $_scs_section_size  }
0x9d: {  	s8 =	simm.s32 $_size__tile_overlayer_lowered;
	s9 =	simm.s32 $_tile_overlayer_lowered  }
0x9e: {  	s22 =	simm.s32 $0x1BFF;
	s21 =	sshll.u32 s9, $0x1;
	s6 =	sadd.s32 s7, s19  }
0x9f: {  	s10 =	simm.s32 $0x0;
	s20 =	sshll.u32 s8, $0x1;
	s8 =	sadd.s32 s21, s6  }
0xa0: {  	[timem:s10], [sflag:s22] =	dma.local [hbm:s8], s20  }
0xa1: {  	_ =	swait.ge [sflag:s22], s20  }
0xa2: {  	s7 =	ssub.s32 $0x0, s20;
	[sflag:s22] =	ssyncset.done $0x0  }
0xa3: {  	[sflag:s22] =	ssyncadd.s32 s7;
	_ =	sdelay $0x1  }
0xa4: {  	s23 =	simm.s32 $0x1B8B  }
0xa5: {  	_ =	swait.ge [sflag:s23], $0x1  }
0xa6: {  	[sflag:s23] =	ssyncset.done $0x0  }
0xa7: {  	s25 =	simm.s32 $0x1B8E;
	s24 =	sld [smem:$0x3FFE];
	[sflag:s23] =	ssyncadd.s32 $0xFFFFFFFF  }
0xa8: {  	s26 =	simm.s32 $execute0_lowered;
	[smem:$0x3FD2] =	sst s25  }
0xa9: {  	s8 =	sshll.u32 s26, $0x1;
	_ =	strace $0x80000046;
	[dreg:$0x1] =	wrdreg $0xFFFFFFFF  }
0xaa: {  	s28 =	simm.s32 $_size_execute0_lowered;
	s6 =	sadd.s32 s6, s8;
	[dreg:$0x0] =	wrdreg $0x0  }
0xab: {  	s8 =	sshll.u32 s28, $0x1;
	[dreg:$0x2] =	wrdreg s6  }
0xac: {  	[dreg:$0x3] =	wrdreg s8  }
0xad: {  	[dreg:$0x4] =	wrdreg $0xC0  }
0xae: {  	_ =	task [dreg:s10], $0x5FFFF  }
0xaf: {  	[dreg:$0x1] =	wrdreg $0xFFFFFFFF  }
0xb0: {  	[dreg:$0x0] =	wrdreg $0x60  }
0xb1: {  	[dreg:$0x2] =	wrdreg s2  }
0xb2: {  	[dreg:$0x3] =	wrdreg s18  }
0xb3: {  	[dreg:$0x4] =	wrdreg s4  }
0xb4: {  	[dreg:$0x5] =	wrdreg s5  }
0xb5: {  	[dreg:$0x6] =	wrdreg s24  }
0xb6: {  	[dreg:$0x7] =	wrdreg $0xD3800  }
0xb7: {  	[dreg:$0x8] =	wrdreg $0x9  }
0xb8: {  	_ =	task.clear_ibuf [dreg:s10], $0x9FFFF;
	_ =	strace $0x90000046  }
0xb9: {  	s29 =	simm.s32 $0x9;
	_ =	strace $0x80000048  }
0xba: {  	_ =	swait.ge [sflag:s29], $0x1  }
0xbb: {  	[sflag:s29] =	ssyncadd.s32 $0xFFFFFFFF  }
0xbc: {  	_ =	strace $0x90000048  }
0xbd: {  	_ =	sfence  }
0xbe: {  	s30 =	sld [smem:$0x0];
	_ =	sdelay $0x2  }
0xbf: {  	s31 =	sshll.u32 s1, $0xD;
	s1 =	sshrl.u32 s1, $0x2  }
0xc0: {  	s3 =	sand.u32 $0x4000, s31;
	s1 =	sadd.s32 s1, s30  }
0xc1: {  	s0 =	sor.u32 s3, s0;
	s1 =	sshll.u32 s1, $0x11  }
0xc2: {  	s0 =	sor.u32 s1, s0  }
0xc3: {  	s0 =	sadd.s32 $0x8F2B, s0  }
0xc4: {  	[sflag:s0] =	ssyncadd.remote.s32 $0x1  }
0xc5: {  	_ =	sfence.sel $0xFFFF  }
0xc6: {  	[dreg:$0x0] =	wrdreg $0xFFFFFFFF;
	(pc) =	sbr.abs _section_cstart, $3  }
0xc7: {  	[dreg:$0x1] =	wrdreg $0xFFFFFFFF  }
0xc8: {  	_ =	task.clear_ibuf [dreg:s10], $0x2FFFF;
	_ =	strace $0x9FFFFFFF  }
0xc9: {  	(tm) =	ssettm $0x7FFFFFFF  }
tec
execute0_lowered:
.L_overlay_start_1:
0x0: {  	(tag) =	ssettag $0x1  }
0x1: {  	s0 =	rddreg [dreg:$0x0]  }
0x2: {  	s1 =	rddreg [dreg:$0x1]  }
0x3: {  	s2 =	rddreg [dreg:$0x2]  }
0x4: {  	s3 =	rddreg [dreg:$0x3]  }
0x5: {  	s5 =	rddreg [dreg:$0x4]  }
0x6: {  	s4 =	rddreg [dreg:$0x5];
	s6 =	simm.s32 $0x0;
	s7 =	srdreg.scid  }
0x7: {  	s11 =	stileid.u32;
	s28 =	simm.s32 $0xC380;
	s29 =	simm.s32 $0x3  }
0x8: {  	s30 =	simm.s32 $0x1;
	s31 =	simm.s32 $0x8000;
	s7 =	sand.u32 $0x1, s7  }
0x9: {  	s8 =	sshll.u32 s7, $0x14;
	s10 =	sshll.u32 s7, $0x13;
	s7 =	ssub.s32 $0x2, s7  }
0xa: {  	[smem:$0x7FF] =	sst s6;
	s9 =	sshll.u32 s11, $0x10;
	s25 =	sshrl.u32 s7, $0x1  }
0xb: {  	s11 =	sshll.u32 s11, $0xF;
	_ =	strace $0x80000047;
	s12 =	ssub.s32 s7, s25  }
0xc: {  	s8 =	sor.u32 s9, s8;
	s7 =	sadd.s32 s9, s4;
	s14 =	smax.u32 s12, $0x1  }
0xd: {  	s10 =	sor.u32 s11, s10;
	s15 =	sadd.s32 $0x1000, s7;
	[dreg:$0x8] =	wrdreg s14  }
0xe: {  	s8 =	sshrl.u32 s8, $0x3;
	s16 =	sadd.s32 $0x2000, s7;
	[dreg:$0x9] =	wrdreg s15  }
0xf: {  	s11 =	sor.u32 $0x4000, s10;
	s17 =	sadd.s32 $0x3000, s7;
	[dreg:$0xa] =	wrdreg s16  }
0x10: {  	s26 =	sshrl.u32 s10, $0x3;
	s18 =	sadd.s32 $0x4000, s7;
	[dreg:$0xb] =	wrdreg s17  }
0x11: {  	v0 =	vmov s10;
	s10 =	simm.s32 $0xC100;
	s19 =	sadd.s32 $0x5000, s7;
	[dreg:$0xc] =	wrdreg s18  }
0x12: {  	s5 =	sadd.s32 s8, s5;
	s20 =	sadd.s32 $0x6000, s7;
	[dreg:$0xd] =	wrdreg s19  }
0x13: {  	s13 =	sshrl.u32 s11, $0x3;
	s21 =	sadd.s32 $0x7000, s7;
	[dreg:$0xe] =	wrdreg s20  }
0x14: {  	s8 =	sadd.s32 s0, s26;
	s22 =	sadd.s32 $0x8000, s7;
	[dreg:$0xf] =	wrdreg s21  }
0x15: {  	s23 =	sadd.s32 $0x9000, s7;
	s24 =	sadd.s32 $0xA000, s7;
	[dreg:$0x10] =	wrdreg s22  }
0x16: {  	s25 =	sadd.s32 $0xB000, s7;
	s26 =	sadd.s32 $0xC000, s7;
	[dreg:$0x11] =	wrdreg s23  }
0x17: {  	v1 =	vmov s11;
	s11 =	simm.s32 $0xC180;
	s12 =	simm.s32 $0xC200;
	[dreg:$0x12] =	wrdreg s24  }
.Ltmp0:
0x18: {  	s9 =	sadd.s32 s0, s13;
	[dreg:$0x13] =	wrdreg s25;
	(pc) =	sbr.rel .LBB2_1-.Ltmp0, $4  }
0x19: {  	v2 =	vlaneseq.u32;
	s13 =	sadd.s32 $0x600, s5;
	[dreg:$0x14] =	wrdreg s26;
	s24 =	sadd.s32 $0xD000, s7  }
0x1a: {  	v3 =	vimm.f32 $0.0e+00;
	v4 =	vimm.s32 $0x0;
	v5 =	vor.u32 $0x10, v2;
	s25 =	sadd.s32 $0xE000, s7;
	s26 =	sadd.s32 $0xF000, s7;
	s0 =	simm.s32 $0x80  }
0x1b: {  	v6 =	vor.u32 $0x20, v2;
	v7 =	vor.u32 $0x30, v2;
	v8 =	vor.u32 $0x40, v2;
	s5 =	simm.s32 $0xC080;
	s14 =	simm.s32 $0xC300;
	s15 =	simm.s32 $0x2  }
0x1c: {  	v9 =	vor.u32 $0x50, v2;
	v10 =	vor.u32 $0x60, v2;
	v11 =	vor.u32 $0x70, v2;
	s16 =	simm.s32 $0x0;
	[dreg:$0x7] =	wrdreg s13;
	s13 =	simm.s32 $0xC280  }
.LBB2_18:
0x1d: {  	[sflag:s15] =	ssyncset.done $0x0  }
0x1e: {  	[sflag:s15] =	ssyncadd.s32 $0xFFFFFF80  }
0x1f: {  	_ =	swait.ge [sflag:s15], $0x80  }
0x20: {  	[sflag:s15] =	ssyncset.done $0x0  }
0x21: {  	[sflag:s15] =	ssyncadd.s32 $0xFFFFFF80  }
0x22: {  	v21 =	vld [tilespmem:$0xC270]  }
0x23: {  	v22 =	vld [tilespmem:$0xC240]  }
0x24: {  	v23 =	vld [tilespmem:$0xC260]  }
0x25: {  	v24 =	vld [tilespmem:$0xC220]  }
0x26: {  	v25 =	vld [tilespmem:$0xC250]  }
0x27: {  	v26 =	vld [tilespmem:$0xC200]  }
0x28: {  	v27 =	vld [tilespmem:$0xC230]  }
0x29: {  	v28 =	vld [tilespmem:$0xC210]  }
0x2a: {  	v29 =	vld [tilespmem:$0xC1B0]  }
0x2b: {  	v30 =	vld [tilespmem:$0xC1D0]  }
0x2c: {  	v31 =	vld [tilespmem:$0xC190]  }
0x2d: {  	v32 =	vld [tilespmem:$0xC1F0]  }
0x2e: {  	vm0 =	vlt.s32 v20, v12;
	v38 =	vld [tilespmem:$0xC150]  }
0x2f: {  	vm10 =	vlt.s32 v17, v12;
	v39 =	vld [tilespmem:$0xC180];
	v25 =	vnsel vm0, $0x0, v25  }
0x30: {  	vm11 =	vlt.s32 v19, v12;
	v40 =	vld [tilespmem:$0xC1A0];
	v23 =	vnsel vm10, $0x0, v23;
	[tilespmem:$0xC350] =	vst v25  }
0x31: {  	vm1 =	vlt.s32 v18, v12;
	v42 =	vld [tilespmem:$0xC130];
	v41 =	vnsel vm11, $0x0, v28;
	[tilespmem:$0xC360] =	vst v23  }
0x32: {  	vm12 =	vlt.s32 v16, v12;
	v44 =	vld [tilespmem:$0xC120];
	v43 =	vnsel vm1, $0x0, v27;
	[tilespmem:$0xC310] =	vst v41  }
0x33: {  	vm13 =	vlt.s32 v15, v12;
	v46 =	vld [tilespmem:$0xC110];
	v45 =	vnsel vm12, $0x0, v22;
	[tilespmem:$0xC330] =	vst v43  }
0x34: {  	vm14 =	vlt.s32 v13, v12;
	v49 =	vld [tilespmem:$0xC100];
	v48 =	vnsel vm13, $0x0, v21;
	[tilespmem:$0xC340] =	vst v45  }
0x35: {  	vm15 =	vlt.s32 v14, v12;
	v50 =	vld [tilespmem:$0xC170];
	v52 =	vnsel vm14, $0x0, v26;
	[tilespmem:$0xC370] =	vst v48  }
0x36: {  	v53 =	vld [tilespmem:$0xC140];
	v47 =	vshll.u32 v38, $0x8;
	v59 =	vnsel vm15, $0x0, v24;
	[tilespmem:$0xC300] =	vst v52  }
0x37: {  	v54 =	vld [tilespmem:$0xC1C0];
	v51 =	vshll.u32 v42, $0x8;
	v18 =	vor.u32 v30, v47;
	[tilespmem:$0xC320] =	vst v59  }
0x38: {  	v55 =	vld [tilespmem:$0xC160];
	v16 =	vshll.u32 v44, $0x8;
	v13 =	vor.u32 v29, v51;
	[tilespmem:$0xC2D0] =	vst v18  }
0x39: {  	v57 =	vld [tilespmem:$0xC1E0];
	v58 =	vshll.u32 v49, $0x8;
	v56 =	vor.u32 v40, v16;
	[tilespmem:$0xC2B0] =	vst v13  }
0x3a: {  	v60 =	vshll.u32 v50, $0x8;
	v14 =	vor.u32 v39, v58;
	[tilespmem:$0xC2A0] =	vst v56  }
0x3b: {  	v15 =	vshll.u32 v46, $0x8;
	v12 =	vor.u32 v32, v60;
	[tilespmem:$0xC280] =	vst v14  }
0x3c: {  	v61 =	vshll.u32 v53, $0x8;
	v62 =	vor.u32 v31, v15;
	[tilespmem:$0xC2F0] =	vst v12  }
0x3d: {  	v63 =	vshll.u32 v55, $0x8;
	v14 =	vor.u32 v54, v61;
	[tilespmem:$0xC290] =	vst v62  }
0x3e: {  	v13 =	vor.u32 v57, v63;
	[tilespmem:$0xC2C0] =	vst v14  }
0x3f: {  	[tilespmem:$0xC2E0] =	vst v13  }
0x40: {  	[spmem:s4] =	stream.indirect.scatter.add.f32 [tilespmem:s14], [sflag:$0x3], $0x1, s13, s0, $0xb8;
	[tilespmem:$0x1D380] =	vst v63  }
0x41: {  	_ =	swait.ge [sflag:s29], $0x80  }
0x42: {  	[sflag:s29] =	ssyncset.done $0x0  }
0x43: {  	[sflag:s29] =	ssyncadd.s32 $0xFFFFFF80  }
.LBB2_19:
0x44: {  	s17 =	stileid.u32  }
0x45: {  	[bflag:$0x0] =	sbarrier.arrive $0xFFFF;
	s17 =	sshll.u32 s17, $0x6  }
0x46: {  	s18 =	sshrl.u32 s7, $0x3;
	s19 =	rddreg [dreg:$0x7];
	s17 =	sor.u32 $0x1C03, s17  }
0x47: {  	[hbm:s19], [sflag:s17] =	dma.local [spmem:s18], $0x2000  }
0x48: {  	_ =	swait.ge [sflag:s29], $0x2000  }
0x49: {  	s16 =	sadd.s32 $0x1, s16;
	s23 =	rddreg [dreg:$0x8]  }
0x4a: {  	p0 =	sne.s32 s16, s23  }
.Ltmp1:
0x4b: {  	_ = 	snop;
	(pc) =	sbr.rel @!p0 .LBB2_20-.Ltmp1, $3  }
0x4c: {  	_ =	sdelay $0x1  }
0x4d: {  	[sflag:s29] =	ssyncset.done $0x0  }
0x4e: {  	[sflag:s29] =	ssyncadd.s32 $0xFFFFE000  }
.LBB2_1:
0x4f: {  	s17 =	simm.s32 $0x40;
	s18 =	simm.s32 $0x0  }
.LBB2_2:
0x50: {  	p0 =	sne.s32 s17, $0x3FC0;
	[tilespmem:s18+$0xC380] =	vst v3;
	s18 =	smov.u32 s17;
	s17 =	sadd.s32 $0x40, s17  }
.Ltmp2:
0x51: {  	(pc) =	sbr.rel @p0 .LBB2_2-.Ltmp2, $2  }
0x52: {  	_ =	sdelay $0x2  }
0x53: {  	s18 =	sshra.s32 s18, $0x2  }
0x54: {  	[tilespmem:s18+$0xC380] =	vst v3  }
0x55: {  	[spmem:s7] =	stream.linear.scatter [tilespmem:s28], [sflag:$0x3], $0x1000, $0x38;
	[tilespmem:$0x1D380] =	vst v63  }
0x56: {  	_ =	swait.ge [sflag:s29], $0x1000  }
0x57: {  	[sflag:s29] =	ssyncset.done $0x0  }
0x58: {  	s17 =	rddreg [dreg:$0x9];
	[sflag:s29] =	ssyncadd.s32 $0xFFFFF000  }
0x59: {  	[spmem:s17] =	stream.linear.scatter [tilespmem:s28], [sflag:$0x3], $0x1000, $0x38;
	[tilespmem:$0x1D380] =	vst v63  }
0x5a: {  	_ =	swait.ge [sflag:s29], $0x1000  }
0x5b: {  	[sflag:s29] =	ssyncset.done $0x0  }
0x5c: {  	s19 =	rddreg [dreg:$0xa];
	[sflag:s29] =	ssyncadd.s32 $0xFFFFF000  }
0x5d: {  	[spmem:s19] =	stream.linear.scatter [tilespmem:s28], [sflag:$0x3], $0x1000, $0x38;
	[tilespmem:$0x1D380] =	vst v63  }
0x5e: {  	_ =	swait.ge [sflag:s29], $0x1000  }
0x5f: {  	[sflag:s29] =	ssyncset.done $0x0  }
0x60: {  	s20 =	rddreg [dreg:$0xb];
	[sflag:s29] =	ssyncadd.s32 $0xFFFFF000  }
0x61: {  	[spmem:s20] =	stream.linear.scatter [tilespmem:s28], [sflag:$0x3], $0x1000, $0x38;
	[tilespmem:$0x1D380] =	vst v63  }
0x62: {  	_ =	swait.ge [sflag:s29], $0x1000  }
0x63: {  	[sflag:s29] =	ssyncset.done $0x0  }
0x64: {  	s21 =	rddreg [dreg:$0xc];
	[sflag:s29] =	ssyncadd.s32 $0xFFFFF000  }
0x65: {  	[spmem:s21] =	stream.linear.scatter [tilespmem:s28], [sflag:$0x3], $0x1000, $0x38;
	[tilespmem:$0x1D380] =	vst v63  }
0x66: {  	_ =	swait.ge [sflag:s29], $0x1000  }
0x67: {  	[sflag:s29] =	ssyncset.done $0x0  }
0x68: {  	s22 =	rddreg [dreg:$0xd];
	[sflag:s29] =	ssyncadd.s32 $0xFFFFF000  }
0x69: {  	[spmem:s22] =	stream.linear.scatter [tilespmem:s28], [sflag:$0x3], $0x1000, $0x38;
	[tilespmem:$0x1D380] =	vst v63  }
0x6a: {  	_ =	swait.ge [sflag:s29], $0x1000  }
0x6b: {  	[sflag:s29] =	ssyncset.done $0x0  }
0x6c: {  	s23 =	rddreg [dreg:$0xe];
	[sflag:s29] =	ssyncadd.s32 $0xFFFFF000  }
0x6d: {  	[spmem:s23] =	stream.linear.scatter [tilespmem:s28], [sflag:$0x3], $0x1000, $0x38;
	[tilespmem:$0x1D380] =	vst v63  }
0x6e: {  	_ =	swait.ge [sflag:s29], $0x1000  }
0x6f: {  	[sflag:s29] =	ssyncset.done $0x0  }
0x70: {  	s18 =	rddreg [dreg:$0xf];
	[sflag:s29] =	ssyncadd.s32 $0xFFFFF000  }
0x71: {  	[spmem:s18] =	stream.linear.scatter [tilespmem:s28], [sflag:$0x3], $0x1000, $0x38;
	[tilespmem:$0x1D380] =	vst v63  }
0x72: {  	_ =	swait.ge [sflag:s29], $0x1000  }
0x73: {  	[sflag:s29] =	ssyncset.done $0x0  }
0x74: {  	s19 =	rddreg [dreg:$0x10];
	[sflag:s29] =	ssyncadd.s32 $0xFFFFF000  }
0x75: {  	[spmem:s19] =	stream.linear.scatter [tilespmem:s28], [sflag:$0x3], $0x1000, $0x38;
	[tilespmem:$0x1D380] =	vst v63  }
0x76: {  	_ =	swait.ge [sflag:s29], $0x1000  }
0x77: {  	[sflag:s29] =	ssyncset.done $0x0  }
0x78: {  	s20 =	rddreg [dreg:$0x11];
	[sflag:s29] =	ssyncadd.s32 $0xFFFFF000  }
0x79: {  	[spmem:s20] =	stream.linear.scatter [tilespmem:s28], [sflag:$0x3], $0x1000, $0x38;
	[tilespmem:$0x1D380] =	vst v63  }
0x7a: {  	_ =	swait.ge [sflag:s29], $0x1000  }
0x7b: {  	[sflag:s29] =	ssyncset.done $0x0  }
0x7c: {  	s21 =	rddreg [dreg:$0x12];
	[sflag:s29] =	ssyncadd.s32 $0xFFFFF000  }
0x7d: {  	[spmem:s21] =	stream.linear.scatter [tilespmem:s28], [sflag:$0x3], $0x1000, $0x38;
	[tilespmem:$0x1D380] =	vst v63  }
0x7e: {  	_ =	swait.ge [sflag:s29], $0x1000  }
0x7f: {  	[sflag:s29] =	ssyncset.done $0x0  }
0x80: {  	s22 =	rddreg [dreg:$0x13];
	[sflag:s29] =	ssyncadd.s32 $0xFFFFF000  }
0x81: {  	[spmem:s22] =	stream.linear.scatter [tilespmem:s28], [sflag:$0x3], $0x1000, $0x38;
	[tilespmem:$0x1D380] =	vst v63  }
0x82: {  	_ =	swait.ge [sflag:s29], $0x1000  }
0x83: {  	[sflag:s29] =	ssyncset.done $0x0  }
0x84: {  	s23 =	rddreg [dreg:$0x14];
	[sflag:s29] =	ssyncadd.s32 $0xFFFFF000  }
0x85: {  	[spmem:s23] =	stream.linear.scatter [tilespmem:s28], [sflag:$0x3], $0x1000, $0x38;
	[tilespmem:$0x1D380] =	vst v63  }
0x86: {  	_ =	swait.ge [sflag:s29], $0x1000  }
0x87: {  	[sflag:s29] =	ssyncset.done $0x0  }
0x88: {  	[sflag:s29] =	ssyncadd.s32 $0xFFFFF000  }
0x89: {  	[spmem:s24] =	stream.linear.scatter [tilespmem:s28], [sflag:$0x3], $0x1000, $0x38;
	[tilespmem:$0x1D380] =	vst v63  }
0x8a: {  	_ =	swait.ge [sflag:s29], $0x1000  }
0x8b: {  	[sflag:s29] =	ssyncset.done $0x0  }
0x8c: {  	[sflag:s29] =	ssyncadd.s32 $0xFFFFF000  }
0x8d: {  	[spmem:s25] =	stream.linear.scatter [tilespmem:s28], [sflag:$0x3], $0x1000, $0x38;
	[tilespmem:$0x1D380] =	vst v63  }
0x8e: {  	_ =	swait.ge [sflag:s29], $0x1000  }
0x8f: {  	[sflag:s29] =	ssyncset.done $0x0  }
0x90: {  	[sflag:s29] =	ssyncadd.s32 $0xFFFFF000  }
0x91: {  	[spmem:s26] =	stream.linear.scatter [tilespmem:s28], [sflag:$0x3], $0x1000, $0x38;
	[tilespmem:$0x1D380] =	vst v63  }
0x92: {  	_ =	swait.ge [sflag:s29], $0x1000  }
0x93: {  	[sflag:s29] =	ssyncset.done $0x0  }
0x94: {  	s17 =	simm.s32 $0x0;
	s18 =	simm.s32 $0x10;
	[sflag:s29] =	ssyncadd.s32 $0xFFFFF000  }
0x95: {  	s19 =	simm.s32 $0x100;
	s20 =	sadd.s32 $0x0, s8;
	[bflag:$0x0] =	sbarrier.arrive $0xFFFF  }
.LBB2_4:
0x96: {  	[tilespmem:s17], [sflag:$0x1] =	stream.linear.gather [hbm4b:s20+s6], $0x80, $0x38;
	[tilespmem:$0x1D380] =	vst v63  }
0x97: {  	s20 =	smov.u32 s18;
	s17 =	smov.u32 s19;
	p0 =	sne.s32 s18, $0x7F0  }
.Ltmp3:
0x98: {  	s18 =	sadd.s32 $0x10, s18;
	(pc) =	sbr.rel @p0 .LBB2_4-.Ltmp3, $2  }
0x99: {  	_ =	sdelay $0x2  }
0x9a: {  	s19 =	sadd.s32 $0x100, s19;
	s20 =	sadd.s32 s20, s8  }
0x9b: {  	[tilespmem:s17], [sflag:$0x1] =	stream.linear.gather [hbm4b:s20+s6], $0x80, $0x38;
	[tilespmem:$0x1D380] =	vst v63  }
0x9c: {  	_ =	swait.ge [sflag:s30], $0x4000  }
0x9d: {  	s17 =	simm.s32 $0x0;
	[sflag:s30] =	ssyncset.done $0x0  }
0x9e: {  	s18 =	simm.s32 $0x80;
	s19 =	simm.s32 $0x0;
	[sflag:s30] =	ssyncadd.s32 $0xFFFFC000  }
.LBB2_6:
0x9f: {  	p0 =	sne.s32 s19, $0x7F0  }
.Ltmp4:
0xa0: {  	_ = 	snop;
	(pc) =	sbr.rel @p0 .LBB2_6-.Ltmp4, $4  }
0xa1: {  	_ = 	snop  }
0xa2: {  	s20 =	sadd.s32 s19, s9  }
0xa3: {  	[tilespmem:s18], [sflag:$0x2] =	stream.linear.gather [hbm4b:s20+s17], $0x80, $0x38;
	[tilespmem:$0x1D380] =	vst v63  }
0xa4: {  	s19 =	sadd.s32 $0x10, s19;
	s18 =	sadd.s32 $0x100, s18  }
0xa5: {  	s18 =	simm.s32 $0x40  }
0xa6: {  	v12 =	vld [tilespmem:s18+$0x20]  }
0xa7: {  	v13 =	vld [tilespmem:s18+$0x30]  }
0xa8: {  	v14 =	vld [tilespmem:s18+$0xFFFFFFE0]  }
0xa9: {  	v15 =	vld [tilespmem:s18+$0xFFFFFFC0]  }
0xaa: {  	v16 =	vld [tilespmem:s18+$0xFFFFFFF0]  }
0xab: {  	v17 =	vld [tilespmem:s18+$0xFFFFFFD0]  }
0xac: {  	v18 =	vld [tilespmem:s18+$0x0]  }
0xad: {  	v19 =	vimm.s32 $0x0;
	s22 =	simm.s32 $0x60  }
0xae: {  	v60 =	vor.u32 s17, v2;
	v29 =	vor.u32 s22, v2;
	vm6 =	veq.s32 v12, $0xA  }
0xaf: {  	vm4 =	veq.s32 v14, $0xA;
	vm0 =	veq.s32 v13, $0xA;
	vm1 =	veq.s32 v15, $0xA  }
0xb0: {  	v12 =	vld [tilespmem:s18+$0x10];
	vm3 =	veq.s32 v16, $0xA;
	vm2 =	veq.s32 v17, $0xA;
	v13 =	vsel vm6, $0x1, v4  }
0xb1: {  	vm5 =	veq.s32 v18, $0xA;
	v14 =	vsel vm4, $0x1, v4;
	v20 =	vmpcnt.ones.xlane vm4;
	(xrf0) =	vadd.scan.msk.s32 $0xffff, v13  }
0xb2: {  	v15 =	vsel vm0, $0x1, v4;
	v16 =	vmpcnt.ones.xlane vm2;
	v13 =	vmpcnt.ones.xlane vm1;
	(xrf0) =	vadd.scan.msk.s32 $0xffff, v14  }
0xb3: {  	s18 =	simm.s32 $0x140;
	v17 =	vmpcnt.ones.xlane vm5;
	v21 =	vmpcnt.ones.xlane vm6;
	v14 =	vsel vm3, $0x1, v4  }
0xb4: {  	v23 =	vsel vm2, $0x1, v4;
	v24 =	vld [tilespmem:s18+$0x30];
	(xrf0) =	vadd.scan.msk.s32 $0xffff, v14;
	v14 =	vadd.s32 v19, v13;
	v13 =	vsel vm5, $0x1, v4  }
0xb5: {  	v28 =	vld [tilespmem:s18+$0xFFFFFFC0];
	vm10 =	veq.s32 v12, $0xA;
	(xrf0) =	vadd.scan.msk.s32 $0xffff, v15;
	v12 =	vmpcnt.ones.xlane vm3;
	v15 =	vadd.s32 v14, v16  }
0xb6: {  	vm11 =	vmmov vm1;
	v16 =	vsel vm10, $0x1, v4;
	(xrf0) =	vadd.scan.msk.s32 $0xffff, v13;
	v13 =	vadd.s32 v15, v20  }
0xb7: {  	v20 =	vsel vm1, $0x1, v4;
	(xrf0) =	vadd.scan.msk.s32 $0xffff, v16;
	v16 =	vmpcnt.ones.xlane vm10;
	v12 =	vadd.s32 v13, v12;
	v18, _, _ =	vpop (xrf0)  }
0xb8: {  	vm12 =	vmmov vm2;
	v26 =	vld [tilespmem:s18+$0xFFFFFFD0];
	v17 =	vadd.s32 v12, v17;
	v22, _, _ =	vpop (xrf0);
	(xrf0) =	vadd.scan.msk.s32 $0xffff, v20;
	v20 =	vmpcnt.ones.xlane vm0  }
0xb9: {  	vm1 =	vmmov vm5;
	vm5 =	veq.s32 v24, $0xA;
	v16 =	vadd.s32 v17, v16  }
0xba: {  	vm8 =	veq.s32 v28, $0xA;
	v15 =	vadd.s32 v22, v15;
	v22, _, _ =	vpop (xrf0);
	(xrf0) =	vadd.scan.msk.s32 $0xffff, v23;
	v18 =	vadd.s32 v18, v16  }
0xbb: {  	v16 =	vadd.s32 v16, v21;
	v13 =	vadd.s32 v22, v13;
	v21, _, _ =	vpop (xrf0);
	v18 =	vadd.s32 $0xFFFFFFFF, v18  }
0xbc: {  	v22 =	vadd.s32 $0xFFFFFFFF, v13;
	v21 =	vadd.s32 v21, v16;
	v13 =	vadd.s32 v16, v20;
	v16 =	vld [tilespmem:s18+$0x20];
	v20, _, _ =	vpop (xrf0)  }
0xbd: {  	v31 =	vld [tilespmem:s18+$0xFFFFFFF0];
	vm7 =	veq.s32 v26, $0xA;
	v26 =	vsel vm5, $0x1, v4;
	v23 =	vadd.s32 $0xFFFFFFFF, v15;
	v15, _, _ =	vpop (xrf0)  }
0xbe: {  	v62 =	vmpcnt.ones.xlane vm5;
	v63 =	vsel vm7, $0x1, v4;
	v15 =	vadd.s32 v15, v17;
	v17 =	vld [tilespmem:s18+$0xFFFFFFE0]  }
0xbf: {  	s19 =	simm.s32 $0x30;
	vm0 =	vmmov vm0;
	v12 =	vadd.s32 v20, v12;
	v20 =	vadd.s32 $0xFFFFFFFF, v21;
	v27, _, _ =	vpop (xrf0)  }
0xc0: {  	v21 =	vsel vm8, $0x1, v4;
	v25 =	vadd.s32 $0xFFFFFFFF, v15;
	v15 =	vor.u32 s19, v2;
	v30, _, _ =	vpop (xrf0)  }
0xc1: {  	s20 =	simm.s32 $0x20;
	v19 =	vadd.s32 v27, v19;
	[tilespmem:v18+s31+$0x0] =	vst.idx.msk vm6, v29;
	v14 =	vadd.s32 v30, v14;
	vm2 =	veq.s32 v16, $0xA;
	v16 =	vld [tilespmem:s18+$0x0]  }
0xc2: {  	v27 =	vor.u32 s20, v2;
	[tilespmem:v22+s31+$0x0] =	vst.idx.msk vm3, v15;
	v22 =	vld [tilespmem:s18+$0x10];
	v24 =	vadd.s32 $0xFFFFFFFF, v14;
	v14 =	vsel vm2, $0x1, v4  }
0xc3: {  	s23 =	simm.s32 $0x50;
	s21 =	simm.s32 $0x70;
	vm6 =	veq.s32 v31, $0xA;
	v32 =	vadd.s32 $0xFFFFFFFF, v19;
	(xrf0) =	vadd.scan.msk.s32 $0xffff, v14;
	vm3 =	veq.s32 v17, $0xA  }
0xc4: {  	v19 =	vor.u32 s23, v2;
	v15 =	vor.u32 s21, v2;
	v17 =	vsel vm3, $0x1, v4  }
0xc5: {  	[tilespmem:v23+s31+$0x0] =	vst.idx.msk vm4, v27;
	v27 =	vsel vm6, $0x1, v4;
	v14 =	vmpcnt.ones.xlane vm8;
	(xrf0) =	vadd.scan.msk.s32 $0xffff, v17  }
0xc6: {  	v18 =	vmpcnt.ones.xlane vm3;
	v17 =	vmpcnt.ones.xlane vm7;
	vm9 =	veq.s32 v16, $0xA;
	(xrf0) =	vadd.scan.msk.s32 $0xffff, v27  }
0xc7: {  	v16 =	vadd.s32 v13, v14;
	vm4 =	veq.s32 v22, $0xA;
	v22 =	vsel vm9, $0x1, v4;
	(xrf0) =	vadd.scan.msk.s32 $0xffff, v26  }
0xc8: {  	v14 =	vmpcnt.ones.xlane vm6;
	v17 =	vadd.s32 v16, v17;
	v26 =	vsel vm4, $0x1, v4;
	(xrf0) =	vadd.scan.msk.s32 $0xffff, v22  }
0xc9: {  	s22 =	simm.s32 $0x10;
	[tilespmem:v25+s31+$0x0] =	vst.idx.msk vm10, v19;
	v18 =	vadd.s32 v17, v18;
	v22 =	vmpcnt.ones.xlane vm9;
	v25, _, _ =	vpop (xrf0);
	(xrf0) =	vadd.scan.msk.s32 $0xffff, v26  }
0xca: {  	v23 =	vor.u32 s22, v2;
	v61 =	vmpcnt.ones.xlane vm4;
	v14 =	vadd.s32 v18, v14  }
0xcb: {  	s23 =	simm.s32 $0x40;
	v19 =	vadd.s32 $0xFFFFFFFF, v12;
	v27 =	vmpcnt.ones.xlane vm2;
	[tilespmem:v24+s31+$0x0] =	vst.idx.msk vm12, v23;
	v22 =	vadd.s32 v14, v22;
	v12, _, _ =	vpop (xrf0)  }
0xcc: {  	v23 =	vor.u32 s23, v2;
	(xrf0) =	vadd.scan.msk.s32 $0xffff, v21;
	v24 =	vadd.s32 v12, v17;
	v12 =	vadd.s32 v22, v61;
	v17, _, _ =	vpop (xrf0)  }
0xcd: {  	(xrf0) =	vadd.scan.msk.s32 $0xffff, v63;
	v17 =	vadd.s32 v17, v18;
	v25 =	vadd.s32 v25, v12;
	v12 =	vadd.s32 v12, v27;
	v18, _, _ =	vpop (xrf0)  }
0xce: {  	s17 =	simm.s32 $0x80;
	s19 =	simm.s32 $0x240;
	s18 =	simm.s32 $0x100;
	[tilespmem:v32+s31+$0x0] =	vst.idx.msk vm11, v60;
	v21 =	vadd.s32 $0xFFFFFFFF, v17;
	v17 =	vadd.s32 v18, v12;
	v12 =	vadd.s32 v12, v62;
	v18, _, _ =	vpop (xrf0)  }
.LBB2_8:
0xcf: {  	v26 =	vld [tilespmem:s19+$0x20];
	p0 =	slt.u32 s18, $0x3F80;
	v24 =	vadd.s32 $0xFFFFFFFF, v24;
	v25 =	vadd.s32 $0xFFFFFFFF, v25;
	v27, _, _ =	vpop (xrf0);
	[tilespmem:v20+s31+$0x0] =	vst.idx.msk vm0, v15;
	vm0 =	vmmov vm5;
	s20 =	smov.u32 s18;
	s18 =	sadd.s32 $0x80, s18  }
0xd0: {  	vm10 =	vmmov vm8;
	vm11 =	vmmov vm7;
	v15 =	vld [tilespmem:s19+$0x30];
	v20 =	vadd.s32 v27, v22;
	[tilespmem:v19+s31+$0x0] =	vst.idx.msk vm1, v23  }
0xd1: {  	s21 =	sadd.s32 $0x30, s17;
	vm1 =	vmmov vm9;
	v19 =	vld [tilespmem:s19+$0xFFFFFFE0];
	v20 =	vadd.s32 $0xFFFFFFFF, v20  }
0xd2: {  	s22 =	sadd.s32 $0x20, s17;
	v29 =	vor.u32 s21, v2;
	s21 =	sadd.s32 $0x60, s17;
	v22 =	vld [tilespmem:s19+$0xFFFFFFD0];
	v27, _, _ =	vpop (xrf0)  }
0xd3: {  	v28 =	vld [tilespmem:s19+$0xFFFFFFC0];
	v31 =	vadd.s32 v27, v13;
	v27 =	vor.u32 s22, v2;
	[tilespmem:v21+s31+$0x0] =	vst.idx.msk vm6, v29;
	s22 =	sadd.s32 $0x50, s17;
	v21 =	vor.u32 s21, v2;
	v23, _, _ =	vpop (xrf0)  }
0xd4: {  	v13 =	vmovc v12;
	v29 =	vld [tilespmem:s19+$0xFFFFFFF0];
	v30 =	vadd.s32 $0xFFFFFFFF, v31;
	v16 =	vadd.s32 v23, v16;
	v23 =	vor.u32 s22, v2;
	[tilespmem:v25+s31+$0x0] =	vst.idx.msk vm2, v21  }
0xd5: {  	s21 =	sadd.s32 $0x70, s17;
	vm2 =	veq.s32 v26, $0xA;
	v21 =	vld [tilespmem:s19+$0x0];
	vm5 =	veq.s32 v15, $0xA;
	v16 =	vadd.s32 $0xFFFFFFFF, v16;
	[tilespmem:v24+s31+$0x0] =	vst.idx.msk vm3, v27  }
0xd6: {  	v15 =	vor.u32 s21, v2;
	vm3 =	veq.s32 v19, $0xA;
	v19 =	vsel vm2, $0x1, v4;
	[tilespmem:v20+s31+$0x0] =	vst.idx.msk vm4, v23  }
0xd7: {  	v25 =	vor.u32 s17, v2;
	s21 =	sadd.s32 $0x10, s17;
	v20 =	vsel vm3, $0x1, v4;
	v23 =	vmpcnt.ones.xlane vm3;
	v24 =	vld [tilespmem:s19+$0x10]  }
0xd8: {  	vm7 =	veq.s32 v22, $0xA;
	vm8 =	veq.s32 v28, $0xA;
	(xrf0) =	vadd.scan.msk.s32 $0xffff, v19;
	v19 =	vor.u32 s21, v2  }
0xd9: {  	v26 =	vsel vm5, $0x1, v4;
	v22 =	vmpcnt.ones.xlane vm8;
	vm6 =	veq.s32 v29, $0xA;
	(xrf0) =	vadd.scan.msk.s32 $0xffff, v20  }
0xda: {  	v20 =	vmpcnt.ones.xlane vm7;
	v27 =	vsel vm6, $0x1, v4;
	vm9 =	veq.s32 v21, $0xA;
	[tilespmem:v16+s31+$0x0] =	vst.idx.msk vm11, v19  }
0xdb: {  	v21 =	vmpcnt.ones.xlane vm2;
	v16 =	vadd.s32 v12, v22;
	v12 =	vmpcnt.ones.xlane vm6;
	(xrf0) =	vadd.scan.msk.s32 $0xffff, v27  }
0xdc: {  	v19 =	vsel vm9, $0x1, v4;
	v27 =	vadd.s32 v16, v20;
	vm4 =	veq.s32 v24, $0xA;
	(xrf0) =	vadd.scan.msk.s32 $0xffff, v26  }
0xdd: {  	v26 =	vadd.s32 v27, v23;
	v20 =	vsel vm4, $0x1, v4;
	v23 =	vmpcnt.ones.xlane vm4;
	(xrf0) =	vadd.scan.msk.s32 $0xffff, v19  }
0xde: {  	v18 =	vadd.s32 v18, v14;
	v22 =	vmpcnt.ones.xlane vm9;
	(xrf0) =	vadd.scan.msk.s32 $0xffff, v20;
	v28, _, _ =	vpop (xrf0);
	v14 =	vadd.s32 v26, v12  }
.Ltmp5:
0xdf: {  	v19 =	vadd.s32 $0xFFFFFFFF, v18;
	v12 =	vmpcnt.ones.xlane vm5;
	v20 =	vadd.s32 $0xFFFFFFFF, v17;
	v24, _, _ =	vpop (xrf0);
	[tilespmem:v30+s31+$0x0] =	vst.idx.msk vm10, v25;
	(pc) =	sbr.rel @p0 .LBB2_8-.Ltmp5, $4  }
0xe0: {  	s21 =	sadd.s32 $0x40, s17;
	s17 =	smov.u32 s20;
	v29 =	vsel vm7, $0x1, v4;
	v25 =	vsel vm8, $0x1, v4;
	v22 =	vadd.s32 v14, v22  }
0xe1: {  	v24 =	vadd.s32 v24, v27;
	v27 =	vadd.s32 v22, v23;
	v23 =	vor.u32 s21, v2;
	(xrf0) =	vadd.scan.msk.s32 $0xffff, v25;
	v17, _, _ =	vpop (xrf0)  }
0xe2: {  	v25 =	vadd.s32 v28, v27;
	v17 =	vadd.s32 v17, v26;
	v26 =	vadd.s32 v27, v21;
	(xrf0) =	vadd.scan.msk.s32 $0xffff, v29;
	v18, _, _ =	vpop (xrf0)  }
0xe3: {  	s19 =	sadd.s32 $0x100, s19;
	v21 =	vadd.s32 $0xFFFFFFFF, v17;
	v17 =	vadd.s32 v18, v26;
	v12 =	vadd.s32 v26, v12;
	v18, _, _ =	vpop (xrf0)  }
0xe4: {  	v26 =	vxor.u32 $0x80000000, v12  }
0xe5: {  	(xrf0) =	vmax.scan.msk.u32 $0xffff, v26;
	_ =	sdelay $0x2  }
0xe6: {  	v53, _, _ =	vpop (xrf0)  }
0xe7: {  	v27, _, _ =	vpop (xrf0)  }
0xe8: {  	v28, _, _ =	vpop (xrf0)  }
0xe9: {  	v29, _, _ =	vpop (xrf0)  }
0xea: {  	(v2sf) =	vpush v29, $0xF;
	_ =	sdelay $0x3  }
0xeb: {  	v25 =	vadd.s32 $0xFFFFFFFF, v25  }
0xec: {  	v24 =	vadd.s32 $0xFFFFFFFF, v24;
	v22 =	vadd.s32 v53, v22  }
0xed: {  	vm8 =	vmmov vm8;
	[tilespmem:v20+s31+$0x0] =	vst.idx.msk vm0, v15;
	s18 =	sadd.s32 $0x30, s17;
	v15 =	vadd.s32 $0xFFFFFFFF, v22;
	v16 =	vadd.s32 v28, v16  }
0xee: {  	[tilespmem:v19+s31+$0x0] =	vst.idx.msk vm1, v23;
	s23 =	sadd.s32 $0x60, s17;
	v54 =	vor.u32 s18, v2;
	v13 =	vadd.s32 v27, v13;
	v16 =	vadd.s32 $0xFFFFFFFF, v16  }
0xef: {  	vm5 =	vmmov vm5;
	s19 =	sadd.s32 $0x20, s17;
	v55 =	vor.u32 s23, v2;
	[tilespmem:v21+s31+$0x0] =	vst.idx.msk vm6, v54;
	v13 =	vadd.s32 $0xFFFFFFFF, v13  }
0xf0: {  	v14 =	vadd.s32 v18, v14;
	v17 =	vadd.s32 $0xFFFFFFFF, v17;
	v56 =	vor.u32 s19, v2;
	s19 =	sadd.s32 $0x50, s17;
	[tilespmem:v25+s31+$0x0] =	vst.idx.msk vm2, v55  }
0xf1: {  	s20 =	sadd.s32 $0x10, s17;
	v14 =	vadd.s32 $0xFFFFFFFF, v14;
	v57 =	vor.u32 s19, v2;
	[tilespmem:v24+s31+$0x0] =	vst.idx.msk vm3, v56  }
0xf2: {  	v58 =	vadd.s32 v2, v12;
	[tilespmem:v15+s31+$0x0] =	vst.idx.msk vm4, v57;
	v15 =	vor.u32 s20, v2  }
0xf3: {  	s21 =	sadd.s32 $0x70, s17;
	v59 =	vor.u32 s17, v2;
	[tilespmem:v16+s31+$0x0] =	vst.idx.msk vm7, v15;
	v15 =	vadd.s32 v5, v12  }
0xf4: {  	s22 =	sadd.s32 $0x40, s17;
	v60 =	vor.u32 s21, v2;
	[tilespmem:v13+s31+$0x0] =	vst.idx.msk vm8, v59;
	v13 =	vadd.s32 v6, v12  }
0xf5: {  	v62 =	vadd.s32 v7, v12;
	v61 =	vor.u32 s22, v2;
	[tilespmem:v17+s31+$0x0] =	vst.idx.msk vm5, v60  }
0xf6: {  	[tilespmem:v14+s31+$0x0] =	vst.idx.msk vm9, v61;
	v14 =	vadd.s32 v8, v12;
	s23 =	spop (v2sf)  }
0xf7: {  	v63 =	vadd.s32 v9, v12;
	[tilespmem:v58+s31+$0x0] =	vst.idx.msk $0xffff, v4;
	s17 =	sadd.s32 $0x8000007F, s23  }
0xf8: {  	[tilespmem:v15+s31+$0x0] =	vst.idx.msk $0xffff, v4;
	v15 =	vadd.s32 v10, v12;
	s19 =	sshra.s32 s17, $0x7  }
0xf9: {  	[tilespmem:v13+s31+$0x0] =	vst.idx.msk $0xffff, v4;
	v13 =	vadd.s32 v11, v12;
	p0 =	slt.s32 s19, $0x1  }
.Ltmp6:
0xfa: {  	[tilespmem:v62+s31+$0x0] =	vst.idx.msk $0xffff, v4;
	(pc) =	sbr.rel @p0 .LBB2_13-.Ltmp6, $4  }
0xfb: {  	[tilespmem:v14+s31+$0x0] =	vst.idx.msk $0xffff, v4  }
0xfc: {  	[tilespmem:v63+s31+$0x0] =	vst.idx.msk $0xffff, v4  }
0xfd: {  	[tilespmem:v15+s31+$0x0] =	vst.idx.msk $0xffff, v4  }
0xfe: {  	vm14 =	vmmov vm7;
	vm15 =	vmmov vm9;
	[tilespmem:v13+s31+$0x0] =	vst.idx.msk $0xffff, v4  }
0xff: {  	s17 =	simm.s32 $0x8040  }
0x100: {  	v13 =	vld [tilespmem:s17+$0xFFFFFFC0];
	_ =	sdelay $0x4  }
0x101: {  	v13 =	vadd.s32 v0, v13  }
0x102: {  	[tilespmem:$0xC080] =	vst v13  }
0x103: {  	v13 =	vld [tilespmem:s17+$0xFFFFFFD0];
	_ =	sdelay $0x4  }
0x104: {  	v13 =	vadd.s32 v0, v13  }
0x105: {  	[tilespmem:$0xC090] =	vst v13  }
0x106: {  	v13 =	vld [tilespmem:s17+$0xFFFFFFE0];
	_ =	sdelay $0x4  }
0x107: {  	v13 =	vadd.s32 v0, v13  }
0x108: {  	[tilespmem:$0xC0A0] =	vst v13  }
0x109: {  	v13 =	vld [tilespmem:s17+$0xFFFFFFF0];
	_ =	sdelay $0x4  }
0x10a: {  	v13 =	vadd.s32 v0, v13  }
0x10b: {  	[tilespmem:$0xC0B0] =	vst v13  }
0x10c: {  	v13 =	vld [tilespmem:s17+$0x0];
	_ =	sdelay $0x4  }
0x10d: {  	v13 =	vadd.s32 v0, v13  }
0x10e: {  	[tilespmem:$0xC0C0] =	vst v13  }
0x10f: {  	v13 =	vld [tilespmem:s17+$0x10];
	_ =	sdelay $0x4  }
0x110: {  	v13 =	vadd.s32 v0, v13  }
0x111: {  	[tilespmem:$0xC0D0] =	vst v13  }
0x112: {  	v13 =	vld [tilespmem:s17+$0x20];
	_ =	sdelay $0x4  }
0x113: {  	v13 =	vadd.s32 v0, v13  }
0x114: {  	[tilespmem:$0xC0E0] =	vst v13  }
0x115: {  	v13 =	vld [tilespmem:s17+$0x30];
	_ =	sdelay $0x4  }
0x116: {  	v13 =	vadd.s32 v0, v13  }
0x117: {  	[tilespmem:$0xC0F0] =	vst v13  }
0x118: {  	[tilespmem:s10], [sflag:$0x1] =	stream.indirect.gather [hbm4b:s1+s0], $0x1, s5, s0, $0xb8;
	[tilespmem:$0x1D380] =	vst v63  }
0x119: {  	_ = 	snop  }
0x11a: {  	[tilespmem:s11], [sflag:$0x1] =	stream.indirect.gather [hbm4b:s2+s0], $0x1, s5, s0, $0xb8;
	[tilespmem:$0x1D380] =	vst v63  }
0x11b: {  	p0 =	sne.s32 s19, $0x1  }
0x11c: {  	[tilespmem:s12], [sflag:$0x1] =	stream.indirect.gather [hbm4b:s3+s0], $0x1, s5, s0, $0xb8;
	[tilespmem:$0x1D380] =	vst v63  }
.Ltmp7:
0x11d: {  	s18 =	simm.s32 $0x0;
	s20 =	simm.s32 $0x50;
	(pc) =	sbr.rel @!p0 .LBB2_12-.Ltmp7, $4  }
0x11e: {  	s21 =	simm.s32 $0x60;
	s22 =	simm.s32 $0x10;
	_ =	swait.ge [sflag:s30], $0x80  }
0x11f: {  	s23 =	simm.s32 $0x30;
	v20 =	vor.u32 s20, v2;
	s20 =	simm.s32 $0x40;
	v17 =	vor.u32 s21, v2;
	[sflag:s30] =	ssyncset.done $0x0  }
0x120: {  	s21 =	simm.s32 $0x70;
	v19 =	vor.u32 s22, v2;
	v18 =	vor.u32 s23, v2;
	s23 =	simm.s32 $0x20;
	v16 =	vor.u32 s20, v2;
	[sflag:s30] =	ssyncadd.s32 $0xFFFFFF80  }
0x121: {  	s19 =	sadd.s32 $0xFFFFFFFF, s19;
	v15 =	vor.u32 s21, v2;
	v14 =	vor.u32 s23, v2;
	v13 =	vor.u32 s18, v2;
	_ =	swait.ge [sflag:s30], $0x80  }
.LBB2_11:
0x122: {  	[sflag:s30] =	ssyncset.done $0x0;
	s18 =	sadd.s32 $0x80, s18;
	s17 =	sadd.s32 $0x80, s17  }
0x123: {  	p0 =	sne.s32 s19, $0x1;
	s19 =	sadd.s32 $0xFFFFFFFF, s19;
	v21 =	vor.u32 s18, v2;
	[sflag:s30] =	ssyncadd.s32 $0xFFFFFF80  }
0x124: {  	s20 =	sadd.s32 $0x50, s18;
	s21 =	sadd.s32 $0x60, s18;
	_ =	swait.ge [sflag:s30], $0x80  }
0x125: {  	s22 =	sadd.s32 $0x10, s18;
	s23 =	sadd.s32 $0x30, s18;
	v22 =	vor.u32 s20, v2;
	v23 =	vor.u32 s21, v2;
	[sflag:s30] =	ssyncset.done $0x0  }
0x126: {  	s20 =	sadd.s32 $0x40, s18;
	s21 =	sadd.s32 $0x70, s18;
	v24 =	vor.u32 s22, v2;
	v25 =	vor.u32 s23, v2;
	[sflag:s30] =	ssyncadd.s32 $0xFFFFFF80  }
0x127: {  	s22 =	sadd.s32 $0x20, s18;
	v26 =	vor.u32 s20, v2;
	v27 =	vor.u32 s21, v2;
	v28 =	vld [tilespmem:$0xC270]  }
0x128: {  	v29 =	vor.u32 s22, v2;
	v30 =	vld [tilespmem:$0xC240]  }
0x129: {  	v31 =	vld [tilespmem:$0xC260]  }
0x12a: {  	v32 =	vld [tilespmem:$0xC220]  }
0x12b: {  	v33 =	vld [tilespmem:$0xC250]  }
0x12c: {  	v34 =	vld [tilespmem:$0xC200]  }
0x12d: {  	v35 =	vld [tilespmem:$0xC230]  }
0x12e: {  	v36 =	vld [tilespmem:$0xC210]  }
0x12f: {  	vm0 =	vlt.s32 v20, v12;
	v20 =	vmov v22;
	v37 =	vld [tilespmem:$0xC1E0]  }
0x130: {  	v22 =	vld [tilespmem:$0xC1B0];
	v33 =	vnsel vm0, $0x0, v33;
	vm0 =	vlt.s32 v17, v12;
	v17 =	vmov v23  }
0x131: {  	vm1 =	vlt.s32 v18, v12;
	v18 =	vmov v25;
	v23 =	vld [tilespmem:$0xC1D0];
	[tilespmem:$0xC350] =	vst v33;
	v31 =	vnsel vm0, $0x0, v31  }
0x132: {  	vm0 =	vlt.s32 v19, v12;
	v19 =	vmov v24;
	v25 =	vld [tilespmem:$0xC190];
	v33 =	vnsel vm1, $0x0, v35  }
0x133: {  	v24 =	vnsel vm0, $0x0, v36;
	[tilespmem:$0xC360] =	vst v31;
	v31 =	vld [tilespmem:$0xC1F0]  }
0x134: {  	[tilespmem:$0xC310] =	vst v24;
	v24 =	vld [tilespmem:$0xC150]  }
0x135: {  	vm0 =	vlt.s32 v16, v12;
	v16 =	vmov v26;
	v35 =	vld [tilespmem:$0xC180];
	[tilespmem:$0xC330] =	vst v33  }
0x136: {  	v30 =	vnsel vm0, $0x0, v30;
	v26 =	vld [tilespmem:$0xC1A0]  }
0x137: {  	v33 =	vld [tilespmem:$0xC130];
	[tilespmem:$0xC340] =	vst v30  }
0x138: {  	vm0 =	vlt.s32 v15, v12;
	v15 =	vmov v27;
	v30 =	vld [tilespmem:$0xC120]  }
0x139: {  	v28 =	vnsel vm0, $0x0, v28;
	v27 =	vld [tilespmem:$0xC110];
	v24 =	vshll.u32 v24, $0x8  }
0x13a: {  	v23 =	vor.u32 v23, v24;
	v24 =	vld [tilespmem:$0xC170];
	[tilespmem:$0xC370] =	vst v28  }
0x13b: {  	v28 =	vld [tilespmem:$0xC100];
	[tilespmem:$0xC2D0] =	vst v23  }
0x13c: {  	vm0 =	vlt.s32 v13, v12;
	v13 =	vmov v21;
	v23 =	vshll.u32 v33, $0x8;
	v33 =	vld [tilespmem:$0xC160]  }
0x13d: {  	v21 =	vnsel vm0, $0x0, v34;
	v30 =	vshll.u32 v30, $0x8;
	v34 =	vld [tilespmem:$0xC140]  }
0x13e: {  	v22 =	vor.u32 v22, v23;
	[tilespmem:$0xC300] =	vst v21;
	v21 =	vshll.u32 v27, $0x8;
	v23 =	vld [tilespmem:$0xC1C0]  }
0x13f: {  	vm0 =	vlt.s32 v14, v12;
	v26 =	vor.u32 v26, v30;
	v21 =	vor.u32 v25, v21;
	[tilespmem:$0xC2B0] =	vst v22  }
0x140: {  	v14 =	vmovc v29;
	v25 =	vnsel vm0, $0x0, v32;
	v24 =	vshll.u32 v24, $0x8;
	v22 =	vshll.u32 v28, $0x8;
	[tilespmem:$0xC2A0] =	vst v26  }
0x141: {  	v22 =	vor.u32 v35, v22;
	[tilespmem:$0xC320] =	vst v25;
	v25 =	vshll.u32 v33, $0x8  }
0x142: {  	v24 =	vor.u32 v31, v24;
	[tilespmem:$0xC280] =	vst v22;
	v22 =	vshll.u32 v34, $0x8;
	v25 =	vor.u32 v37, v25  }
0x143: {  	v22 =	vor.u32 v23, v22;
	[tilespmem:$0xC2F0] =	vst v24  }
0x144: {  	[tilespmem:$0xC2C0] =	vst v22  }
0x145: {  	[tilespmem:$0xC290] =	vst v21  }
0x146: {  	[tilespmem:$0xC2E0] =	vst v25  }
0x147: {  	[spmem:s4] =	stream.indirect.scatter.add.f32 [tilespmem:s14], [sflag:$0x3], $0x1, s13, s0, $0xb8;
	[tilespmem:$0x1D380] =	vst v63  }
0x148: {  	_ =	swait.ge [sflag:s29], $0x80  }
0x149: {  	[sflag:s29] =	ssyncset.done $0x0  }
0x14a: {  	[sflag:s29] =	ssyncadd.s32 $0xFFFFFF80  }
0x14b: {  	v21 =	vld [tilespmem:s17+$0xFFFFFFC0];
	_ =	sdelay $0x4  }
0x14c: {  	v21 =	vadd.s32 v0, v21  }
0x14d: {  	[tilespmem:$0xC080] =	vst v21  }
0x14e: {  	v21 =	vld [tilespmem:s17+$0xFFFFFFD0];
	_ =	sdelay $0x4  }
0x14f: {  	v21 =	vadd.s32 v0, v21  }
0x150: {  	[tilespmem:$0xC090] =	vst v21  }
0x151: {  	v21 =	vld [tilespmem:s17+$0xFFFFFFE0];
	_ =	sdelay $0x4  }
0x152: {  	v21 =	vadd.s32 v0, v21  }
0x153: {  	[tilespmem:$0xC0A0] =	vst v21  }
0x154: {  	v21 =	vld [tilespmem:s17+$0xFFFFFFF0];
	_ =	sdelay $0x4  }
0x155: {  	v21 =	vadd.s32 v0, v21  }
0x156: {  	[tilespmem:$0xC0B0] =	vst v21  }
0x157: {  	v21 =	vld [tilespmem:s17+$0x0];
	_ =	sdelay $0x4  }
0x158: {  	v21 =	vadd.s32 v0, v21  }
0x159: {  	[tilespmem:$0xC0C0] =	vst v21  }
0x15a: {  	v21 =	vld [tilespmem:s17+$0x10];
	_ =	sdelay $0x4  }
0x15b: {  	v21 =	vadd.s32 v0, v21  }
0x15c: {  	[tilespmem:$0xC0D0] =	vst v21  }
0x15d: {  	v21 =	vld [tilespmem:s17+$0x20];
	_ =	sdelay $0x4  }
0x15e: {  	v21 =	vadd.s32 v0, v21  }
0x15f: {  	[tilespmem:$0xC0E0] =	vst v21  }
0x160: {  	v21 =	vld [tilespmem:s17+$0x30];
	_ =	sdelay $0x4  }
0x161: {  	v21 =	vadd.s32 v0, v21  }
0x162: {  	[tilespmem:$0xC0F0] =	vst v21  }
0x163: {  	[tilespmem:s10], [sflag:$0x1] =	stream.indirect.gather [hbm4b:s1+s0], $0x1, s5, s0, $0xb8;
	[tilespmem:$0x1D380] =	vst v63  }
0x164: {  	_ = 	snop  }
0x165: {  	[tilespmem:s11], [sflag:$0x1] =	stream.indirect.gather [hbm4b:s2+s0], $0x1, s5, s0, $0xb8;
	[tilespmem:$0x1D380] =	vst v63  }
0x166: {  	_ = 	snop  }
0x167: {  	[tilespmem:s12], [sflag:$0x1] =	stream.indirect.gather [hbm4b:s3+s0], $0x1, s5, s0, $0xb8;
	[tilespmem:$0x1D380] =	vst v63  }
.Ltmp8:
0x168: {  	_ = 	snop;
	(pc) =	sbr.rel @p0 .LBB2_11-.Ltmp8, $4  }
0x169: {  	_ =	swait.ge [sflag:s30], $0x80  }
0x16a: {  	[sflag:s30] =	ssyncset.done $0x0  }
0x16b: {  	[sflag:s30] =	ssyncadd.s32 $0xFFFFFF80  }
0x16c: {  	_ =	swait.ge [sflag:s30], $0x80  }
.LBB2_12:
0x16d: {  	[sflag:s30] =	ssyncset.done $0x0  }
0x16e: {  	[sflag:s30] =	ssyncadd.s32 $0xFFFFFF80  }
0x16f: {  	_ =	swait.ge [sflag:s30], $0x80  }
0x170: {  	[sflag:s30] =	ssyncset.done $0x0  }
0x171: {  	[sflag:s30] =	ssyncadd.s32 $0xFFFFFF80  }
0x172: {  	v21 =	vld [tilespmem:$0xC270]  }
0x173: {  	v22 =	vld [tilespmem:$0xC240]  }
0x174: {  	v23 =	vld [tilespmem:$0xC260]  }
0x175: {  	v24 =	vld [tilespmem:$0xC220]  }
0x176: {  	v25 =	vld [tilespmem:$0xC250]  }
0x177: {  	v26 =	vld [tilespmem:$0xC200]  }
0x178: {  	v27 =	vld [tilespmem:$0xC230]  }
0x179: {  	v28 =	vld [tilespmem:$0xC210]  }
0x17a: {  	v29 =	vld [tilespmem:$0xC1B0]  }
0x17b: {  	v30 =	vld [tilespmem:$0xC1D0]  }
0x17c: {  	v31 =	vld [tilespmem:$0xC190]  }
0x17d: {  	v32 =	vld [tilespmem:$0xC1F0]  }
0x17e: {  	vm0 =	vlt.s32 v20, v12;
	v38 =	vld [tilespmem:$0xC150]  }
0x17f: {  	vm10 =	vlt.s32 v17, v12;
	v39 =	vld [tilespmem:$0xC180];
	v25 =	vnsel vm0, $0x0, v25  }
0x180: {  	vm11 =	vlt.s32 v19, v12;
	v40 =	vld [tilespmem:$0xC1A0];
	v23 =	vnsel vm10, $0x0, v23;
	[tilespmem:$0xC350] =	vst v25  }
0x181: {  	vm1 =	vlt.s32 v18, v12;
	v42 =	vld [tilespmem:$0xC130];
	v41 =	vnsel vm11, $0x0, v28;
	[tilespmem:$0xC360] =	vst v23  }
0x182: {  	vm12 =	vlt.s32 v16, v12;
	v44 =	vld [tilespmem:$0xC120];
	v43 =	vnsel vm1, $0x0, v27;
	[tilespmem:$0xC310] =	vst v41  }
0x183: {  	vm13 =	vlt.s32 v15, v12;
	v46 =	vld [tilespmem:$0xC110];
	v45 =	vnsel vm12, $0x0, v22;
	[tilespmem:$0xC330] =	vst v43  }
0x184: {  	vm14 =	vlt.s32 v13, v12;
	v49 =	vld [tilespmem:$0xC100];
	v48 =	vnsel vm13, $0x0, v21;
	[tilespmem:$0xC340] =	vst v45  }
0x185: {  	vm15 =	vlt.s32 v14, v12;
	v50 =	vld [tilespmem:$0xC170];
	v52 =	vnsel vm14, $0x0, v26;
	[tilespmem:$0xC370] =	vst v48  }
0x186: {  	v53 =	vld [tilespmem:$0xC140];
	v47 =	vshll.u32 v38, $0x8;
	v59 =	vnsel vm15, $0x0, v24;
	[tilespmem:$0xC300] =	vst v52  }
0x187: {  	v54 =	vld [tilespmem:$0xC1C0];
	v51 =	vshll.u32 v42, $0x8;
	v18 =	vor.u32 v30, v47;
	[tilespmem:$0xC320] =	vst v59  }
0x188: {  	v55 =	vld [tilespmem:$0xC160];
	v16 =	vshll.u32 v44, $0x8;
	v13 =	vor.u32 v29, v51;
	[tilespmem:$0xC2D0] =	vst v18  }
0x189: {  	v57 =	vld [tilespmem:$0xC1E0];
	v58 =	vshll.u32 v49, $0x8;
	v56 =	vor.u32 v40, v16;
	[tilespmem:$0xC2B0] =	vst v13  }
0x18a: {  	v60 =	vshll.u32 v50, $0x8;
	v14 =	vor.u32 v39, v58;
	[tilespmem:$0xC2A0] =	vst v56  }
0x18b: {  	v15 =	vshll.u32 v46, $0x8;
	v12 =	vor.u32 v32, v60;
	[tilespmem:$0xC280] =	vst v14  }
0x18c: {  	v61 =	vshll.u32 v53, $0x8;
	v62 =	vor.u32 v31, v15;
	[tilespmem:$0xC2F0] =	vst v12  }
0x18d: {  	v63 =	vshll.u32 v55, $0x8;
	v14 =	vor.u32 v54, v61;
	[tilespmem:$0xC290] =	vst v62  }
0x18e: {  	v13 =	vor.u32 v57, v63;
	[tilespmem:$0xC2C0] =	vst v14  }
0x18f: {  	[tilespmem:$0xC2E0] =	vst v13  }
0x190: {  	[spmem:s4] =	stream.indirect.scatter.add.f32 [tilespmem:s14], [sflag:$0x3], $0x1, s13, s0, $0xb8;
	[tilespmem:$0x1D380] =	vst v63  }
0x191: {  	_ =	swait.ge [sflag:s29], $0x80  }
0x192: {  	[sflag:s29] =	ssyncset.done $0x0  }
0x193: {  	[sflag:s29] =	ssyncadd.s32 $0xFFFFFF80  }
.LBB2_13:
0x194: {  	_ =	swait.ge [sflag:s15], $0x4000  }
0x195: {  	[sflag:s15] =	ssyncset.done $0x0  }
0x196: {  	s17 =	simm.s32 $0xF0;
	[sflag:s15] =	ssyncadd.s32 $0xFFFFC000  }
0x197: {  	v12 =	vld [tilespmem:s17+$0xFFFFFFF0]  }
0x198: {  	v13 =	vld [tilespmem:s17+$0x0]  }
0x199: {  	v14 =	vld [tilespmem:s17+$0xFFFFFFB0]  }
0x19a: {  	v15 =	vld [tilespmem:s17+$0xFFFFFF90]  }
0x19b: {  	v16 =	vld [tilespmem:s17+$0xFFFFFFC0]  }
0x19c: {  	v17 =	vld [tilespmem:s17+$0xFFFFFFA0]  }
0x19d: {  	v18 =	vld [tilespmem:s17+$0xFFFFFFD0]  }
0x19e: {  	v19 =	vimm.s32 $0x0;
	s22 =	simm.s32 $0x60;
	s21 =	simm.s32 $0x0  }
0x19f: {  	v29 =	vor.u32 s22, v2;
	v60 =	vor.u32 s21, v2;
	vm6 =	veq.s32 v12, $0xA  }
0x1a0: {  	vm4 =	veq.s32 v14, $0xA;
	vm0 =	veq.s32 v13, $0xA;
	vm1 =	veq.s32 v15, $0xA  }
0x1a1: {  	v12 =	vld [tilespmem:s17+$0xFFFFFFE0];
	vm3 =	veq.s32 v16, $0xA;
	vm2 =	veq.s32 v17, $0xA;
	v13 =	vsel vm6, $0x1, v4  }
0x1a2: {  	vm5 =	veq.s32 v18, $0xA;
	v14 =	vsel vm4, $0x1, v4;
	v20 =	vmpcnt.ones.xlane vm4;
	(xrf0) =	vadd.scan.msk.s32 $0xffff, v13  }
0x1a3: {  	v15 =	vsel vm0, $0x1, v4;
	v16 =	vmpcnt.ones.xlane vm2;
	v13 =	vmpcnt.ones.xlane vm1;
	(xrf0) =	vadd.scan.msk.s32 $0xffff, v14  }
0x1a4: {  	s17 =	simm.s32 $0x1F0;
	v17 =	vmpcnt.ones.xlane vm5;
	v21 =	vmpcnt.ones.xlane vm6;
	v14 =	vsel vm3, $0x1, v4  }
0x1a5: {  	v23 =	vsel vm2, $0x1, v4;
	v24 =	vld [tilespmem:s17+$0x0];
	(xrf0) =	vadd.scan.msk.s32 $0xffff, v14;
	v14 =	vadd.s32 v19, v13;
	v13 =	vsel vm5, $0x1, v4  }
0x1a6: {  	v28 =	vld [tilespmem:s17+$0xFFFFFF90];
	vm10 =	veq.s32 v12, $0xA;
	(xrf0) =	vadd.scan.msk.s32 $0xffff, v15;
	v12 =	vmpcnt.ones.xlane vm3;
	v15 =	vadd.s32 v14, v16  }
0x1a7: {  	vm11 =	vmmov vm1;
	v16 =	vsel vm10, $0x1, v4;
	(xrf0) =	vadd.scan.msk.s32 $0xffff, v13;
	v13 =	vadd.s32 v15, v20  }
0x1a8: {  	v20 =	vsel vm1, $0x1, v4;
	(xrf0) =	vadd.scan.msk.s32 $0xffff, v16;
	v16 =	vmpcnt.ones.xlane vm10;
	v12 =	vadd.s32 v13, v12;
	v18, _, _ =	vpop (xrf0)  }
0x1a9: {  	vm12 =	vmmov vm2;
	v26 =	vld [tilespmem:s17+$0xFFFFFFA0];
	v17 =	vadd.s32 v12, v17;
	v22, _, _ =	vpop (xrf0);
	(xrf0) =	vadd.scan.msk.s32 $0xffff, v20;
	v20 =	vmpcnt.ones.xlane vm0  }
0x1aa: {  	vm1 =	vmmov vm5;
	vm5 =	veq.s32 v24, $0xA;
	v16 =	vadd.s32 v17, v16  }
0x1ab: {  	vm8 =	veq.s32 v28, $0xA;
	v15 =	vadd.s32 v22, v15;
	v22, _, _ =	vpop (xrf0);
	(xrf0) =	vadd.scan.msk.s32 $0xffff, v23;
	v18 =	vadd.s32 v18, v16  }
0x1ac: {  	v16 =	vadd.s32 v16, v21;
	v13 =	vadd.s32 v22, v13;
	v21, _, _ =	vpop (xrf0);
	v18 =	vadd.s32 $0xFFFFFFFF, v18  }
0x1ad: {  	v22 =	vadd.s32 $0xFFFFFFFF, v13;
	v21 =	vadd.s32 v21, v16;
	v13 =	vadd.s32 v16, v20;
	v16 =	vld [tilespmem:s17+$0xFFFFFFF0];
	v20, _, _ =	vpop (xrf0)  }
0x1ae: {  	v31 =	vld [tilespmem:s17+$0xFFFFFFC0];
	vm7 =	veq.s32 v26, $0xA;
	v26 =	vsel vm5, $0x1, v4;
	v23 =	vadd.s32 $0xFFFFFFFF, v15;
	v15, _, _ =	vpop (xrf0)  }
0x1af: {  	v62 =	vmpcnt.ones.xlane vm5;
	v63 =	vsel vm7, $0x1, v4;
	v15 =	vadd.s32 v15, v17;
	v17 =	vld [tilespmem:s17+$0xFFFFFFB0]  }
0x1b0: {  	s18 =	simm.s32 $0x30;
	vm0 =	vmmov vm0;
	v12 =	vadd.s32 v20, v12;
	v20 =	vadd.s32 $0xFFFFFFFF, v21;
	v27, _, _ =	vpop (xrf0)  }
0x1b1: {  	v21 =	vsel vm8, $0x1, v4;
	v25 =	vadd.s32 $0xFFFFFFFF, v15;
	v15 =	vor.u32 s18, v2;
	v30, _, _ =	vpop (xrf0)  }
0x1b2: {  	s19 =	simm.s32 $0x20;
	v19 =	vadd.s32 v27, v19;
	[tilespmem:v18+s31+$0x0] =	vst.idx.msk vm6, v29;
	v14 =	vadd.s32 v30, v14;
	vm2 =	veq.s32 v16, $0xA;
	v16 =	vld [tilespmem:s17+$0xFFFFFFD0]  }
0x1b3: {  	v27 =	vor.u32 s19, v2;
	[tilespmem:v22+s31+$0x0] =	vst.idx.msk vm3, v15;
	v22 =	vld [tilespmem:s17+$0xFFFFFFE0];
	v24 =	vadd.s32 $0xFFFFFFFF, v14;
	v14 =	vsel vm2, $0x1, v4  }
0x1b4: {  	s23 =	simm.s32 $0x50;
	s20 =	simm.s32 $0x70;
	vm6 =	veq.s32 v31, $0xA;
	v32 =	vadd.s32 $0xFFFFFFFF, v19;
	(xrf0) =	vadd.scan.msk.s32 $0xffff, v14;
	vm3 =	veq.s32 v17, $0xA  }
0x1b5: {  	v19 =	vor.u32 s23, v2;
	v15 =	vor.u32 s20, v2;
	v17 =	vsel vm3, $0x1, v4  }
0x1b6: {  	[tilespmem:v23+s31+$0x0] =	vst.idx.msk vm4, v27;
	v27 =	vsel vm6, $0x1, v4;
	v14 =	vmpcnt.ones.xlane vm8;
	(xrf0) =	vadd.scan.msk.s32 $0xffff, v17  }
0x1b7: {  	v18 =	vmpcnt.ones.xlane vm3;
	v17 =	vmpcnt.ones.xlane vm7;
	vm9 =	veq.s32 v16, $0xA;
	(xrf0) =	vadd.scan.msk.s32 $0xffff, v27  }
0x1b8: {  	v16 =	vadd.s32 v13, v14;
	vm4 =	veq.s32 v22, $0xA;
	v22 =	vsel vm9, $0x1, v4;
	(xrf0) =	vadd.scan.msk.s32 $0xffff, v26  }
0x1b9: {  	v14 =	vmpcnt.ones.xlane vm6;
	v17 =	vadd.s32 v16, v17;
	v26 =	vsel vm4, $0x1, v4;
	(xrf0) =	vadd.scan.msk.s32 $0xffff, v22  }
0x1ba: {  	s22 =	simm.s32 $0x10;
	[tilespmem:v25+s31+$0x0] =	vst.idx.msk vm10, v19;
	v18 =	vadd.s32 v17, v18;
	v22 =	vmpcnt.ones.xlane vm9;
	v25, _, _ =	vpop (xrf0);
	(xrf0) =	vadd.scan.msk.s32 $0xffff, v26  }
0x1bb: {  	v23 =	vor.u32 s22, v2;
	v61 =	vmpcnt.ones.xlane vm4;
	v14 =	vadd.s32 v18, v14  }
0x1bc: {  	s23 =	simm.s32 $0x40;
	v19 =	vadd.s32 $0xFFFFFFFF, v12;
	v27 =	vmpcnt.ones.xlane vm2;
	[tilespmem:v24+s31+$0x0] =	vst.idx.msk vm12, v23;
	v22 =	vadd.s32 v14, v22;
	v12, _, _ =	vpop (xrf0)  }
0x1bd: {  	v23 =	vor.u32 s23, v2;
	(xrf0) =	vadd.scan.msk.s32 $0xffff, v21;
	v24 =	vadd.s32 v12, v17;
	v12 =	vadd.s32 v22, v61;
	v17, _, _ =	vpop (xrf0)  }
0x1be: {  	(xrf0) =	vadd.scan.msk.s32 $0xffff, v63;
	v17 =	vadd.s32 v17, v18;
	v25 =	vadd.s32 v25, v12;
	v12 =	vadd.s32 v12, v27;
	v18, _, _ =	vpop (xrf0)  }
0x1bf: {  	s18 =	simm.s32 $0x100;
	s19 =	simm.s32 $0x2F0;
	s17 =	simm.s32 $0x80;
	[tilespmem:v32+s31+$0x0] =	vst.idx.msk vm11, v60;
	v21 =	vadd.s32 $0xFFFFFFFF, v17;
	v17 =	vadd.s32 v18, v12;
	v12 =	vadd.s32 v12, v62;
	v18, _, _ =	vpop (xrf0)  }
.LBB2_14:
0x1c0: {  	v26 =	vld [tilespmem:s19+$0xFFFFFFF0];
	p0 =	slt.u32 s18, $0x3F80;
	v24 =	vadd.s32 $0xFFFFFFFF, v24;
	v25 =	vadd.s32 $0xFFFFFFFF, v25;
	v27, _, _ =	vpop (xrf0);
	[tilespmem:v20+s31+$0x0] =	vst.idx.msk vm0, v15;
	vm0 =	vmmov vm5;
	s20 =	smov.u32 s18;
	s18 =	sadd.s32 $0x80, s18  }
0x1c1: {  	vm10 =	vmmov vm8;
	vm11 =	vmmov vm7;
	v15 =	vld [tilespmem:s19+$0x0];
	v20 =	vadd.s32 v27, v22;
	[tilespmem:v19+s31+$0x0] =	vst.idx.msk vm1, v23  }
0x1c2: {  	s21 =	sadd.s32 $0x30, s17;
	vm1 =	vmmov vm9;
	v19 =	vld [tilespmem:s19+$0xFFFFFFB0];
	v20 =	vadd.s32 $0xFFFFFFFF, v20  }
0x1c3: {  	s22 =	sadd.s32 $0x20, s17;
	v29 =	vor.u32 s21, v2;
	s21 =	sadd.s32 $0x60, s17;
	v22 =	vld [tilespmem:s19+$0xFFFFFFA0];
	v27, _, _ =	vpop (xrf0)  }
0x1c4: {  	v28 =	vld [tilespmem:s19+$0xFFFFFF90];
	v31 =	vadd.s32 v27, v13;
	v27 =	vor.u32 s22, v2;
	[tilespmem:v21+s31+$0x0] =	vst.idx.msk vm6, v29;
	s22 =	sadd.s32 $0x50, s17;
	v21 =	vor.u32 s21, v2;
	v23, _, _ =	vpop (xrf0)  }
0x1c5: {  	v13 =	vmovc v12;
	v29 =	vld [tilespmem:s19+$0xFFFFFFC0];
	v30 =	vadd.s32 $0xFFFFFFFF, v31;
	v16 =	vadd.s32 v23, v16;
	v23 =	vor.u32 s22, v2;
	[tilespmem:v25+s31+$0x0] =	vst.idx.msk vm2, v21  }
0x1c6: {  	s21 =	sadd.s32 $0x70, s17;
	vm2 =	veq.s32 v26, $0xA;
	v21 =	vld [tilespmem:s19+$0xFFFFFFD0];
	vm5 =	veq.s32 v15, $0xA;
	v16 =	vadd.s32 $0xFFFFFFFF, v16;
	[tilespmem:v24+s31+$0x0] =	vst.idx.msk vm3, v27  }
0x1c7: {  	v15 =	vor.u32 s21, v2;
	vm3 =	veq.s32 v19, $0xA;
	v19 =	vsel vm2, $0x1, v4;
	[tilespmem:v20+s31+$0x0] =	vst.idx.msk vm4, v23  }
0x1c8: {  	v25 =	vor.u32 s17, v2;
	s21 =	sadd.s32 $0x10, s17;
	v20 =	vsel vm3, $0x1, v4;
	v23 =	vmpcnt.ones.xlane vm3;
	v24 =	vld [tilespmem:s19+$0xFFFFFFE0]  }
0x1c9: {  	vm7 =	veq.s32 v22, $0xA;
	vm8 =	veq.s32 v28, $0xA;
	(xrf0) =	vadd.scan.msk.s32 $0xffff, v19;
	v19 =	vor.u32 s21, v2  }
0x1ca: {  	v26 =	vsel vm5, $0x1, v4;
	v22 =	vmpcnt.ones.xlane vm8;
	vm6 =	veq.s32 v29, $0xA;
	(xrf0) =	vadd.scan.msk.s32 $0xffff, v20  }
0x1cb: {  	v20 =	vmpcnt.ones.xlane vm7;
	v27 =	vsel vm6, $0x1, v4;
	vm9 =	veq.s32 v21, $0xA;
	[tilespmem:v16+s31+$0x0] =	vst.idx.msk vm11, v19  }
0x1cc: {  	v21 =	vmpcnt.ones.xlane vm2;
	v16 =	vadd.s32 v12, v22;
	v12 =	vmpcnt.ones.xlane vm6;
	(xrf0) =	vadd.scan.msk.s32 $0xffff, v27  }
0x1cd: {  	v19 =	vsel vm9, $0x1, v4;
	v27 =	vadd.s32 v16, v20;
	vm4 =	veq.s32 v24, $0xA;
	(xrf0) =	vadd.scan.msk.s32 $0xffff, v26  }
0x1ce: {  	v26 =	vadd.s32 v27, v23;
	v20 =	vsel vm4, $0x1, v4;
	v23 =	vmpcnt.ones.xlane vm4;
	(xrf0) =	vadd.scan.msk.s32 $0xffff, v19  }
0x1cf: {  	v18 =	vadd.s32 v18, v14;
	v22 =	vmpcnt.ones.xlane vm9;
	(xrf0) =	vadd.scan.msk.s32 $0xffff, v20;
	v28, _, _ =	vpop (xrf0);
	v14 =	vadd.s32 v26, v12  }
.Ltmp9:
0x1d0: {  	v19 =	vadd.s32 $0xFFFFFFFF, v18;
	v12 =	vmpcnt.ones.xlane vm5;
	v20 =	vadd.s32 $0xFFFFFFFF, v17;
	v24, _, _ =	vpop (xrf0);
	[tilespmem:v30+s31+$0x0] =	vst.idx.msk vm10, v25;
	(pc) =	sbr.rel @p0 .LBB2_14-.Ltmp9, $4  }
0x1d1: {  	s21 =	sadd.s32 $0x40, s17;
	s17 =	smov.u32 s20;
	v29 =	vsel vm7, $0x1, v4;
	v25 =	vsel vm8, $0x1, v4;
	v22 =	vadd.s32 v14, v22  }
0x1d2: {  	v24 =	vadd.s32 v24, v27;
	v27 =	vadd.s32 v22, v23;
	v23 =	vor.u32 s21, v2;
	(xrf0) =	vadd.scan.msk.s32 $0xffff, v25;
	v17, _, _ =	vpop (xrf0)  }
0x1d3: {  	v25 =	vadd.s32 v28, v27;
	v17 =	vadd.s32 v17, v26;
	v26 =	vadd.s32 v27, v21;
	(xrf0) =	vadd.scan.msk.s32 $0xffff, v29;
	v18, _, _ =	vpop (xrf0)  }
0x1d4: {  	s19 =	sadd.s32 $0x100, s19;
	v21 =	vadd.s32 $0xFFFFFFFF, v17;
	v17 =	vadd.s32 v18, v26;
	v12 =	vadd.s32 v26, v12;
	v18, _, _ =	vpop (xrf0)  }
0x1d5: {  	v26 =	vxor.u32 $0x80000000, v12  }
0x1d6: {  	(xrf0) =	vmax.scan.msk.u32 $0xffff, v26;
	_ =	sdelay $0x2  }
0x1d7: {  	v53, _, _ =	vpop (xrf0)  }
0x1d8: {  	v27, _, _ =	vpop (xrf0)  }
0x1d9: {  	v28, _, _ =	vpop (xrf0)  }
0x1da: {  	v29, _, _ =	vpop (xrf0)  }
0x1db: {  	(v2sf) =	vpush v29, $0xF;
	_ =	sdelay $0x3  }
0x1dc: {  	v25 =	vadd.s32 $0xFFFFFFFF, v25  }
0x1dd: {  	v24 =	vadd.s32 $0xFFFFFFFF, v24;
	v22 =	vadd.s32 v53, v22  }
0x1de: {  	vm8 =	vmmov vm8;
	[tilespmem:v20+s31+$0x0] =	vst.idx.msk vm0, v15;
	s18 =	sadd.s32 $0x30, s17;
	v15 =	vadd.s32 $0xFFFFFFFF, v22;
	v16 =	vadd.s32 v28, v16  }
0x1df: {  	[tilespmem:v19+s31+$0x0] =	vst.idx.msk vm1, v23;
	s23 =	sadd.s32 $0x60, s17;
	v54 =	vor.u32 s18, v2;
	v13 =	vadd.s32 v27, v13;
	v16 =	vadd.s32 $0xFFFFFFFF, v16  }
0x1e0: {  	vm5 =	vmmov vm5;
	s19 =	sadd.s32 $0x20, s17;
	v55 =	vor.u32 s23, v2;
	[tilespmem:v21+s31+$0x0] =	vst.idx.msk vm6, v54;
	v13 =	vadd.s32 $0xFFFFFFFF, v13  }
0x1e1: {  	v14 =	vadd.s32 v18, v14;
	v17 =	vadd.s32 $0xFFFFFFFF, v17;
	v56 =	vor.u32 s19, v2;
	s19 =	sadd.s32 $0x50, s17;
	[tilespmem:v25+s31+$0x0] =	vst.idx.msk vm2, v55  }
0x1e2: {  	s20 =	sadd.s32 $0x10, s17;
	v14 =	vadd.s32 $0xFFFFFFFF, v14;
	v57 =	vor.u32 s19, v2;
	[tilespmem:v24+s31+$0x0] =	vst.idx.msk vm3, v56  }
0x1e3: {  	v58 =	vadd.s32 v2, v12;
	[tilespmem:v15+s31+$0x0] =	vst.idx.msk vm4, v57;
	v15 =	vor.u32 s20, v2  }
0x1e4: {  	s21 =	sadd.s32 $0x70, s17;
	v59 =	vor.u32 s17, v2;
	[tilespmem:v16+s31+$0x0] =	vst.idx.msk vm7, v15;
	v15 =	vadd.s32 v5, v12  }
0x1e5: {  	s22 =	sadd.s32 $0x40, s17;
	v60 =	vor.u32 s21, v2;
	[tilespmem:v13+s31+$0x0] =	vst.idx.msk vm8, v59;
	v13 =	vadd.s32 v6, v12  }
0x1e6: {  	v62 =	vadd.s32 v7, v12;
	v61 =	vor.u32 s22, v2;
	[tilespmem:v17+s31+$0x0] =	vst.idx.msk vm5, v60  }
0x1e7: {  	[tilespmem:v14+s31+$0x0] =	vst.idx.msk vm9, v61;
	v14 =	vadd.s32 v8, v12;
	s23 =	spop (v2sf)  }
0x1e8: {  	v63 =	vadd.s32 v9, v12;
	[tilespmem:v58+s31+$0x0] =	vst.idx.msk $0xffff, v4;
	s17 =	sadd.s32 $0x8000007F, s23  }
0x1e9: {  	[tilespmem:v15+s31+$0x0] =	vst.idx.msk $0xffff, v4;
	v15 =	vadd.s32 v10, v12;
	s19 =	sshra.s32 s17, $0x7  }
0x1ea: {  	[tilespmem:v13+s31+$0x0] =	vst.idx.msk $0xffff, v4;
	v13 =	vadd.s32 v11, v12;
	p0 =	slt.s32 s19, $0x1  }
.Ltmp10:
0x1eb: {  	[tilespmem:v62+s31+$0x0] =	vst.idx.msk $0xffff, v4;
	(pc) =	sbr.rel @p0 .LBB2_19-.Ltmp10, $4  }
0x1ec: {  	[tilespmem:v14+s31+$0x0] =	vst.idx.msk $0xffff, v4  }
0x1ed: {  	[tilespmem:v63+s31+$0x0] =	vst.idx.msk $0xffff, v4  }
0x1ee: {  	[tilespmem:v15+s31+$0x0] =	vst.idx.msk $0xffff, v4  }
0x1ef: {  	vm14 =	vmmov vm7;
	vm15 =	vmmov vm9;
	[tilespmem:v13+s31+$0x0] =	vst.idx.msk $0xffff, v4  }
0x1f0: {  	s17 =	simm.s32 $0x8040  }
0x1f1: {  	v13 =	vld [tilespmem:s17+$0xFFFFFFC0];
	_ =	sdelay $0x4  }
0x1f2: {  	v13 =	vadd.s32 v1, v13  }
0x1f3: {  	[tilespmem:$0xC080] =	vst v13  }
0x1f4: {  	v13 =	vld [tilespmem:s17+$0xFFFFFFD0];
	_ =	sdelay $0x4  }
0x1f5: {  	v13 =	vadd.s32 v1, v13  }
0x1f6: {  	[tilespmem:$0xC090] =	vst v13  }
0x1f7: {  	v13 =	vld [tilespmem:s17+$0xFFFFFFE0];
	_ =	sdelay $0x4  }
0x1f8: {  	v13 =	vadd.s32 v1, v13  }
0x1f9: {  	[tilespmem:$0xC0A0] =	vst v13  }
0x1fa: {  	v13 =	vld [tilespmem:s17+$0xFFFFFFF0];
	_ =	sdelay $0x4  }
0x1fb: {  	v13 =	vadd.s32 v1, v13  }
0x1fc: {  	[tilespmem:$0xC0B0] =	vst v13  }
0x1fd: {  	v13 =	vld [tilespmem:s17+$0x0];
	_ =	sdelay $0x4  }
0x1fe: {  	v13 =	vadd.s32 v1, v13  }
0x1ff: {  	[tilespmem:$0xC0C0] =	vst v13  }
0x200: {  	v13 =	vld [tilespmem:s17+$0x10];
	_ =	sdelay $0x4  }
0x201: {  	v13 =	vadd.s32 v1, v13  }
0x202: {  	[tilespmem:$0xC0D0] =	vst v13  }
0x203: {  	v13 =	vld [tilespmem:s17+$0x20];
	_ =	sdelay $0x4  }
0x204: {  	v13 =	vadd.s32 v1, v13  }
0x205: {  	[tilespmem:$0xC0E0] =	vst v13  }
0x206: {  	v13 =	vld [tilespmem:s17+$0x30];
	_ =	sdelay $0x4  }
0x207: {  	v13 =	vadd.s32 v1, v13  }
0x208: {  	[tilespmem:$0xC0F0] =	vst v13  }
0x209: {  	[tilespmem:s10], [sflag:$0x2] =	stream.indirect.gather [hbm4b:s1+s0], $0x1, s5, s0, $0xb8;
	[tilespmem:$0x1D380] =	vst v63  }
0x20a: {  	_ = 	snop  }
0x20b: {  	[tilespmem:s11], [sflag:$0x2] =	stream.indirect.gather [hbm4b:s2+s0], $0x1, s5, s0, $0xb8;
	[tilespmem:$0x1D380] =	vst v63  }
0x20c: {  	p0 =	sne.s32 s19, $0x1  }
0x20d: {  	[tilespmem:s12], [sflag:$0x2] =	stream.indirect.gather [hbm4b:s3+s0], $0x1, s5, s0, $0xb8;
	[tilespmem:$0x1D380] =	vst v63  }
.Ltmp11:
0x20e: {  	s18 =	simm.s32 $0x0;
	s20 =	simm.s32 $0x50;
	(pc) =	sbr.rel @!p0 .LBB2_18-.Ltmp11, $4  }
0x20f: {  	s21 =	simm.s32 $0x60;
	s22 =	simm.s32 $0x10;
	_ =	swait.ge [sflag:s15], $0x80  }
0x210: {  	s23 =	simm.s32 $0x30;
	v20 =	vor.u32 s20, v2;
	s20 =	simm.s32 $0x40;
	v17 =	vor.u32 s21, v2;
	[sflag:s15] =	ssyncset.done $0x0  }
0x211: {  	s21 =	simm.s32 $0x70;
	v19 =	vor.u32 s22, v2;
	v18 =	vor.u32 s23, v2;
	s23 =	simm.s32 $0x20;
	v16 =	vor.u32 s20, v2;
	[sflag:s15] =	ssyncadd.s32 $0xFFFFFF80  }
0x212: {  	s19 =	sadd.s32 $0xFFFFFFFF, s19;
	v15 =	vor.u32 s21, v2;
	v14 =	vor.u32 s23, v2;
	v13 =	vor.u32 s18, v2;
	_ =	swait.ge [sflag:s15], $0x80  }
.LBB2_17:
0x213: {  	[sflag:s15] =	ssyncset.done $0x0;
	s18 =	sadd.s32 $0x80, s18;
	s17 =	sadd.s32 $0x80, s17  }
0x214: {  	p0 =	sne.s32 s19, $0x1;
	s19 =	sadd.s32 $0xFFFFFFFF, s19;
	v21 =	vor.u32 s18, v2;
	[sflag:s15] =	ssyncadd.s32 $0xFFFFFF80  }
0x215: {  	s20 =	sadd.s32 $0x50, s18;
	s21 =	sadd.s32 $0x60, s18;
	_ =	swait.ge [sflag:s15], $0x80  }
0x216: {  	s22 =	sadd.s32 $0x10, s18;
	s23 =	sadd.s32 $0x30, s18;
	v22 =	vor.u32 s20, v2;
	v23 =	vor.u32 s21, v2;
	[sflag:s15] =	ssyncset.done $0x0  }
0x217: {  	s20 =	sadd.s32 $0x40, s18;
	s21 =	sadd.s32 $0x70, s18;
	v24 =	vor.u32 s22, v2;
	v25 =	vor.u32 s23, v2;
	[sflag:s15] =	ssyncadd.s32 $0xFFFFFF80  }
0x218: {  	s22 =	sadd.s32 $0x20, s18;
	v26 =	vor.u32 s20, v2;
	v27 =	vor.u32 s21, v2;
	v28 =	vld [tilespmem:$0xC270]  }
0x219: {  	v29 =	vor.u32 s22, v2;
	v30 =	vld [tilespmem:$0xC240]  }
0x21a: {  	v31 =	vld [tilespmem:$0xC260]  }
0x21b: {  	v32 =	vld [tilespmem:$0xC220]  }
0x21c: {  	v33 =	vld [tilespmem:$0xC250]  }
0x21d: {  	v34 =	vld [tilespmem:$0xC200]  }
0x21e: {  	v35 =	vld [tilespmem:$0xC230]  }
0x21f: {  	v36 =	vld [tilespmem:$0xC210]  }
0x220: {  	vm0 =	vlt.s32 v20, v12;
	v20 =	vmov v22;
	v37 =	vld [tilespmem:$0xC1E0]  }
0x221: {  	v22 =	vld [tilespmem:$0xC1B0];
	v33 =	vnsel vm0, $0x0, v33;
	vm0 =	vlt.s32 v17, v12;
	v17 =	vmov v23  }
0x222: {  	vm1 =	vlt.s32 v18, v12;
	v18 =	vmov v25;
	v23 =	vld [tilespmem:$0xC1D0];
	[tilespmem:$0xC350] =	vst v33;
	v31 =	vnsel vm0, $0x0, v31  }
0x223: {  	vm0 =	vlt.s32 v19, v12;
	v19 =	vmov v24;
	v25 =	vld [tilespmem:$0xC190];
	v33 =	vnsel vm1, $0x0, v35  }
0x224: {  	v24 =	vnsel vm0, $0x0, v36;
	[tilespmem:$0xC360] =	vst v31;
	v31 =	vld [tilespmem:$0xC1F0]  }
0x225: {  	[tilespmem:$0xC310] =	vst v24;
	v24 =	vld [tilespmem:$0xC150]  }
0x226: {  	vm0 =	vlt.s32 v16, v12;
	v16 =	vmov v26;
	v35 =	vld [tilespmem:$0xC180];
	[tilespmem:$0xC330] =	vst v33  }
0x227: {  	v30 =	vnsel vm0, $0x0, v30;
	v26 =	vld [tilespmem:$0xC1A0]  }
0x228: {  	v33 =	vld [tilespmem:$0xC130];
	[tilespmem:$0xC340] =	vst v30  }
0x229: {  	vm0 =	vlt.s32 v15, v12;
	v15 =	vmov v27;
	v30 =	vld [tilespmem:$0xC120]  }
0x22a: {  	v28 =	vnsel vm0, $0x0, v28;
	v27 =	vld [tilespmem:$0xC110];
	v24 =	vshll.u32 v24, $0x8  }
0x22b: {  	v23 =	vor.u32 v23, v24;
	v24 =	vld [tilespmem:$0xC170];
	[tilespmem:$0xC370] =	vst v28  }
0x22c: {  	v28 =	vld [tilespmem:$0xC100];
	[tilespmem:$0xC2D0] =	vst v23  }
0x22d: {  	vm0 =	vlt.s32 v13, v12;
	v13 =	vmov v21;
	v23 =	vshll.u32 v33, $0x8;
	v33 =	vld [tilespmem:$0xC160]  }
0x22e: {  	v21 =	vnsel vm0, $0x0, v34;
	v30 =	vshll.u32 v30, $0x8;
	v34 =	vld [tilespmem:$0xC140]  }
0x22f: {  	v22 =	vor.u32 v22, v23;
	[tilespmem:$0xC300] =	vst v21;
	v21 =	vshll.u32 v27, $0x8;
	v23 =	vld [tilespmem:$0xC1C0]  }
0x230: {  	vm0 =	vlt.s32 v14, v12;
	v26 =	vor.u32 v26, v30;
	v21 =	vor.u32 v25, v21;
	[tilespmem:$0xC2B0] =	vst v22  }
0x231: {  	v14 =	vmovc v29;
	v25 =	vnsel vm0, $0x0, v32;
	v24 =	vshll.u32 v24, $0x8;
	v22 =	vshll.u32 v28, $0x8;
	[tilespmem:$0xC2A0] =	vst v26  }
0x232: {  	v22 =	vor.u32 v35, v22;
	[tilespmem:$0xC320] =	vst v25;
	v25 =	vshll.u32 v33, $0x8  }
0x233: {  	v24 =	vor.u32 v31, v24;
	[tilespmem:$0xC280] =	vst v22;
	v22 =	vshll.u32 v34, $0x8;
	v25 =	vor.u32 v37, v25  }
0x234: {  	v22 =	vor.u32 v23, v22;
	[tilespmem:$0xC2F0] =	vst v24  }
0x235: {  	[tilespmem:$0xC2C0] =	vst v22  }
0x236: {  	[tilespmem:$0xC290] =	vst v21  }
0x237: {  	[tilespmem:$0xC2E0] =	vst v25  }
0x238: {  	[spmem:s4] =	stream.indirect.scatter.add.f32 [tilespmem:s14], [sflag:$0x3], $0x1, s13, s0, $0xb8;
	[tilespmem:$0x1D380] =	vst v63  }
0x239: {  	_ =	swait.ge [sflag:s29], $0x80  }
0x23a: {  	[sflag:s29] =	ssyncset.done $0x0  }
0x23b: {  	[sflag:s29] =	ssyncadd.s32 $0xFFFFFF80  }
0x23c: {  	v21 =	vld [tilespmem:s17+$0xFFFFFFC0];
	_ =	sdelay $0x4  }
0x23d: {  	v21 =	vadd.s32 v1, v21  }
0x23e: {  	[tilespmem:$0xC080] =	vst v21  }
0x23f: {  	v21 =	vld [tilespmem:s17+$0xFFFFFFD0];
	_ =	sdelay $0x4  }
0x240: {  	v21 =	vadd.s32 v1, v21  }
0x241: {  	[tilespmem:$0xC090] =	vst v21  }
0x242: {  	v21 =	vld [tilespmem:s17+$0xFFFFFFE0];
	_ =	sdelay $0x4  }
0x243: {  	v21 =	vadd.s32 v1, v21  }
0x244: {  	[tilespmem:$0xC0A0] =	vst v21  }
0x245: {  	v21 =	vld [tilespmem:s17+$0xFFFFFFF0];
	_ =	sdelay $0x4  }
0x246: {  	v21 =	vadd.s32 v1, v21  }
0x247: {  	[tilespmem:$0xC0B0] =	vst v21  }
0x248: {  	v21 =	vld [tilespmem:s17+$0x0];
	_ =	sdelay $0x4  }
0x249: {  	v21 =	vadd.s32 v1, v21  }
0x24a: {  	[tilespmem:$0xC0C0] =	vst v21  }
0x24b: {  	v21 =	vld [tilespmem:s17+$0x10];
	_ =	sdelay $0x4  }
0x24c: {  	v21 =	vadd.s32 v1, v21  }
0x24d: {  	[tilespmem:$0xC0D0] =	vst v21  }
0x24e: {  	v21 =	vld [tilespmem:s17+$0x20];
	_ =	sdelay $0x4  }
0x24f: {  	v21 =	vadd.s32 v1, v21  }
0x250: {  	[tilespmem:$0xC0E0] =	vst v21  }
0x251: {  	v21 =	vld [tilespmem:s17+$0x30];
	_ =	sdelay $0x4  }
0x252: {  	v21 =	vadd.s32 v1, v21  }
0x253: {  	[tilespmem:$0xC0F0] =	vst v21  }
0x254: {  	[tilespmem:s10], [sflag:$0x2] =	stream.indirect.gather [hbm4b:s1+s0], $0x1, s5, s0, $0xb8;
	[tilespmem:$0x1D380] =	vst v63  }
0x255: {  	_ = 	snop  }
0x256: {  	[tilespmem:s11], [sflag:$0x2] =	stream.indirect.gather [hbm4b:s2+s0], $0x1, s5, s0, $0xb8;
	[tilespmem:$0x1D380] =	vst v63  }
0x257: {  	_ = 	snop  }
0x258: {  	[tilespmem:s12], [sflag:$0x2] =	stream.indirect.gather [hbm4b:s3+s0], $0x1, s5, s0, $0xb8;
	[tilespmem:$0x1D380] =	vst v63  }
.Ltmp12:
0x259: {  	_ = 	snop;
	(pc) =	sbr.rel @p0 .LBB2_17-.Ltmp12, $4  }
0x25a: {  	_ =	swait.ge [sflag:s15], $0x80  }
0x25b: {  	[sflag:s15] =	ssyncset.done $0x0  }
0x25c: {  	[sflag:s15] =	ssyncadd.s32 $0xFFFFFF80  }
0x25d: {  	_ =	swait.ge [sflag:s15], $0x80  }
.Ltmp13:
0x25e: {  	_ = 	snop;
	(pc) =	sbr.rel .LBB2_18-.Ltmp13, $1  }
0x25f: {  	_ =	sdelay $0x3  }
.LBB2_20:
0x260: {  	_ =	sfence.sel $0x180000  }
0x261: {  	[bflag:$0x0] =	sbarrier.arrive $0xFFFF  }
0x262: {  	_ =	strace $0x90000047  }
0x263: {  	s0 =	stileid.u32;
	[bflag:$0x2] =	sbarrier.arrive $0xFFFF  }
0x264: {  	p0 =	sne.s32 s0, $0x0;
	s0 =	rddreg [dreg:$0x6]  }
0x265: {  	s0 =	sadd.s32 @!p0 $0x100000, s0  }
0x266: {  	[sflag:s0] =	ssyncadd.tile.s32 @!p0 $0x1;
	_ =	shalt  }
.Lfunc_end2:
_tile_overlayer_lowered:
.L_overlay_start_2:
0x267: {  	(tag) =	ssettag $0x2  }
0x268: {  	s0 =	rddreg [dreg:$0x0];
	s2 =	stileid.u32  }
0x269: {  	s1 =	rddreg [dreg:$0x1];
	p0 =	sne.s32 s2, $0x0  }
0x26a: {  	s3 =	rddreg [dreg:$0x2];
	[bflag:$0x3] =	sbarrier.arrive $0xFFFF;
	s2 =	simm.s32 @!p0 $0x1C03  }
0x26b: {  	[timem:s3], [sflag:s2] =	dma.local @!p0 [hbm:s0], s1  }
0x26c: {  	s0 =	simm.s32 @!p0 $0x3  }
0x26d: {  	_ =	swait.ge @!p0 [sflag:s0], s1  }
0x26e: {  	s1 =	ssub.s32 @!p0 $0x0, s1;
	[sflag:s0] =	ssyncset.done @!p0 $0x0  }
0x26f: {  	[sflag:s0] =	ssyncadd.s32 @!p0 s1  }
0x270: {  	[bflag:$0x3] =	sbarrier.arrive $0xFFFF  }
0x271: {  	_ =	shalt  }

</sc_bundles>
